<compile_context>
chip_gen: v7x
topology: tpu7x:2x2x1
jax: 0.10.2.dev20260603
libtpu: 0.0.44.dev20260713+nightly
codegen_flags: <defaults>
</compile_context>

<pallas_src>
import functools

import jax
import jax.numpy as jnp
from jax import lax
from jax.experimental import pallas as pl
from jax.experimental.pallas import tpu as pltpu
from jax.experimental.pallas import tpu_sc as plsc

BOHR = 0.52917721092
INV_BOHR = 1.0 / BOHR
N_NODES = 50000
N_EDGES = 1600000

NC = 2
NS = 16
NW = NC * NS
CHUNK_ROWS = 8
ROW = 128
CHUNK = CHUNK_ROWS * ROW
N_CHUNKS = 50
PER_W = CHUNK * N_CHUNKS
E_PAD = PER_W * NW
ROWS_TOTAL = E_PAD // ROW
ROWS_ALLOC = ROWS_TOTAL + 2 * CHUNK_ROWS
ACC_PAD = 50176
SLICE = ACC_PAD // NS


def _zbl_sc_kernel(ztab_hbm, zptab_hbm, coef_hbm, zeros_hbm,
                   src_hbm, dst_hbm, dist_hbm, sw_hbm, srcr_hbm,
                   out_hbm,
                   ztab, zptab, coef,
                   srcb, dstb, distb, swb, vals, sidx, sbuf,
                   acc,
                   sem_in, sem_si, sem_sc):
    cid = lax.axis_index("c")
    sid = lax.axis_index("s")
    wid = sid * NC + cid

    pltpu.sync_copy(ztab_hbm, ztab)
    pltpu.sync_copy(zptab_hbm, zptab)
    pltpu.sync_copy(coef_hbm, coef)

    pltpu.sync_copy(zeros_hbm, sbuf)
    pltpu.sync_copy(sbuf, acc.at[pl.ds(sid * SLICE, SLICE)])
    plsc.subcore_barrier()

    c0 = coef[0, :]
    c1 = coef[1, :]
    c2 = coef[2, :]
    c3 = coef[3, :]
    na0 = coef[4, :]
    na1 = coef[5, :]
    na2 = coef[6, :]
    na3 = coef[7, :]

    row_base = wid * (N_CHUNKS * CHUNK_ROWS)
    elem_base = row_base * ROW

    def fire_inputs(ch, slot):
        es = pl.ds(elem_base + ch * CHUNK, CHUNK)
        pltpu.async_copy(src_hbm.at[es], srcb.at[slot], sem_in.at[slot])
        pltpu.async_copy(dst_hbm.at[es], dstb.at[slot], sem_in.at[slot])
        pltpu.async_copy(dist_hbm.at[es], distb.at[slot], sem_in.at[slot])
        pltpu.async_copy(sw_hbm.at[es], swb.at[slot], sem_in.at[slot])

    def wait_inputs(ch, slot):
        es = pl.ds(elem_base + ch * CHUNK, CHUNK)
        pltpu.make_async_copy(src_hbm.at[es], srcb.at[slot], sem_in.at[slot]).wait()
        pltpu.make_async_copy(dst_hbm.at[es], dstb.at[slot], sem_in.at[slot]).wait()
        pltpu.make_async_copy(dist_hbm.at[es], distb.at[slot], sem_in.at[slot]).wait()
        pltpu.make_async_copy(sw_hbm.at[es], swb.at[slot], sem_in.at[slot]).wait()

    def drain_scatters(slot):
        for j in range(CHUNK_ROWS):
            pltpu.make_async_copy(
                vals.at[slot, pl.ds(j * ROW, ROW)],
                acc.at[sidx.at[slot, j]],
                sem_sc.at[slot, j]).wait()

    def turn(i, ch, slot):
        wait_inputs(ch, slot)

        @pl.when(i > 0)
        def _():
            drain_scatters(slot)

        rs = pl.ds(row_base + ch * CHUNK_ROWS, CHUNK_ROWS)
        sidx_cp = pltpu.async_copy(srcr_hbm.at[rs], sidx.at[slot],
                                   sem_si.at[slot])

        @plsc.parallel_loop(0, CHUNK, 16, unroll=4)
        def _(off):
            sl = pl.ds(off, 16)
            si = srcb[slot, sl]
            di = dstb[slot, sl]
            zi = plsc.load_gather(ztab, [si])
            zj = plsc.load_gather(ztab, [di])
            zpi = plsc.load_gather(zptab, [si])
            zpj = plsc.load_gather(zptab, [di])
            dist = distb[slot, sl]
            x = dist * (zpi + zpj)
            phi = (jnp.exp(na0 * x + c0) + jnp.exp(na1 * x + c1)
                   + jnp.exp(na2 * x + c2) + jnp.exp(na3 * x + c3))
            vals[slot, sl] = zi * zj * phi * swb[slot, sl] / dist

        sidx_cp.wait()
        for j in range(CHUNK_ROWS):
            pltpu.async_copy(vals.at[slot, pl.ds(j * ROW, ROW)],
                             acc.at[sidx.at[slot, j]],
                             sem_sc.at[slot, j], add=True)
        fire_inputs(ch + 2, slot)

    fire_inputs(0, 0)
    fire_inputs(1, 1)

    def pair_body(i, carry):
        ch0 = i * 2
        turn(i, ch0, 0)
        turn(i, ch0 + 1, 1)
        return carry

    lax.fori_loop(0, N_CHUNKS // 2, pair_body, None)

    drain_scatters(0)
    drain_scatters(1)
    wait_inputs(N_CHUNKS, 0)
    wait_inputs(N_CHUNKS + 1, 1)

    plsc.subcore_barrier()
    pltpu.sync_copy(acc.at[pl.ds(sid * SLICE, SLICE)], sbuf)
    pltpu.sync_copy(sbuf,
                    out_hbm.at[pl.ds(cid * ACC_PAD + sid * SLICE, SLICE)])


_zbl_sc = functools.partial(
    pl.kernel,
    out_type=jax.ShapeDtypeStruct((NC * ACC_PAD,), jnp.float32),
    mesh=plsc.VectorSubcoreMesh(core_axis_name="c", subcore_axis_name="s"),
    compiler_params=pltpu.CompilerParams(needs_layout_passes=False),
    scratch_types=[
        pltpu.VMEM((N_NODES,), jnp.float32),
        pltpu.VMEM((N_NODES,), jnp.float32),
        pltpu.VMEM((8, 16), jnp.float32),
        pltpu.VMEM((2, CHUNK), jnp.int32),
        pltpu.VMEM((2, CHUNK), jnp.int32),
        pltpu.VMEM((2, CHUNK), jnp.float32),
        pltpu.VMEM((2, CHUNK), jnp.float32),
        pltpu.VMEM((2, CHUNK), jnp.float32),
        pltpu.VMEM((2, CHUNK_ROWS, ROW), jnp.int32),
        pltpu.VMEM((SLICE,), jnp.float32),
        pltpu.VMEM_SHARED((ACC_PAD,), jnp.float32),
        pltpu.SemaphoreType.DMA((2,)),
        pltpu.SemaphoreType.DMA((2,)),
        pltpu.SemaphoreType.DMA((2, CHUNK_ROWS)),
    ],
)(_zbl_sc_kernel)


def _combine_body(p_ref, o_ref):
    o_ref[...] = p_ref[0] + p_ref[1]


def _combine(partials):
    return pl.pallas_call(
        _combine_body,
        out_shape=jax.ShapeDtypeStruct((ACC_PAD // 128, 128), jnp.float32),
    )(partials.reshape(NC, ACC_PAD // 128, 128))


def kernel(species, edge_src, edge_dst, distances, switch,
           d_param, p_param, cs_param, alphas_param):
    f32 = jnp.float32
    d = jnp.abs(d_param).astype(f32)
    p = jnp.abs(p_param).astype(f32)
    cs = 0.5 * jax.nn.softmax(cs_param.astype(f32))
    alphas = jnp.abs(alphas_param).astype(f32)

    Z = jnp.where(species > 0, species.astype(f32), 0.0)
    Zp = Z ** p / d

    cs_f = jnp.log(cs * BOHR)
    al_f = -alphas * INV_BOHR
    coef = jnp.broadcast_to(
        jnp.concatenate([cs_f, al_f])[:, None], (8, 16)).astype(f32)
    zeros = jnp.zeros((SLICE,), f32)

    pad = ROWS_ALLOC * ROW - N_EDGES
    src = jnp.concatenate(
        [edge_src.astype(jnp.int32), jnp.zeros((pad,), jnp.int32)])
    dst = jnp.concatenate(
        [edge_dst.astype(jnp.int32), jnp.zeros((pad,), jnp.int32)])
    dist = jnp.concatenate(
        [distances.astype(f32), jnp.ones((pad,), f32)])
    sw = jnp.concatenate(
        [switch.astype(f32), jnp.zeros((pad,), f32)])
    src_rows = src.reshape(-1, ROW)

    partials = _zbl_sc(Z, Zp, coef, zeros, src, dst, dist, sw, src_rows)
    summed = _combine(partials)
    return summed.reshape(-1)[:N_NODES]

# --- scband reference (transcript-rebuilt; emitter-appended) ---
"""Pipeline reference for scband-repulsion-zbl-49331994362109 (READ-ONLY COPY).

The authoritative reference and input builder live on the scoring server;
editing this copy changes nothing except your own understanding.
"""

import jax, jax.numpy as jnp
import numpy as np

BOHR = 0.52917721092
N_NODES = 50000
N_EDGES = 1600000


def setup_inputs(seed: int = 0) -> dict:
    key = jax.random.key(seed)
    k1, k2, k3, k4, k5 = jax.random.split(key, 5)
    # atomic numbers in [1, 94] (0 is allowed by the module but excluded to keep
    # d(Z**p)/dp finite; realistic graphs have positive atomic numbers)
    species = jax.random.randint(k1, (N_NODES,), 1, 95, dtype=jnp.int64)
    edge_src = jax.random.randint(k2, (N_EDGES,), 0, N_NODES, dtype=jnp.int64)
    edge_dst = jax.random.randint(k3, (N_EDGES,), 0, N_NODES, dtype=jnp.int64)
    # interatomic distances in Angstrom, strictly positive (rand fill, rescaled)
    distances = jax.random.uniform(k4, (N_EDGES,), dtype=jnp.float32, minval=0.8, maxval=6.0)
    switch = jax.random.uniform(k5, (N_EDGES,), dtype=jnp.float32)
    # trainable parameters (flax self.param defaults)
    d_param = jnp.asarray(0.4685 / BOHR, dtype=jnp.float32)
    p_param = jnp.asarray(0.23, dtype=jnp.float32)
    cs_param = jnp.asarray([0.113, 1.1445, 0.5459, -1.7514], dtype=jnp.float32)
    alphas_param = jnp.asarray([3.1998, 0.94229, 0.4029, 0.20162], dtype=jnp.float32)
    return {
        "species": species,
        "edge_src": edge_src,
        "edge_dst": edge_dst,
        "distances": distances,
        "switch": switch,
        "d_param": d_param,
        "p_param": p_param,
        "cs_param": cs_param,
        "alphas_param": alphas_param,
    }


def reference(species, edge_src, edge_dst, distances, switch, d_param, p_param, cs_param, alphas_param):
    rijs = distances / BOHR
    d = jnp.abs(d_param)
    p = jnp.abs(p_param)
    cs = 0.5 * jax.nn.softmax(cs_param)
    alphas = jnp.abs(alphas_param)
    Z = jnp.where(species > 0, species.astype(rijs.dtype), 0.0)
    Zi = Z[edge_src]
    Zj = Z[edge_dst]
    Zp = Z ** p / d
    x = rijs * (Zp[edge_src] + Zp[edge_dst])
    phi = (cs[None, :] * jnp.exp(-alphas[None, :] * x[:, None])).sum(axis=-1)
    ereppair = Zi * Zj * phi / rijs * switch
    erep_atomic = jax.ops.segment_sum(ereppair, edge_src, N_NODES)
    return erep_atomic

if __name__ == "__main__":
    import jax
    _d = setup_inputs()
    print(jax.jit(kernel)(*tuple(_d.values())))

</pallas_src>

<mosaic_0001>
#map = affine_map<(d0, d1) -> (0)>
#map1 = affine_map<(d0, d1) -> (0, 0)>
module attributes {stable_mosaic.version = 14 : i64} {
  func.func @_zbl_sc_kernel(%arg0: i32, %arg1: i32, %arg2: memref<50000xf32, #tpu.memory_space<hbm>>, %arg3: memref<50000xf32, #tpu.memory_space<hbm>>, %arg4: memref<8x16xf32, #tpu.memory_space<hbm>>, %arg5: memref<3136xf32, #tpu.memory_space<hbm>>, %arg6: memref<1640448xi32, #tpu.memory_space<hbm>>, %arg7: memref<1640448xi32, #tpu.memory_space<hbm>>, %arg8: memref<1640448xf32, #tpu.memory_space<hbm>>, %arg9: memref<1640448xf32, #tpu.memory_space<hbm>>, %arg10: memref<12816x128xi32, #tpu.memory_space<hbm>>, %arg11: memref<100352xf32, #tpu.memory_space<hbm>>, %arg12: memref<50000xf32, #tpu.memory_space<vmem>>, %arg13: memref<50000xf32, #tpu.memory_space<vmem>>, %arg14: memref<8x16xf32, #tpu.memory_space<vmem>>, %arg15: memref<2x1024xi32, #tpu.memory_space<vmem>>, %arg16: memref<2x1024xi32, #tpu.memory_space<vmem>>, %arg17: memref<2x1024xf32, #tpu.memory_space<vmem>>, %arg18: memref<2x1024xf32, #tpu.memory_space<vmem>>, %arg19: memref<2x1024xf32, #tpu.memory_space<vmem>>, %arg20: memref<2x8x128xi32, #tpu.memory_space<vmem>>, %arg21: memref<3136xf32, #tpu.memory_space<vmem>>, %arg22: memref<50176xf32, #tpu.memory_space<vmem_shared>>, %arg23: memref<2x!tpu.dma_semaphore, #tpu.memory_space<semaphore_mem>>, %arg24: memref<2x!tpu.dma_semaphore, #tpu.memory_space<semaphore_mem>>, %arg25: memref<2x8x!tpu.dma_semaphore, #tpu.memory_space<semaphore_mem>>) attributes {dimension_semantics = [#tpu.dimension_semantics<core_parallel>, #tpu.dimension_semantics<subcore_parallel>], iteration_bounds = array<i64: 2, 16>, scalar_prefetch = 0 : i64, scratch_operands = 14 : i64, tpu.core_type = #tpu.core_type<sc_vector_subcore>, window_params = [{transform_indices = #map}, {transform_indices = #map}, {transform_indices = #map1}, {transform_indices = #map}, {transform_indices = #map}, {transform_indices = #map}, {transform_indices = #map}, {transform_indices = #map}, {transform_indices = #map1}, {transform_indices = #map}]} {
    %mul3A = arith.constant 2 : i32
    %mul3A_0 = arith.muli %arg1, %mul3A : i32
    %add3A = arith.addi %mul3A_0, %arg0 : i32
    "tpu.region"() ({
      %run_scoped3A = tpu.sem_alloc : memref<!tpu.dma_semaphore, #tpu.memory_space<semaphore_mem>>
      tpu.enqueue_dma source(%arg2 : memref<50000xf32, #tpu.memory_space<hbm>>) target(%arg12 : memref<50000xf32, #tpu.memory_space<vmem>>) target_semaphore(%run_scoped3A : memref<!tpu.dma_semaphore, #tpu.memory_space<semaphore_mem>>)
      tpu.wait_dma2 semaphore(%run_scoped3A : memref<!tpu.dma_semaphore, #tpu.memory_space<semaphore_mem>>) src(%arg2 : memref<50000xf32, #tpu.memory_space<hbm>>) dst(%arg12 : memref<50000xf32, #tpu.memory_space<vmem>>)
      tpu.yield
    }) : () -> ()
    "tpu.region"() ({
      %run_scoped3A = tpu.sem_alloc : memref<!tpu.dma_semaphore, #tpu.memory_space<semaphore_mem>>
      tpu.enqueue_dma source(%arg3 : memref<50000xf32, #tpu.memory_space<hbm>>) target(%arg13 : memref<50000xf32, #tpu.memory_space<vmem>>) target_semaphore(%run_scoped3A : memref<!tpu.dma_semaphore, #tpu.memory_space<semaphore_mem>>)
      tpu.wait_dma2 semaphore(%run_scoped3A : memref<!tpu.dma_semaphore, #tpu.memory_space<semaphore_mem>>) src(%arg3 : memref<50000xf32, #tpu.memory_space<hbm>>) dst(%arg13 : memref<50000xf32, #tpu.memory_space<vmem>>)
      tpu.yield
    }) : () -> ()
    "tpu.region"() ({
      %run_scoped3A = tpu.sem_alloc : memref<!tpu.dma_semaphore, #tpu.memory_space<semaphore_mem>>
      tpu.enqueue_dma source(%arg4 : memref<8x16xf32, #tpu.memory_space<hbm>>) target(%arg14 : memref<8x16xf32, #tpu.memory_space<vmem>>) target_semaphore(%run_scoped3A : memref<!tpu.dma_semaphore, #tpu.memory_space<semaphore_mem>>)
      tpu.wait_dma2 semaphore(%run_scoped3A : memref<!tpu.dma_semaphore, #tpu.memory_space<semaphore_mem>>) src(%arg4 : memref<8x16xf32, #tpu.memory_space<hbm>>) dst(%arg14 : memref<8x16xf32, #tpu.memory_space<vmem>>)
      tpu.yield
    }) : () -> ()
    "tpu.region"() ({
      %run_scoped3A = tpu.sem_alloc : memref<!tpu.dma_semaphore, #tpu.memory_space<semaphore_mem>>
      tpu.enqueue_dma source(%arg5 : memref<3136xf32, #tpu.memory_space<hbm>>) target(%arg21 : memref<3136xf32, #tpu.memory_space<vmem>>) target_semaphore(%run_scoped3A : memref<!tpu.dma_semaphore, #tpu.memory_space<semaphore_mem>>)
      tpu.wait_dma2 semaphore(%run_scoped3A : memref<!tpu.dma_semaphore, #tpu.memory_space<semaphore_mem>>) src(%arg5 : memref<3136xf32, #tpu.memory_space<hbm>>) dst(%arg21 : memref<3136xf32, #tpu.memory_space<vmem>>)
      tpu.yield
    }) : () -> ()
    %mul3A_1 = arith.constant 3136 : i32
    %mul3A_2 = arith.muli %arg1, %mul3A_1 : i32
    "tpu.region"() ({
      %run_scoped3A = tpu.sem_alloc : memref<!tpu.dma_semaphore, #tpu.memory_space<semaphore_mem>>
      %dma_start3A_488 = tpu.memref_slice %arg22[%mul3A_2] : memref<50176xf32, #tpu.memory_space<vmem_shared>> -> memref<3136xf32, #tpu.memory_space<vmem_shared>>
      %dma_start3A_489 = tpu.memref_slice %arg22[%mul3A_2] : memref<50176xf32, #tpu.memory_space<vmem_shared>> -> memref<3136xf32, #tpu.memory_space<vmem_shared>>
      tpu.enqueue_dma source(%arg21 : memref<3136xf32, #tpu.memory_space<vmem>>) target(%dma_start3A_489 : memref<3136xf32, #tpu.memory_space<vmem_shared>>) target_semaphore(%run_scoped3A : memref<!tpu.dma_semaphore, #tpu.memory_space<semaphore_mem>>)
      %dma_wait3A_490 = tpu.memref_slice %arg22[%mul3A_2] : memref<50176xf32, #tpu.memory_space<vmem_shared>> -> memref<3136xf32, #tpu.memory_space<vmem_shared>>
      %dma_wait3A_491 = tpu.memref_slice %arg22[%mul3A_2] : memref<50176xf32, #tpu.memory_space<vmem_shared>> -> memref<3136xf32, #tpu.memory_space<vmem_shared>>
      tpu.wait_dma2 semaphore(%run_scoped3A : memref<!tpu.dma_semaphore, #tpu.memory_space<semaphore_mem>>) src(%arg21 : memref<3136xf32, #tpu.memory_space<vmem>>) dst(%dma_wait3A_491 : memref<3136xf32, #tpu.memory_space<vmem_shared>>)
      tpu.yield
    }) : () -> ()
    %barrier3A = arith.constant 0 : index
    tpu.barrier barrier_id(%barrier3A)
    %get3A = arith.constant 0 : i32
    %get3A_3 = arith.index_cast %get3A : i32 to index
    %get3A_4 = arith.constant 0 : index
    %get3A_5 = tpu.vector_load %arg14[%get3A_3, %get3A_4] {strides = array<i32>} : memref<8x16xf32, #tpu.memory_space<vmem>>, vector<16xf32>,
    %get3A_6 = arith.constant 1 : i32
    %get3A_7 = arith.index_cast %get3A_6 : i32 to index
    %get3A_8 = arith.constant 0 : index
    %get3A_9 = tpu.vector_load %arg14[%get3A_7, %get3A_8] {strides = array<i32>} : memref<8x16xf32, #tpu.memory_space<vmem>>, vector<16xf32>,
    %get3A_10 = arith.constant 2 : i32
    %get3A_11 = arith.index_cast %get3A_10 : i32 to index
    %get3A_12 = arith.constant 0 : index
    %get3A_13 = tpu.vector_load %arg14[%get3A_11, %get3A_12] {strides = array<i32>} : memref<8x16xf32, #tpu.memory_space<vmem>>, vector<16xf32>,
    %get3A_14 = arith.constant 3 : i32
    %get3A_15 = arith.index_cast %get3A_14 : i32 to index
    %get3A_16 = arith.constant 0 : index
    %get3A_17 = tpu.vector_load %arg14[%get3A_15, %get3A_16] {strides = array<i32>} : memref<8x16xf32, #tpu.memory_space<vmem>>, vector<16xf32>,
    %get3A_18 = arith.constant 4 : i32
    %get3A_19 = arith.index_cast %get3A_18 : i32 to index
    %get3A_20 = arith.constant 0 : index
    %get3A_21 = tpu.vector_load %arg14[%get3A_19, %get3A_20] {strides = array<i32>} : memref<8x16xf32, #tpu.memory_space<vmem>>, vector<16xf32>,
    %get3A_22 = arith.constant 5 : i32
    %get3A_23 = arith.index_cast %get3A_22 : i32 to index
    %get3A_24 = arith.constant 0 : index
    %get3A_25 = tpu.vector_load %arg14[%get3A_23, %get3A_24] {strides = array<i32>} : memref<8x16xf32, #tpu.memory_space<vmem>>, vector<16xf32>,
    %get3A_26 = arith.constant 6 : i32
    %get3A_27 = arith.index_cast %get3A_26 : i32 to index
    %get3A_28 = arith.constant 0 : index
    %get3A_29 = tpu.vector_load %arg14[%get3A_27, %get3A_28] {strides = array<i32>} : memref<8x16xf32, #tpu.memory_space<vmem>>, vector<16xf32>,
    %get3A_30 = arith.constant 7 : i32
    %get3A_31 = arith.index_cast %get3A_30 : i32 to index
    %get3A_32 = arith.constant 0 : index
    %get3A_33 = tpu.vector_load %arg14[%get3A_31, %get3A_32] {strides = array<i32>} : memref<8x16xf32, #tpu.memory_space<vmem>>, vector<16xf32>,
    %mul3A_34 = arith.constant 400 : i32
    %mul3A_35 = arith.muli %add3A, %mul3A_34 : i32
    %mul3A_36 = arith.constant 128 : i32
    %mul3A_37 = arith.muli %mul3A_35, %mul3A_36 : i32
    %add3A_38 = arith.constant 0 : i32
    %add3A_39 = arith.addi %mul3A_37, %add3A_38 : i32
    %dma_start3A = arith.constant 0 : i32
    %dma_start3A_40 = arith.constant 0 : i32
    %dma_start3A_41 = arith.constant 0 : i32
    %dma_start3A_42 = tpu.memref_slice %arg15[%dma_start3A, %dma_start3A_41] : memref<2x1024xi32, #tpu.memory_space<vmem>> -> memref<1x1024xi32, #tpu.memory_space<vmem>>
    %dma_start3A_43 = tpu.memref_squeeze %dma_start3A_42 : memref<1x1024xi32, #tpu.memory_space<vmem>> -> memref<1024xi32, #tpu.memory_space<vmem>>
    %dma_start3A_44 = tpu.memref_slice %arg6[%add3A_39] : memref<1640448xi32, #tpu.memory_space<hbm>> -> memref<1024xi32, #tpu.memory_space<hbm>>
    %dma_start3A_45 = tpu.memref_slice %arg23[%dma_start3A_40] : memref<2x!tpu.dma_semaphore, #tpu.memory_space<semaphore_mem>> -> memref<1x!tpu.dma_semaphore, #tpu.memory_space<semaphore_mem>>
    %dma_start3A_46 = tpu.memref_squeeze %dma_start3A_45 : memref<1x!tpu.dma_semaphore, #tpu.memory_space<semaphore_mem>> -> memref<!tpu.dma_semaphore, #tpu.memory_space<semaphore_mem>>
    %dma_start3A_47 = arith.constant 0 : i32
    %dma_start3A_48 = tpu.memref_slice %arg15[%dma_start3A, %dma_start3A_47] : memref<2x1024xi32, #tpu.memory_space<vmem>> -> memref<1x1024xi32, #tpu.memory_space<vmem>>
    %dma_start3A_49 = tpu.memref_squeeze %dma_start3A_48 : memref<1x1024xi32, #tpu.memory_space<vmem>> -> memref<1024xi32, #tpu.memory_space<vmem>>
    %dma_start3A_50 = tpu.memref_slice %arg6[%add3A_39] : memref<1640448xi32, #tpu.memory_space<hbm>> -> memref<1024xi32, #tpu.memory_space<hbm>>
    tpu.enqueue_dma source(%dma_start3A_50 : memref<1024xi32, #tpu.memory_space<hbm>>) target(%dma_start3A_49 : memref<1024xi32, #tpu.memory_space<vmem>>) target_semaphore(%dma_start3A_46 : memref<!tpu.dma_semaphore, #tpu.memory_space<semaphore_mem>>)
    %dma_start3A_51 = arith.constant 0 : i32
    %dma_start3A_52 = arith.constant 0 : i32
    %dma_start3A_53 = arith.constant 0 : i32
    %dma_start3A_54 = tpu.memref_slice %arg16[%dma_start3A_51, %dma_start3A_53] : memref<2x1024xi32, #tpu.memory_space<vmem>> -> memref<1x1024xi32, #tpu.memory_space<vmem>>
    %dma_start3A_55 = tpu.memref_squeeze %dma_start3A_54 : memref<1x1024xi32, #tpu.memory_space<vmem>> -> memref<1024xi32, #tpu.memory_space<vmem>>
    %dma_start3A_56 = tpu.memref_slice %arg7[%add3A_39] : memref<1640448xi32, #tpu.memory_space<hbm>> -> memref<1024xi32, #tpu.memory_space<hbm>>
    %dma_start3A_57 = tpu.memref_slice %arg23[%dma_start3A_52] : memref<2x!tpu.dma_semaphore, #tpu.memory_space<semaphore_mem>> -> memref<1x!tpu.dma_semaphore, #tpu.memory_space<semaphore_mem>>
    %dma_start3A_58 = tpu.memref_squeeze %dma_start3A_57 : memref<1x!tpu.dma_semaphore, #tpu.memory_space<semaphore_mem>> -> memref<!tpu.dma_semaphore, #tpu.memory_space<semaphore_mem>>
    %dma_start3A_59 = arith.constant 0 : i32
    %dma_start3A_60 = tpu.memref_slice %arg16[%dma_start3A_51, %dma_start3A_59] : memref<2x1024xi32, #tpu.memory_space<vmem>> -> memref<1x1024xi32, #tpu.memory_space<vmem>>
    %dma_start3A_61 = tpu.memref_squeeze %dma_start3A_60 : memref<1x1024xi32, #tpu.memory_space<vmem>> -> memref<1024xi32, #tpu.memory_space<vmem>>
    %dma_start3A_62 = tpu.memref_slice %arg7[%add3A_39] : memref<1640448xi32, #tpu.memory_space<hbm>> -> memref<1024xi32, #tpu.memory_space<hbm>>
    tpu.enqueue_dma source(%dma_start3A_62 : memref<1024xi32, #tpu.memory_space<hbm>>) target(%dma_start3A_61 : memref<1024xi32, #tpu.memory_space<vmem>>) target_semaphore(%dma_start3A_58 : memref<!tpu.dma_semaphore, #tpu.memory_space<semaphore_mem>>)
    %dma_start3A_63 = arith.constant 0 : i32
    %dma_start3A_64 = arith.constant 0 : i32
    %dma_start3A_65 = arith.constant 0 : i32
    %dma_start3A_66 = tpu.memref_slice %arg17[%dma_start3A_63, %dma_start3A_65] : memref<2x1024xf32, #tpu.memory_space<vmem>> -> memref<1x1024xf32, #tpu.memory_space<vmem>>
    %dma_start3A_67 = tpu.memref_squeeze %dma_start3A_66 : memref<1x1024xf32, #tpu.memory_space<vmem>> -> memref<1024xf32, #tpu.memory_space<vmem>>
    %dma_start3A_68 = tpu.memref_slice %arg8[%add3A_39] : memref<1640448xf32, #tpu.memory_space<hbm>> -> memref<1024xf32, #tpu.memory_space<hbm>>
    %dma_start3A_69 = tpu.memref_slice %arg23[%dma_start3A_64] : memref<2x!tpu.dma_semaphore, #tpu.memory_space<semaphore_mem>> -> memref<1x!tpu.dma_semaphore, #tpu.memory_space<semaphore_mem>>
    %dma_start3A_70 = tpu.memref_squeeze %dma_start3A_69 : memref<1x!tpu.dma_semaphore, #tpu.memory_space<semaphore_mem>> -> memref<!tpu.dma_semaphore, #tpu.memory_space<semaphore_mem>>
    %dma_start3A_71 = arith.constant 0 : i32
    %dma_start3A_72 = tpu.memref_slice %arg17[%dma_start3A_63, %dma_start3A_71] : memref<2x1024xf32, #tpu.memory_space<vmem>> -> memref<1x1024xf32, #tpu.memory_space<vmem>>
    %dma_start3A_73 = tpu.memref_squeeze %dma_start3A_72 : memref<1x1024xf32, #tpu.memory_space<vmem>> -> memref<1024xf32, #tpu.memory_space<vmem>>
    %dma_start3A_74 = tpu.memref_slice %arg8[%add3A_39] : memref<1640448xf32, #tpu.memory_space<hbm>> -> memref<1024xf32, #tpu.memory_space<hbm>>
    tpu.enqueue_dma source(%dma_start3A_74 : memref<1024xf32, #tpu.memory_space<hbm>>) target(%dma_start3A_73 : memref<1024xf32, #tpu.memory_space<vmem>>) target_semaphore(%dma_start3A_70 : memref<!tpu.dma_semaphore, #tpu.memory_space<semaphore_mem>>)
    %dma_start3A_75 = arith.constant 0 : i32
    %dma_start3A_76 = arith.constant 0 : i32
    %dma_start3A_77 = arith.constant 0 : i32
    %dma_start3A_78 = tpu.memref_slice %arg18[%dma_start3A_75, %dma_start3A_77] : memref<2x1024xf32, #tpu.memory_space<vmem>> -> memref<1x1024xf32, #tpu.memory_space<vmem>>
    %dma_start3A_79 = tpu.memref_squeeze %dma_start3A_78 : memref<1x1024xf32, #tpu.memory_space<vmem>> -> memref<1024xf32, #tpu.memory_space<vmem>>
    %dma_start3A_80 = tpu.memref_slice %arg9[%add3A_39] : memref<1640448xf32, #tpu.memory_space<hbm>> -> memref<1024xf32, #tpu.memory_space<hbm>>
    %dma_start3A_81 = tpu.memref_slice %arg23[%dma_start3A_76] : memref<2x!tpu.dma_semaphore, #tpu.memory_space<semaphore_mem>> -> memref<1x!tpu.dma_semaphore, #tpu.memory_space<semaphore_mem>>
    %dma_start3A_82 = tpu.memref_squeeze %dma_start3A_81 : memref<1x!tpu.dma_semaphore, #tpu.memory_space<semaphore_mem>> -> memref<!tpu.dma_semaphore, #tpu.memory_space<semaphore_mem>>
    %dma_start3A_83 = arith.constant 0 : i32
    %dma_start3A_84 = tpu.memref_slice %arg18[%dma_start3A_75, %dma_start3A_83] : memref<2x1024xf32, #tpu.memory_space<vmem>> -> memref<1x1024xf32, #tpu.memory_space<vmem>>
    %dma_start3A_85 = tpu.memref_squeeze %dma_start3A_84 : memref<1x1024xf32, #tpu.memory_space<vmem>> -> memref<1024xf32, #tpu.memory_space<vmem>>
    %dma_start3A_86 = tpu.memref_slice %arg9[%add3A_39] : memref<1640448xf32, #tpu.memory_space<hbm>> -> memref<1024xf32, #tpu.memory_space<hbm>>
    tpu.enqueue_dma source(%dma_start3A_86 : memref<1024xf32, #tpu.memory_space<hbm>>) target(%dma_start3A_85 : memref<1024xf32, #tpu.memory_space<vmem>>) target_semaphore(%dma_start3A_82 : memref<!tpu.dma_semaphore, #tpu.memory_space<semaphore_mem>>)
    %add3A_87 = arith.constant 1024 : i32
    %add3A_88 = arith.addi %mul3A_37, %add3A_87 : i32
    %dma_start3A_89 = arith.constant 1 : i32
    %dma_start3A_90 = arith.constant 1 : i32
    %dma_start3A_91 = arith.constant 0 : i32
    %dma_start3A_92 = tpu.memref_slice %arg15[%dma_start3A_89, %dma_start3A_91] : memref<2x1024xi32, #tpu.memory_space<vmem>> -> memref<1x1024xi32, #tpu.memory_space<vmem>>
    %dma_start3A_93 = tpu.memref_squeeze %dma_start3A_92 : memref<1x1024xi32, #tpu.memory_space<vmem>> -> memref<1024xi32, #tpu.memory_space<vmem>>
    %dma_start3A_94 = tpu.memref_slice %arg6[%add3A_88] : memref<1640448xi32, #tpu.memory_space<hbm>> -> memref<1024xi32, #tpu.memory_space<hbm>>
    %dma_start3A_95 = tpu.memref_slice %arg23[%dma_start3A_90] : memref<2x!tpu.dma_semaphore, #tpu.memory_space<semaphore_mem>> -> memref<1x!tpu.dma_semaphore, #tpu.memory_space<semaphore_mem>>
    %dma_start3A_96 = tpu.memref_squeeze %dma_start3A_95 : memref<1x!tpu.dma_semaphore, #tpu.memory_space<semaphore_mem>> -> memref<!tpu.dma_semaphore, #tpu.memory_space<semaphore_mem>>
    %dma_start3A_97 = arith.constant 0 : i32
    %dma_start3A_98 = tpu.memref_slice %arg15[%dma_start3A_89, %dma_start3A_97] : memref<2x1024xi32, #tpu.memory_space<vmem>> -> memref<1x1024xi32, #tpu.memory_space<vmem>>
    %dma_start3A_99 = tpu.memref_squeeze %dma_start3A_98 : memref<1x1024xi32, #tpu.memory_space<vmem>> -> memref<1024xi32, #tpu.memory_space<vmem>>
    %dma_start3A_100 = tpu.memref_slice %arg6[%add3A_88] : memref<1640448xi32, #tpu.memory_space<hbm>> -> memref<1024xi32, #tpu.memory_space<hbm>>
    tpu.enqueue_dma source(%dma_start3A_100 : memref<1024xi32, #tpu.memory_space<hbm>>) target(%dma_start3A_99 : memref<1024xi32, #tpu.memory_space<vmem>>) target_semaphore(%dma_start3A_96 : memref<!tpu.dma_semaphore, #tpu.memory_space<semaphore_mem>>)
    %dma_start3A_101 = arith.constant 1 : i32
    %dma_start3A_102 = arith.constant 1 : i32
    %dma_start3A_103 = arith.constant 0 : i32
    %dma_start3A_104 = tpu.memref_slice %arg16[%dma_start3A_101, %dma_start3A_103] : memref<2x1024xi32, #tpu.memory_space<vmem>> -> memref<1x1024xi32, #tpu.memory_space<vmem>>
    %dma_start3A_105 = tpu.memref_squeeze %dma_start3A_104 : memref<1x1024xi32, #tpu.memory_space<vmem>> -> memref<1024xi32, #tpu.memory_space<vmem>>
    %dma_start3A_106 = tpu.memref_slice %arg7[%add3A_88] : memref<1640448xi32, #tpu.memory_space<hbm>> -> memref<1024xi32, #tpu.memory_space<hbm>>
    %dma_start3A_107 = tpu.memref_slice %arg23[%dma_start3A_102] : memref<2x!tpu.dma_semaphore, #tpu.memory_space<semaphore_mem>> -> memref<1x!tpu.dma_semaphore, #tpu.memory_space<semaphore_mem>>
    %dma_start3A_108 = tpu.memref_squeeze %dma_start3A_107 : memref<1x!tpu.dma_semaphore, #tpu.memory_space<semaphore_mem>> -> memref<!tpu.dma_semaphore, #tpu.memory_space<semaphore_mem>>
    %dma_start3A_109 = arith.constant 0 : i32
    %dma_start3A_110 = tpu.memref_slice %arg16[%dma_start3A_101, %dma_start3A_109] : memref<2x1024xi32, #tpu.memory_space<vmem>> -> memref<1x1024xi32, #tpu.memory_space<vmem>>
    %dma_start3A_111 = tpu.memref_squeeze %dma_start3A_110 : memref<1x1024xi32, #tpu.memory_space<vmem>> -> memref<1024xi32, #tpu.memory_space<vmem>>
    %dma_start3A_112 = tpu.memref_slice %arg7[%add3A_88] : memref<1640448xi32, #tpu.memory_space<hbm>> -> memref<1024xi32, #tpu.memory_space<hbm>>
    tpu.enqueue_dma source(%dma_start3A_112 : memref<1024xi32, #tpu.memory_space<hbm>>) target(%dma_start3A_111 : memref<1024xi32, #tpu.memory_space<vmem>>) target_semaphore(%dma_start3A_108 : memref<!tpu.dma_semaphore, #tpu.memory_space<semaphore_mem>>)
    %dma_start3A_113 = arith.constant 1 : i32
    %dma_start3A_114 = arith.constant 1 : i32
    %dma_start3A_115 = arith.constant 0 : i32
    %dma_start3A_116 = tpu.memref_slice %arg17[%dma_start3A_113, %dma_start3A_115] : memref<2x1024xf32, #tpu.memory_space<vmem>> -> memref<1x1024xf32, #tpu.memory_space<vmem>>
    %dma_start3A_117 = tpu.memref_squeeze %dma_start3A_116 : memref<1x1024xf32, #tpu.memory_space<vmem>> -> memref<1024xf32, #tpu.memory_space<vmem>>
    %dma_start3A_118 = tpu.memref_slice %arg8[%add3A_88] : memref<1640448xf32, #tpu.memory_space<hbm>> -> memref<1024xf32, #tpu.memory_space<hbm>>
    %dma_start3A_119 = tpu.memref_slice %arg23[%dma_start3A_114] : memref<2x!tpu.dma_semaphore, #tpu.memory_space<semaphore_mem>> -> memref<1x!tpu.dma_semaphore, #tpu.memory_space<semaphore_mem>>
    %dma_start3A_120 = tpu.memref_squeeze %dma_start3A_119 : memref<1x!tpu.dma_semaphore, #tpu.memory_space<semaphore_mem>> -> memref<!tpu.dma_semaphore, #tpu.memory_space<semaphore_mem>>
    %dma_start3A_121 = arith.constant 0 : i32
    %dma_start3A_122 = tpu.memref_slice %arg17[%dma_start3A_113, %dma_start3A_121] : memref<2x1024xf32, #tpu.memory_space<vmem>> -> memref<1x1024xf32, #tpu.memory_space<vmem>>
    %dma_start3A_123 = tpu.memref_squeeze %dma_start3A_122 : memref<1x1024xf32, #tpu.memory_space<vmem>> -> memref<1024xf32, #tpu.memory_space<vmem>>
    %dma_start3A_124 = tpu.memref_slice %arg8[%add3A_88] : memref<1640448xf32, #tpu.memory_space<hbm>> -> memref<1024xf32, #tpu.memory_space<hbm>>
    tpu.enqueue_dma source(%dma_start3A_124 : memref<1024xf32, #tpu.memory_space<hbm>>) target(%dma_start3A_123 : memref<1024xf32, #tpu.memory_space<vmem>>) target_semaphore(%dma_start3A_120 : memref<!tpu.dma_semaphore, #tpu.memory_space<semaphore_mem>>)
    %dma_start3A_125 = arith.constant 1 : i32
    %dma_start3A_126 = arith.constant 1 : i32
    %dma_start3A_127 = arith.constant 0 : i32
    %dma_start3A_128 = tpu.memref_slice %arg18[%dma_start3A_125, %dma_start3A_127] : memref<2x1024xf32, #tpu.memory_space<vmem>> -> memref<1x1024xf32, #tpu.memory_space<vmem>>
    %dma_start3A_129 = tpu.memref_squeeze %dma_start3A_128 : memref<1x1024xf32, #tpu.memory_space<vmem>> -> memref<1024xf32, #tpu.memory_space<vmem>>
    %dma_start3A_130 = tpu.memref_slice %arg9[%add3A_88] : memref<1640448xf32, #tpu.memory_space<hbm>> -> memref<1024xf32, #tpu.memory_space<hbm>>
    %dma_start3A_131 = tpu.memref_slice %arg23[%dma_start3A_126] : memref<2x!tpu.dma_semaphore, #tpu.memory_space<semaphore_mem>> -> memref<1x!tpu.dma_semaphore, #tpu.memory_space<semaphore_mem>>
    %dma_start3A_132 = tpu.memref_squeeze %dma_start3A_131 : memref<1x!tpu.dma_semaphore, #tpu.memory_space<semaphore_mem>> -> memref<!tpu.dma_semaphore, #tpu.memory_space<semaphore_mem>>
    %dma_start3A_133 = arith.constant 0 : i32
    %dma_start3A_134 = tpu.memref_slice %arg18[%dma_start3A_125, %dma_start3A_133] : memref<2x1024xf32, #tpu.memory_space<vmem>> -> memref<1x1024xf32, #tpu.memory_space<vmem>>
    %dma_start3A_135 = tpu.memref_squeeze %dma_start3A_134 : memref<1x1024xf32, #tpu.memory_space<vmem>> -> memref<1024xf32, #tpu.memory_space<vmem>>
    %dma_start3A_136 = tpu.memref_slice %arg9[%add3A_88] : memref<1640448xf32, #tpu.memory_space<hbm>> -> memref<1024xf32, #tpu.memory_space<hbm>>
    tpu.enqueue_dma source(%dma_start3A_136 : memref<1024xf32, #tpu.memory_space<hbm>>) target(%dma_start3A_135 : memref<1024xf32, #tpu.memory_space<vmem>>) target_semaphore(%dma_start3A_132 : memref<!tpu.dma_semaphore, #tpu.memory_space<semaphore_mem>>)
    %scan3A = arith.constant 0 : i32
    %scan3A_137 = arith.constant 25 : i32
    %scan3A_138 = arith.addi %scan3A, %scan3A_137 : i32
    %scan3A_139 = arith.constant 1 : i32
    scf.for %scan3A_488 = %scan3A to %scan3A_138 step %scan3A_139  : i32 {
      %mul3A_489 = arith.constant 2 : i32
      %mul3A_490 = arith.muli %scan3A_488, %mul3A_489 : i32
      %mul3A_491 = arith.constant 1024 : i32
      %mul3A_492 = arith.muli %mul3A_490, %mul3A_491 : i32
      %add3A_493 = arith.addi %mul3A_37, %mul3A_492 : i32
      %dma_wait3A_494 = arith.constant 0 : i32
      %dma_wait3A_495 = arith.constant 0 : i32
      %dma_wait3A_496 = arith.constant 0 : i32
      %dma_wait3A_497 = tpu.memref_slice %arg15[%dma_wait3A_494, %dma_wait3A_496] : memref<2x1024xi32, #tpu.memory_space<vmem>> -> memref<1x1024xi32, #tpu.memory_space<vmem>>
      %dma_wait3A_498 = tpu.memref_squeeze %dma_wait3A_497 : memref<1x1024xi32, #tpu.memory_space<vmem>> -> memref<1024xi32, #tpu.memory_space<vmem>>
      %dma_wait3A_499 = tpu.memref_slice %arg6[%add3A_493] : memref<1640448xi32, #tpu.memory_space<hbm>> -> memref<1024xi32, #tpu.memory_space<hbm>>
      %dma_wait3A_500 = tpu.memref_slice %arg23[%dma_wait3A_495] : memref<2x!tpu.dma_semaphore, #tpu.memory_space<semaphore_mem>> -> memref<1x!tpu.dma_semaphore, #tpu.memory_space<semaphore_mem>>
      %dma_wait3A_501 = tpu.memref_squeeze %dma_wait3A_500 : memref<1x!tpu.dma_semaphore, #tpu.memory_space<semaphore_mem>> -> memref<!tpu.dma_semaphore, #tpu.memory_space<semaphore_mem>>
      %dma_wait3A_502 = arith.constant 0 : i32
      %dma_wait3A_503 = tpu.memref_slice %arg15[%dma_wait3A_494, %dma_wait3A_502] : memref<2x1024xi32, #tpu.memory_space<vmem>> -> memref<1x1024xi32, #tpu.memory_space<vmem>>
      %dma_wait3A_504 = tpu.memref_squeeze %dma_wait3A_503 : memref<1x1024xi32, #tpu.memory_space<vmem>> -> memref<1024xi32, #tpu.memory_space<vmem>>
      %dma_wait3A_505 = tpu.memref_slice %arg6[%add3A_493] : memref<1640448xi32, #tpu.memory_space<hbm>> -> memref<1024xi32, #tpu.memory_space<hbm>>
      tpu.wait_dma2 semaphore(%dma_wait3A_501 : memref<!tpu.dma_semaphore, #tpu.memory_space<semaphore_mem>>) src(%dma_wait3A_505 : memref<1024xi32, #tpu.memory_space<hbm>>) dst(%dma_wait3A_504 : memref<1024xi32, #tpu.memory_space<vmem>>)
      %dma_wait3A_506 = arith.constant 0 : i32
      %dma_wait3A_507 = arith.constant 0 : i32
      %dma_wait3A_508 = arith.constant 0 : i32
      %dma_wait3A_509 = tpu.memref_slice %arg16[%dma_wait3A_506, %dma_wait3A_508] : memref<2x1024xi32, #tpu.memory_space<vmem>> -> memref<1x1024xi32, #tpu.memory_space<vmem>>
      %dma_wait3A_510 = tpu.memref_squeeze %dma_wait3A_509 : memref<1x1024xi32, #tpu.memory_space<vmem>> -> memref<1024xi32, #tpu.memory_space<vmem>>
      %dma_wait3A_511 = tpu.memref_slice %arg7[%add3A_493] : memref<1640448xi32, #tpu.memory_space<hbm>> -> memref<1024xi32, #tpu.memory_space<hbm>>
      %dma_wait3A_512 = tpu.memref_slice %arg23[%dma_wait3A_507] : memref<2x!tpu.dma_semaphore, #tpu.memory_space<semaphore_mem>> -> memref<1x!tpu.dma_semaphore, #tpu.memory_space<semaphore_mem>>
      %dma_wait3A_513 = tpu.memref_squeeze %dma_wait3A_512 : memref<1x!tpu.dma_semaphore, #tpu.memory_space<semaphore_mem>> -> memref<!tpu.dma_semaphore, #tpu.memory_space<semaphore_mem>>
      %dma_wait3A_514 = arith.constant 0 : i32
      %dma_wait3A_515 = tpu.memref_slice %arg16[%dma_wait3A_506, %dma_wait3A_514] : memref<2x1024xi32, #tpu.memory_space<vmem>> -> memref<1x1024xi32, #tpu.memory_space<vmem>>
      %dma_wait3A_516 = tpu.memref_squeeze %dma_wait3A_515 : memref<1x1024xi32, #tpu.memory_space<vmem>> -> memref<1024xi32, #tpu.memory_space<vmem>>
      %dma_wait3A_517 = tpu.memref_slice %arg7[%add3A_493] : memref<1640448xi32, #tpu.memory_space<hbm>> -> memref<1024xi32, #tpu.memory_space<hbm>>
      tpu.wait_dma2 semaphore(%dma_wait3A_513 : memref<!tpu.dma_semaphore, #tpu.memory_space<semaphore_mem>>) src(%dma_wait3A_517 : memref<1024xi32, #tpu.memory_space<hbm>>) dst(%dma_wait3A_516 : memref<1024xi32, #tpu.memory_space<vmem>>)
      %dma_wait3A_518 = arith.constant 0 : i32
      %dma_wait3A_519 = arith.constant 0 : i32
      %dma_wait3A_520 = arith.constant 0 : i32
      %dma_wait3A_521 = tpu.memref_slice %arg17[%dma_wait3A_518, %dma_wait3A_520] : memref<2x1024xf32, #tpu.memory_space<vmem>> -> memref<1x1024xf32, #tpu.memory_space<vmem>>
      %dma_wait3A_522 = tpu.memref_squeeze %dma_wait3A_521 : memref<1x1024xf32, #tpu.memory_space<vmem>> -> memref<1024xf32, #tpu.memory_space<vmem>>
      %dma_wait3A_523 = tpu.memref_slice %arg8[%add3A_493] : memref<1640448xf32, #tpu.memory_space<hbm>> -> memref<1024xf32, #tpu.memory_space<hbm>>
      %dma_wait3A_524 = tpu.memref_slice %arg23[%dma_wait3A_519] : memref<2x!tpu.dma_semaphore, #tpu.memory_space<semaphore_mem>> -> memref<1x!tpu.dma_semaphore, #tpu.memory_space<semaphore_mem>>
      %dma_wait3A_525 = tpu.memref_squeeze %dma_wait3A_524 : memref<1x!tpu.dma_semaphore, #tpu.memory_space<semaphore_mem>> -> memref<!tpu.dma_semaphore, #tpu.memory_space<semaphore_mem>>
      %dma_wait3A_526 = arith.constant 0 : i32
      %dma_wait3A_527 = tpu.memref_slice %arg17[%dma_wait3A_518, %dma_wait3A_526] : memref<2x1024xf32, #tpu.memory_space<vmem>> -> memref<1x1024xf32, #tpu.memory_space<vmem>>
      %dma_wait3A_528 = tpu.memref_squeeze %dma_wait3A_527 : memref<1x1024xf32, #tpu.memory_space<vmem>> -> memref<1024xf32, #tpu.memory_space<vmem>>
      %dma_wait3A_529 = tpu.memref_slice %arg8[%add3A_493] : memref<1640448xf32, #tpu.memory_space<hbm>> -> memref<1024xf32, #tpu.memory_space<hbm>>
      tpu.wait_dma2 semaphore(%dma_wait3A_525 : memref<!tpu.dma_semaphore, #tpu.memory_space<semaphore_mem>>) src(%dma_wait3A_529 : memref<1024xf32, #tpu.memory_space<hbm>>) dst(%dma_wait3A_528 : memref<1024xf32, #tpu.memory_space<vmem>>)
      %dma_wait3A_530 = arith.constant 0 : i32
      %dma_wait3A_531 = arith.constant 0 : i32
      %dma_wait3A_532 = arith.constant 0 : i32
      %dma_wait3A_533 = tpu.memref_slice %arg18[%dma_wait3A_530, %dma_wait3A_532] : memref<2x1024xf32, #tpu.memory_space<vmem>> -> memref<1x1024xf32, #tpu.memory_space<vmem>>
      %dma_wait3A_534 = tpu.memref_squeeze %dma_wait3A_533 : memref<1x1024xf32, #tpu.memory_space<vmem>> -> memref<1024xf32, #tpu.memory_space<vmem>>
      %dma_wait3A_535 = tpu.memref_slice %arg9[%add3A_493] : memref<1640448xf32, #tpu.memory_space<hbm>> -> memref<1024xf32, #tpu.memory_space<hbm>>
      %dma_wait3A_536 = tpu.memref_slice %arg23[%dma_wait3A_531] : memref<2x!tpu.dma_semaphore, #tpu.memory_space<semaphore_mem>> -> memref<1x!tpu.dma_semaphore, #tpu.memory_space<semaphore_mem>>
      %dma_wait3A_537 = tpu.memref_squeeze %dma_wait3A_536 : memref<1x!tpu.dma_semaphore, #tpu.memory_space<semaphore_mem>> -> memref<!tpu.dma_semaphore, #tpu.memory_space<semaphore_mem>>
      %dma_wait3A_538 = arith.constant 0 : i32
      %dma_wait3A_539 = tpu.memref_slice %arg18[%dma_wait3A_530, %dma_wait3A_538] : memref<2x1024xf32, #tpu.memory_space<vmem>> -> memref<1x1024xf32, #tpu.memory_space<vmem>>
      %dma_wait3A_540 = tpu.memref_squeeze %dma_wait3A_539 : memref<1x1024xf32, #tpu.memory_space<vmem>> -> memref<1024xf32, #tpu.memory_space<vmem>>
      %dma_wait3A_541 = tpu.memref_slice %arg9[%add3A_493] : memref<1640448xf32, #tpu.memory_space<hbm>> -> memref<1024xf32, #tpu.memory_space<hbm>>
      tpu.wait_dma2 semaphore(%dma_wait3A_537 : memref<!tpu.dma_semaphore, #tpu.memory_space<semaphore_mem>>) src(%dma_wait3A_541 : memref<1024xf32, #tpu.memory_space<hbm>>) dst(%dma_wait3A_540 : memref<1024xf32, #tpu.memory_space<vmem>>)
      %gt3A = arith.constant 0 : i32
      %gt3A_542 = arith.cmpi sgt, %scan3A_488, %gt3A : i32
      %convert_element_type3A = arith.extui %gt3A_542 : i1 to i32
      %cond3A = arith.constant 0 : i32
      %cond3A_543 = arith.cmpi ne, %convert_element_type3A, %cond3A : i32
      scf.if %cond3A_543 {
        %dma_wait3A_1023 = arith.constant 0 : i32
        %dma_wait3A_1024 = arith.constant 0 : i32
        %dma_wait3A_1025 = arith.constant 0 : i32
        %dma_wait3A_1026 = arith.constant 0 : i32
        %dma_wait3A_1027 = arith.constant 0 : i32
        %dma_wait3A_1028 = arith.constant 0 : i32
        %dma_wait3A_1029 = tpu.memref_slice %arg19[%dma_wait3A_1023, %dma_wait3A_1028] : memref<2x1024xf32, #tpu.memory_space<vmem>> -> memref<1x128xf32, #tpu.memory_space<vmem>>
        %dma_wait3A_1030 = tpu.memref_squeeze %dma_wait3A_1029 : memref<1x128xf32, #tpu.memory_space<vmem>> -> memref<128xf32, #tpu.memory_space<vmem>>
        %dma_wait3A_1031 = arith.constant 0 : i32
        %dma_wait3A_1032 = tpu.memref_slice %arg20[%dma_wait3A_1024, %dma_wait3A_1025, %dma_wait3A_1031] : memref<2x8x128xi32, #tpu.memory_space<vmem>> -> memref<1x1x128xi32, #tpu.memory_space<vmem>>
        %dma_wait3A_1033 = tpu.memref_squeeze %dma_wait3A_1032 : memref<1x1x128xi32, #tpu.memory_space<vmem>> -> memref<128xi32, #tpu.memory_space<vmem>>
        %dma_wait3A_1034 = arith.constant 0 : i32
        %dma_wait3A_1035 = tpu.memref_slice %arg22[%dma_wait3A_1034] : memref<50176xf32, #tpu.memory_space<vmem_shared>> -> memref<50176xf32, #tpu.memory_space<vmem_shared>>
        %dma_wait3A_1036 = tpu.memref_slice %arg25[%dma_wait3A_1026, %dma_wait3A_1027] : memref<2x8x!tpu.dma_semaphore, #tpu.memory_space<semaphore_mem>> -> memref<1x1x!tpu.dma_semaphore, #tpu.memory_space<semaphore_mem>>
        %dma_wait3A_1037 = tpu.memref_squeeze %dma_wait3A_1036 : memref<1x1x!tpu.dma_semaphore, #tpu.memory_space<semaphore_mem>> -> memref<!tpu.dma_semaphore, #tpu.memory_space<semaphore_mem>>
        tpu.wait_indirect_dma semaphore(%dma_wait3A_1037 : memref<!tpu.dma_semaphore, #tpu.memory_space<semaphore_mem>>) src(%dma_wait3A_1030 : memref<128xf32, #tpu.memory_space<vmem>>) dst(%dma_wait3A_1035 : memref<50176xf32, #tpu.memory_space<vmem_shared>>)
        %dma_wait3A_1038 = arith.constant 0 : i32
        %dma_wait3A_1039 = arith.constant 0 : i32
        %dma_wait3A_1040 = arith.constant 1 : i32
        %dma_wait3A_1041 = arith.constant 0 : i32
        %dma_wait3A_1042 = arith.constant 1 : i32
        %dma_wait3A_1043 = arith.constant 128 : i32
        %dma_wait3A_1044 = tpu.memref_slice %arg19[%dma_wait3A_1038, %dma_wait3A_1043] : memref<2x1024xf32, #tpu.memory_space<vmem>> -> memref<1x128xf32, #tpu.memory_space<vmem>>
        %dma_wait3A_1045 = tpu.memref_squeeze %dma_wait3A_1044 : memref<1x128xf32, #tpu.memory_space<vmem>> -> memref<128xf32, #tpu.memory_space<vmem>>
        %dma_wait3A_1046 = arith.constant 0 : i32
        %dma_wait3A_1047 = tpu.memref_slice %arg20[%dma_wait3A_1039, %dma_wait3A_1040, %dma_wait3A_1046] : memref<2x8x128xi32, #tpu.memory_space<vmem>> -> memref<1x1x128xi32, #tpu.memory_space<vmem>>
        %dma_wait3A_1048 = tpu.memref_squeeze %dma_wait3A_1047 : memref<1x1x128xi32, #tpu.memory_space<vmem>> -> memref<128xi32, #tpu.memory_space<vmem>>
        %dma_wait3A_1049 = arith.constant 0 : i32
        %dma_wait3A_1050 = tpu.memref_slice %arg22[%dma_wait3A_1049] : memref<50176xf32, #tpu.memory_space<vmem_shared>> -> memref<50176xf32, #tpu.memory_space<vmem_shared>>
        %dma_wait3A_1051 = tpu.memref_slice %arg25[%dma_wait3A_1041, %dma_wait3A_1042] : memref<2x8x!tpu.dma_semaphore, #tpu.memory_space<semaphore_mem>> -> memref<1x1x!tpu.dma_semaphore, #tpu.memory_space<semaphore_mem>>
        %dma_wait3A_1052 = tpu.memref_squeeze %dma_wait3A_1051 : memref<1x1x!tpu.dma_semaphore, #tpu.memory_space<semaphore_mem>> -> memref<!tpu.dma_semaphore, #tpu.memory_space<semaphore_mem>>
        tpu.wait_indirect_dma semaphore(%dma_wait3A_1052 : memref<!tpu.dma_semaphore, #tpu.memory_space<semaphore_mem>>) src(%dma_wait3A_1045 : memref<128xf32, #tpu.memory_space<vmem>>) dst(%dma_wait3A_1050 : memref<50176xf32, #tpu.memory_space<vmem_shared>>)
        %dma_wait3A_1053 = arith.constant 0 : i32
        %dma_wait3A_1054 = arith.constant 0 : i32
        %dma_wait3A_1055 = arith.constant 2 : i32
        %dma_wait3A_1056 = arith.constant 0 : i32
        %dma_wait3A_1057 = arith.constant 2 : i32
        %dma_wait3A_1058 = arith.constant 256 : i32
        %dma_wait3A_1059 = tpu.memref_slice %arg19[%dma_wait3A_1053, %dma_wait3A_1058] : memref<2x1024xf32, #tpu.memory_space<vmem>> -> memref<1x128xf32, #tpu.memory_space<vmem>>
        %dma_wait3A_1060 = tpu.memref_squeeze %dma_wait3A_1059 : memref<1x128xf32, #tpu.memory_space<vmem>> -> memref<128xf32, #tpu.memory_space<vmem>>
        %dma_wait3A_1061 = arith.constant 0 : i32
        %dma_wait3A_1062 = tpu.memref_slice %arg20[%dma_wait3A_1054, %dma_wait3A_1055, %dma_wait3A_1061] : memref<2x8x128xi32, #tpu.memory_space<vmem>> -> memref<1x1x128xi32, #tpu.memory_space<vmem>>
        %dma_wait3A_1063 = tpu.memref_squeeze %dma_wait3A_1062 : memref<1x1x128xi32, #tpu.memory_space<vmem>> -> memref<128xi32, #tpu.memory_space<vmem>>
        %dma_wait3A_1064 = arith.constant 0 : i32
        %dma_wait3A_1065 = tpu.memref_slice %arg22[%dma_wait3A_1064] : memref<50176xf32, #tpu.memory_space<vmem_shared>> -> memref<50176xf32, #tpu.memory_space<vmem_shared>>
        %dma_wait3A_1066 = tpu.memref_slice %arg25[%dma_wait3A_1056, %dma_wait3A_1057] : memref<2x8x!tpu.dma_semaphore, #tpu.memory_space<semaphore_mem>> -> memref<1x1x!tpu.dma_semaphore, #tpu.memory_space<semaphore_mem>>
        %dma_wait3A_1067 = tpu.memref_squeeze %dma_wait3A_1066 : memref<1x1x!tpu.dma_semaphore, #tpu.memory_space<semaphore_mem>> -> memref<!tpu.dma_semaphore, #tpu.memory_space<semaphore_mem>>
        tpu.wait_indirect_dma semaphore(%dma_wait3A_1067 : memref<!tpu.dma_semaphore, #tpu.memory_space<semaphore_mem>>) src(%dma_wait3A_1060 : memref<128xf32, #tpu.memory_space<vmem>>) dst(%dma_wait3A_1065 : memref<50176xf32, #tpu.memory_space<vmem_shared>>)
        %dma_wait3A_1068 = arith.constant 0 : i32
        %dma_wait3A_1069 = arith.constant 0 : i32
        %dma_wait3A_1070 = arith.constant 3 : i32
        %dma_wait3A_1071 = arith.constant 0 : i32
        %dma_wait3A_1072 = arith.constant 3 : i32
        %dma_wait3A_1073 = arith.constant 384 : i32
        %dma_wait3A_1074 = tpu.memref_slice %arg19[%dma_wait3A_1068, %dma_wait3A_1073] : memref<2x1024xf32, #tpu.memory_space<vmem>> -> memref<1x128xf32, #tpu.memory_space<vmem>>
        %dma_wait3A_1075 = tpu.memref_squeeze %dma_wait3A_1074 : memref<1x128xf32, #tpu.memory_space<vmem>> -> memref<128xf32, #tpu.memory_space<vmem>>
        %dma_wait3A_1076 = arith.constant 0 : i32
        %dma_wait3A_1077 = tpu.memref_slice %arg20[%dma_wait3A_1069, %dma_wait3A_1070, %dma_wait3A_1076] : memref<2x8x128xi32, #tpu.memory_space<vmem>> -> memref<1x1x128xi32, #tpu.memory_space<vmem>>
        %dma_wait3A_1078 = tpu.memref_squeeze %dma_wait3A_1077 : memref<1x1x128xi32, #tpu.memory_space<vmem>> -> memref<128xi32, #tpu.memory_space<vmem>>
        %dma_wait3A_1079 = arith.constant 0 : i32
        %dma_wait3A_1080 = tpu.memref_slice %arg22[%dma_wait3A_1079] : memref<50176xf32, #tpu.memory_space<vmem_shared>> -> memref<50176xf32, #tpu.memory_space<vmem_shared>>
        %dma_wait3A_1081 = tpu.memref_slice %arg25[%dma_wait3A_1071, %dma_wait3A_1072] : memref<2x8x!tpu.dma_semaphore, #tpu.memory_space<semaphore_mem>> -> memref<1x1x!tpu.dma_semaphore, #tpu.memory_space<semaphore_mem>>
        %dma_wait3A_1082 = tpu.memref_squeeze %dma_wait3A_1081 : memref<1x1x!tpu.dma_semaphore, #tpu.memory_space<semaphore_mem>> -> memref<!tpu.dma_semaphore, #tpu.memory_space<semaphore_mem>>
        tpu.wait_indirect_dma semaphore(%dma_wait3A_1082 : memref<!tpu.dma_semaphore, #tpu.memory_space<semaphore_mem>>) src(%dma_wait3A_1075 : memref<128xf32, #tpu.memory_space<vmem>>) dst(%dma_wait3A_1080 : memref<50176xf32, #tpu.memory_space<vmem_shared>>)
        %dma_wait3A_1083 = arith.constant 0 : i32
        %dma_wait3A_1084 = arith.constant 0 : i32
        %dma_wait3A_1085 = arith.constant 4 : i32
        %dma_wait3A_1086 = arith.constant 0 : i32
        %dma_wait3A_1087 = arith.constant 4 : i32
        %dma_wait3A_1088 = arith.constant 512 : i32
        %dma_wait3A_1089 = tpu.memref_slice %arg19[%dma_wait3A_1083, %dma_wait3A_1088] : memref<2x1024xf32, #tpu.memory_space<vmem>> -> memref<1x128xf32, #tpu.memory_space<vmem>>
        %dma_wait3A_1090 = tpu.memref_squeeze %dma_wait3A_1089 : memref<1x128xf32, #tpu.memory_space<vmem>> -> memref<128xf32, #tpu.memory_space<vmem>>
        %dma_wait3A_1091 = arith.constant 0 : i32
        %dma_wait3A_1092 = tpu.memref_slice %arg20[%dma_wait3A_1084, %dma_wait3A_1085, %dma_wait3A_1091] : memref<2x8x128xi32, #tpu.memory_space<vmem>> -> memref<1x1x128xi32, #tpu.memory_space<vmem>>
        %dma_wait3A_1093 = tpu.memref_squeeze %dma_wait3A_1092 : memref<1x1x128xi32, #tpu.memory_space<vmem>> -> memref<128xi32, #tpu.memory_space<vmem>>
        %dma_wait3A_1094 = arith.constant 0 : i32
        %dma_wait3A_1095 = tpu.memref_slice %arg22[%dma_wait3A_1094] : memref<50176xf32, #tpu.memory_space<vmem_shared>> -> memref<50176xf32, #tpu.memory_space<vmem_shared>>
        %dma_wait3A_1096 = tpu.memref_slice %arg25[%dma_wait3A_1086, %dma_wait3A_1087] : memref<2x8x!tpu.dma_semaphore, #tpu.memory_space<semaphore_mem>> -> memref<1x1x!tpu.dma_semaphore, #tpu.memory_space<semaphore_mem>>
        %dma_wait3A_1097 = tpu.memref_squeeze %dma_wait3A_1096 : memref<1x1x!tpu.dma_semaphore, #tpu.memory_space<semaphore_mem>> -> memref<!tpu.dma_semaphore, #tpu.memory_space<semaphore_mem>>
        tpu.wait_indirect_dma semaphore(%dma_wait3A_1097 : memref<!tpu.dma_semaphore, #tpu.memory_space<semaphore_mem>>) src(%dma_wait3A_1090 : memref<128xf32, #tpu.memory_space<vmem>>) dst(%dma_wait3A_1095 : memref<50176xf32, #tpu.memory_space<vmem_shared>>)
        %dma_wait3A_1098 = arith.constant 0 : i32
        %dma_wait3A_1099 = arith.constant 0 : i32
        %dma_wait3A_1100 = arith.constant 5 : i32
        %dma_wait3A_1101 = arith.constant 0 : i32
        %dma_wait3A_1102 = arith.constant 5 : i32
        %dma_wait3A_1103 = arith.constant 640 : i32
        %dma_wait3A_1104 = tpu.memref_slice %arg19[%dma_wait3A_1098, %dma_wait3A_1103] : memref<2x1024xf32, #tpu.memory_space<vmem>> -> memref<1x128xf32, #tpu.memory_space<vmem>>
        %dma_wait3A_1105 = tpu.memref_squeeze %dma_wait3A_1104 : memref<1x128xf32, #tpu.memory_space<vmem>> -> memref<128xf32, #tpu.memory_space<vmem>>
        %dma_wait3A_1106 = arith.constant 0 : i32
        %dma_wait3A_1107 = tpu.memref_slice %arg20[%dma_wait3A_1099, %dma_wait3A_1100, %dma_wait3A_1106] : memref<2x8x128xi32, #tpu.memory_space<vmem>> -> memref<1x1x128xi32, #tpu.memory_space<vmem>>
        %dma_wait3A_1108 = tpu.memref_squeeze %dma_wait3A_1107 : memref<1x1x128xi32, #tpu.memory_space<vmem>> -> memref<128xi32, #tpu.memory_space<vmem>>
        %dma_wait3A_1109 = arith.constant 0 : i32
        %dma_wait3A_1110 = tpu.memref_slice %arg22[%dma_wait3A_1109] : memref<50176xf32, #tpu.memory_space<vmem_shared>> -> memref<50176xf32, #tpu.memory_space<vmem_shared>>
        %dma_wait3A_1111 = tpu.memref_slice %arg25[%dma_wait3A_1101, %dma_wait3A_1102] : memref<2x8x!tpu.dma_semaphore, #tpu.memory_space<semaphore_mem>> -> memref<1x1x!tpu.dma_semaphore, #tpu.memory_space<semaphore_mem>>
        %dma_wait3A_1112 = tpu.memref_squeeze %dma_wait3A_1111 : memref<1x1x!tpu.dma_semaphore, #tpu.memory_space<semaphore_mem>> -> memref<!tpu.dma_semaphore, #tpu.memory_space<semaphore_mem>>
        tpu.wait_indirect_dma semaphore(%dma_wait3A_1112 : memref<!tpu.dma_semaphore, #tpu.memory_space<semaphore_mem>>) src(%dma_wait3A_1105 : memref<128xf32, #tpu.memory_space<vmem>>) dst(%dma_wait3A_1110 : memref<50176xf32, #tpu.memory_space<vmem_shared>>)
        %dma_wait3A_1113 = arith.constant 0 : i32
        %dma_wait3A_1114 = arith.constant 0 : i32
        %dma_wait3A_1115 = arith.constant 6 : i32
        %dma_wait3A_1116 = arith.constant 0 : i32
        %dma_wait3A_1117 = arith.constant 6 : i32
        %dma_wait3A_1118 = arith.constant 768 : i32
        %dma_wait3A_1119 = tpu.memref_slice %arg19[%dma_wait3A_1113, %dma_wait3A_1118] : memref<2x1024xf32, #tpu.memory_space<vmem>> -> memref<1x128xf32, #tpu.memory_space<vmem>>
        %dma_wait3A_1120 = tpu.memref_squeeze %dma_wait3A_1119 : memref<1x128xf32, #tpu.memory_space<vmem>> -> memref<128xf32, #tpu.memory_space<vmem>>
        %dma_wait3A_1121 = arith.constant 0 : i32
        %dma_wait3A_1122 = tpu.memref_slice %arg20[%dma_wait3A_1114, %dma_wait3A_1115, %dma_wait3A_1121] : memref<2x8x128xi32, #tpu.memory_space<vmem>> -> memref<1x1x128xi32, #tpu.memory_space<vmem>>
        %dma_wait3A_1123 = tpu.memref_squeeze %dma_wait3A_1122 : memref<1x1x128xi32, #tpu.memory_space<vmem>> -> memref<128xi32, #tpu.memory_space<vmem>>
        %dma_wait3A_1124 = arith.constant 0 : i32
        %dma_wait3A_1125 = tpu.memref_slice %arg22[%dma_wait3A_1124] : memref<50176xf32, #tpu.memory_space<vmem_shared>> -> memref<50176xf32, #tpu.memory_space<vmem_shared>>
        %dma_wait3A_1126 = tpu.memref_slice %arg25[%dma_wait3A_1116, %dma_wait3A_1117] : memref<2x8x!tpu.dma_semaphore, #tpu.memory_space<semaphore_mem>> -> memref<1x1x!tpu.dma_semaphore, #tpu.memory_space<semaphore_mem>>
        %dma_wait3A_1127 = tpu.memref_squeeze %dma_wait3A_1126 : memref<1x1x!tpu.dma_semaphore, #tpu.memory_space<semaphore_mem>> -> memref<!tpu.dma_semaphore, #tpu.memory_space<semaphore_mem>>
        tpu.wait_indirect_dma semaphore(%dma_wait3A_1127 : memref<!tpu.dma_semaphore, #tpu.memory_space<semaphore_mem>>) src(%dma_wait3A_1120 : memref<128xf32, #tpu.memory_space<vmem>>) dst(%dma_wait3A_1125 : memref<50176xf32, #tpu.memory_space<vmem_shared>>)
        %dma_wait3A_1128 = arith.constant 0 : i32
        %dma_wait3A_1129 = arith.constant 0 : i32
        %dma_wait3A_1130 = arith.constant 7 : i32
        %dma_wait3A_1131 = arith.constant 0 : i32
        %dma_wait3A_1132 = arith.constant 7 : i32
        %dma_wait3A_1133 = arith.constant 896 : i32
        %dma_wait3A_1134 = tpu.memref_slice %arg19[%dma_wait3A_1128, %dma_wait3A_1133] : memref<2x1024xf32, #tpu.memory_space<vmem>> -> memref<1x128xf32, #tpu.memory_space<vmem>>
        %dma_wait3A_1135 = tpu.memref_squeeze %dma_wait3A_1134 : memref<1x128xf32, #tpu.memory_space<vmem>> -> memref<128xf32, #tpu.memory_space<vmem>>
        %dma_wait3A_1136 = arith.constant 0 : i32
        %dma_wait3A_1137 = tpu.memref_slice %arg20[%dma_wait3A_1129, %dma_wait3A_1130, %dma_wait3A_1136] : memref<2x8x128xi32, #tpu.memory_space<vmem>> -> memref<1x1x128xi32, #tpu.memory_space<vmem>>
        %dma_wait3A_1138 = tpu.memref_squeeze %dma_wait3A_1137 : memref<1x1x128xi32, #tpu.memory_space<vmem>> -> memref<128xi32, #tpu.memory_space<vmem>>
        %dma_wait3A_1139 = arith.constant 0 : i32
        %dma_wait3A_1140 = tpu.memref_slice %arg22[%dma_wait3A_1139] : memref<50176xf32, #tpu.memory_space<vmem_shared>> -> memref<50176xf32, #tpu.memory_space<vmem_shared>>
        %dma_wait3A_1141 = tpu.memref_slice %arg25[%dma_wait3A_1131, %dma_wait3A_1132] : memref<2x8x!tpu.dma_semaphore, #tpu.memory_space<semaphore_mem>> -> memref<1x1x!tpu.dma_semaphore, #tpu.memory_space<semaphore_mem>>
        %dma_wait3A_1142 = tpu.memref_squeeze %dma_wait3A_1141 : memref<1x1x!tpu.dma_semaphore, #tpu.memory_space<semaphore_mem>> -> memref<!tpu.dma_semaphore, #tpu.memory_space<semaphore_mem>>
        tpu.wait_indirect_dma semaphore(%dma_wait3A_1142 : memref<!tpu.dma_semaphore, #tpu.memory_space<semaphore_mem>>) src(%dma_wait3A_1135 : memref<128xf32, #tpu.memory_space<vmem>>) dst(%dma_wait3A_1140 : memref<50176xf32, #tpu.memory_space<vmem_shared>>)
      } else {
      }
      %mul3A_544 = arith.constant 8 : i32
      %mul3A_545 = arith.muli %mul3A_490, %mul3A_544 : i32
      %add3A_546 = arith.addi %mul3A_35, %mul3A_545 : i32
      %dma_start3A_547 = arith.constant 0 : i32
      %dma_start3A_548 = arith.constant 0 : i32
      %dma_start3A_549 = arith.constant 0 : i32
      %dma_start3A_550 = arith.constant 0 : i32
      %dma_start3A_551 = tpu.memref_slice %arg20[%dma_start3A_547, %dma_start3A_549, %dma_start3A_550] : memref<2x8x128xi32, #tpu.memory_space<vmem>> -> memref<1x8x128xi32, #tpu.memory_space<vmem>>
      %dma_start3A_552 = tpu.memref_squeeze %dma_start3A_551 : memref<1x8x128xi32, #tpu.memory_space<vmem>> -> memref<8x128xi32, #tpu.memory_space<vmem>>
      %dma_start3A_553 = arith.constant 0 : i32
      %dma_start3A_554 = tpu.memref_slice %arg10[%add3A_546, %dma_start3A_553] : memref<12816x128xi32, #tpu.memory_space<hbm>> -> memref<8x128xi32, #tpu.memory_space<hbm>>
      %dma_start3A_555 = tpu.memref_slice %arg24[%dma_start3A_548] : memref<2x!tpu.dma_semaphore, #tpu.memory_space<semaphore_mem>> -> memref<1x!tpu.dma_semaphore, #tpu.memory_space<semaphore_mem>>
      %dma_start3A_556 = tpu.memref_squeeze %dma_start3A_555 : memref<1x!tpu.dma_semaphore, #tpu.memory_space<semaphore_mem>> -> memref<!tpu.dma_semaphore, #tpu.memory_space<semaphore_mem>>
      %dma_start3A_557 = arith.constant 0 : i32
      %dma_start3A_558 = arith.constant 0 : i32
      %dma_start3A_559 = tpu.memref_slice %arg20[%dma_start3A_547, %dma_start3A_557, %dma_start3A_558] : memref<2x8x128xi32, #tpu.memory_space<vmem>> -> memref<1x8x128xi32, #tpu.memory_space<vmem>>
      %dma_start3A_560 = tpu.memref_squeeze %dma_start3A_559 : memref<1x8x128xi32, #tpu.memory_space<vmem>> -> memref<8x128xi32, #tpu.memory_space<vmem>>
      %dma_start3A_561 = arith.constant 0 : i32
      %dma_start3A_562 = tpu.memref_slice %arg10[%add3A_546, %dma_start3A_561] : memref<12816x128xi32, #tpu.memory_space<hbm>> -> memref<8x128xi32, #tpu.memory_space<hbm>>
      tpu.enqueue_dma source(%dma_start3A_562 : memref<8x128xi32, #tpu.memory_space<hbm>>) target(%dma_start3A_560 : memref<8x128xi32, #tpu.memory_space<vmem>>) target_semaphore(%dma_start3A_556 : memref<!tpu.dma_semaphore, #tpu.memory_space<semaphore_mem>>)
      %parallel_loop3A = arith.constant 0 : i32
      %parallel_loop3A_563 = arith.constant 1024 : i32
      %parallel_loop3A_564 = arith.constant 16 : i32
      scf.for %parallel_loop3A_1023 = %parallel_loop3A to %parallel_loop3A_563 step %parallel_loop3A_564  : i32 {
        %parallel_loop3A_1024 = arith.constant 0 : i32
        %parallel_loop3A_1025 = arith.index_cast %parallel_loop3A_1024 : i32 to index
        %parallel_loop3A_1026 = arith.index_cast %parallel_loop3A_1023 : i32 to index
        %parallel_loop3A_1027 = tpu.vector_load %arg15[%parallel_loop3A_1025, %parallel_loop3A_1026] {strides = array<i32>} : memref<2x1024xi32, #tpu.memory_space<vmem>>, vector<16xi32>,
        %parallel_loop3A_1028 = arith.constant 0 : i32
        %parallel_loop3A_1029 = arith.index_cast %parallel_loop3A_1028 : i32 to index
        %parallel_loop3A_1030 = arith.index_cast %parallel_loop3A_1023 : i32 to index
        %parallel_loop3A_1031 = tpu.vector_load %arg16[%parallel_loop3A_1029, %parallel_loop3A_1030] {strides = array<i32>} : memref<2x1024xi32, #tpu.memory_space<vmem>>, vector<16xi32>,
        %parallel_loop3A_1032 = tpu.vector_load_idx %arg12[%parallel_loop3A_1027] : memref<50000xf32, #tpu.memory_space<vmem>>[vector<16xi32>], vector<16xf32>,
        %parallel_loop3A_1033 = tpu.vector_load_idx %arg12[%parallel_loop3A_1031] : memref<50000xf32, #tpu.memory_space<vmem>>[vector<16xi32>], vector<16xf32>,
        %parallel_loop3A_1034 = tpu.vector_load_idx %arg13[%parallel_loop3A_1027] : memref<50000xf32, #tpu.memory_space<vmem>>[vector<16xi32>], vector<16xf32>,
        %parallel_loop3A_1035 = tpu.vector_load_idx %arg13[%parallel_loop3A_1031] : memref<50000xf32, #tpu.memory_space<vmem>>[vector<16xi32>], vector<16xf32>,
        %parallel_loop3A_1036 = arith.constant 0 : i32
        %parallel_loop3A_1037 = arith.index_cast %parallel_loop3A_1036 : i32 to index
        %parallel_loop3A_1038 = arith.index_cast %parallel_loop3A_1023 : i32 to index
        %parallel_loop3A_1039 = tpu.vector_load %arg17[%parallel_loop3A_1037, %parallel_loop3A_1038] {strides = array<i32>} : memref<2x1024xf32, #tpu.memory_space<vmem>>, vector<16xf32>,
        %parallel_loop3A_1040 = arith.addf %parallel_loop3A_1034, %parallel_loop3A_1035 : vector<16xf32>
        %parallel_loop3A_1041 = arith.mulf %parallel_loop3A_1039, %parallel_loop3A_1040 : vector<16xf32>
        %parallel_loop3A_1042 = arith.mulf %get3A_21, %parallel_loop3A_1041 : vector<16xf32>
        %parallel_loop3A_1043 = arith.addf %parallel_loop3A_1042, %get3A_5 : vector<16xf32>
        %parallel_loop3A_1044 = math.exp %parallel_loop3A_1043 : vector<16xf32>
        %parallel_loop3A_1045 = arith.mulf %get3A_25, %parallel_loop3A_1041 : vector<16xf32>
        %parallel_loop3A_1046 = arith.addf %parallel_loop3A_1045, %get3A_9 : vector<16xf32>
        %parallel_loop3A_1047 = math.exp %parallel_loop3A_1046 : vector<16xf32>
        %parallel_loop3A_1048 = arith.addf %parallel_loop3A_1044, %parallel_loop3A_1047 : vector<16xf32>
        %parallel_loop3A_1049 = arith.mulf %get3A_29, %parallel_loop3A_1041 : vector<16xf32>
        %parallel_loop3A_1050 = arith.addf %parallel_loop3A_1049, %get3A_13 : vector<16xf32>
        %parallel_loop3A_1051 = math.exp %parallel_loop3A_1050 : vector<16xf32>
        %parallel_loop3A_1052 = arith.addf %parallel_loop3A_1048, %parallel_loop3A_1051 : vector<16xf32>
        %parallel_loop3A_1053 = arith.mulf %get3A_33, %parallel_loop3A_1041 : vector<16xf32>
        %parallel_loop3A_1054 = arith.addf %parallel_loop3A_1053, %get3A_17 : vector<16xf32>
        %parallel_loop3A_1055 = math.exp %parallel_loop3A_1054 : vector<16xf32>
        %parallel_loop3A_1056 = arith.addf %parallel_loop3A_1052, %parallel_loop3A_1055 : vector<16xf32>
        %parallel_loop3A_1057 = arith.mulf %parallel_loop3A_1032, %parallel_loop3A_1033 : vector<16xf32>
        %parallel_loop3A_1058 = arith.mulf %parallel_loop3A_1057, %parallel_loop3A_1056 : vector<16xf32>
        %parallel_loop3A_1059 = arith.constant 0 : i32
        %parallel_loop3A_1060 = arith.index_cast %parallel_loop3A_1059 : i32 to index
        %parallel_loop3A_1061 = arith.index_cast %parallel_loop3A_1023 : i32 to index
        %parallel_loop3A_1062 = tpu.vector_load %arg18[%parallel_loop3A_1060, %parallel_loop3A_1061] {strides = array<i32>} : memref<2x1024xf32, #tpu.memory_space<vmem>>, vector<16xf32>,
        %parallel_loop3A_1063 = arith.mulf %parallel_loop3A_1058, %parallel_loop3A_1062 : vector<16xf32>
        %parallel_loop3A_1064 = arith.divf %parallel_loop3A_1063, %parallel_loop3A_1039 : vector<16xf32>
        %parallel_loop3A_1065 = arith.constant 0 : i32
        %parallel_loop3A_1066 = arith.index_cast %parallel_loop3A_1065 : i32 to index
        %parallel_loop3A_1067 = arith.index_cast %parallel_loop3A_1023 : i32 to index
        %parallel_loop3A_1068 = tpu.vector_load %arg19[%parallel_loop3A_1066, %parallel_loop3A_1067] {strides = array<i32>} : memref<2x1024xf32, #tpu.memory_space<vmem>>, vector<16xf32>,
        tpu.vector_store %arg19[%parallel_loop3A_1066, %parallel_loop3A_1067], %parallel_loop3A_1064 {strides = array<i32>} : memref<2x1024xf32, #tpu.memory_space<vmem>>, vector<16xf32>,
      } {sc.loop_unroll_factor = 4 : i64, sc.parallel_access}
      %dma_wait3A_565 = arith.constant 0 : i32
      %dma_wait3A_566 = arith.constant 0 : i32
      %dma_wait3A_567 = arith.constant 0 : i32
      %dma_wait3A_568 = arith.constant 0 : i32
      %dma_wait3A_569 = tpu.memref_slice %arg20[%dma_wait3A_565, %dma_wait3A_567, %dma_wait3A_568] : memref<2x8x128xi32, #tpu.memory_space<vmem>> -> memref<1x8x128xi32, #tpu.memory_space<vmem>>
      %dma_wait3A_570 = tpu.memref_squeeze %dma_wait3A_569 : memref<1x8x128xi32, #tpu.memory_space<vmem>> -> memref<8x128xi32, #tpu.memory_space<vmem>>
      %dma_wait3A_571 = arith.constant 0 : i32
      %dma_wait3A_572 = tpu.memref_slice %arg10[%add3A_546, %dma_wait3A_571] : memref<12816x128xi32, #tpu.memory_space<hbm>> -> memref<8x128xi32, #tpu.memory_space<hbm>>
      %dma_wait3A_573 = tpu.memref_slice %arg24[%dma_wait3A_566] : memref<2x!tpu.dma_semaphore, #tpu.memory_space<semaphore_mem>> -> memref<1x!tpu.dma_semaphore, #tpu.memory_space<semaphore_mem>>
      %dma_wait3A_574 = tpu.memref_squeeze %dma_wait3A_573 : memref<1x!tpu.dma_semaphore, #tpu.memory_space<semaphore_mem>> -> memref<!tpu.dma_semaphore, #tpu.memory_space<semaphore_mem>>
      %dma_wait3A_575 = arith.constant 0 : i32
      %dma_wait3A_576 = arith.constant 0 : i32
      %dma_wait3A_577 = tpu.memref_slice %arg20[%dma_wait3A_565, %dma_wait3A_575, %dma_wait3A_576] : memref<2x8x128xi32, #tpu.memory_space<vmem>> -> memref<1x8x128xi32, #tpu.memory_space<vmem>>
      %dma_wait3A_578 = tpu.memref_squeeze %dma_wait3A_577 : memref<1x8x128xi32, #tpu.memory_space<vmem>> -> memref<8x128xi32, #tpu.memory_space<vmem>>
      %dma_wait3A_579 = arith.constant 0 : i32
      %dma_wait3A_580 = tpu.memref_slice %arg10[%add3A_546, %dma_wait3A_579] : memref<12816x128xi32, #tpu.memory_space<hbm>> -> memref<8x128xi32, #tpu.memory_space<hbm>>
      tpu.wait_dma2 semaphore(%dma_wait3A_574 : memref<!tpu.dma_semaphore, #tpu.memory_space<semaphore_mem>>) src(%dma_wait3A_580 : memref<8x128xi32, #tpu.memory_space<hbm>>) dst(%dma_wait3A_578 : memref<8x128xi32, #tpu.memory_space<vmem>>)
      %dma_start3A_581 = arith.constant 0 : i32
      %dma_start3A_582 = arith.constant 0 : i32
      %dma_start3A_583 = arith.constant 0 : i32
      %dma_start3A_584 = arith.constant 0 : i32
      %dma_start3A_585 = arith.constant 0 : i32
      %dma_start3A_586 = arith.constant 0 : i32
      %dma_start3A_587 = tpu.memref_slice %arg19[%dma_start3A_581, %dma_start3A_586] : memref<2x1024xf32, #tpu.memory_space<vmem>> -> memref<1x128xf32, #tpu.memory_space<vmem>>
      %dma_start3A_588 = tpu.memref_squeeze %dma_start3A_587 : memref<1x128xf32, #tpu.memory_space<vmem>> -> memref<128xf32, #tpu.memory_space<vmem>>
      %dma_start3A_589 = arith.constant 0 : i32
      %dma_start3A_590 = tpu.memref_slice %arg20[%dma_start3A_582, %dma_start3A_583, %dma_start3A_589] : memref<2x8x128xi32, #tpu.memory_space<vmem>> -> memref<1x1x128xi32, #tpu.memory_space<vmem>>
      %dma_start3A_591 = tpu.memref_squeeze %dma_start3A_590 : memref<1x1x128xi32, #tpu.memory_space<vmem>> -> memref<128xi32, #tpu.memory_space<vmem>>
      %dma_start3A_592 = arith.constant 0 : i32
      %dma_start3A_593 = tpu.memref_slice %arg22[%dma_start3A_592] : memref<50176xf32, #tpu.memory_space<vmem_shared>> -> memref<50176xf32, #tpu.memory_space<vmem_shared>>
      %dma_start3A_594 = tpu.memref_slice %arg25[%dma_start3A_584, %dma_start3A_585] : memref<2x8x!tpu.dma_semaphore, #tpu.memory_space<semaphore_mem>> -> memref<1x1x!tpu.dma_semaphore, #tpu.memory_space<semaphore_mem>>
      %dma_start3A_595 = tpu.memref_squeeze %dma_start3A_594 : memref<1x1x!tpu.dma_semaphore, #tpu.memory_space<semaphore_mem>> -> memref<!tpu.dma_semaphore, #tpu.memory_space<semaphore_mem>>
      tpu.enqueue_indirect_dma source(%dma_start3A_588 : memref<128xf32, #tpu.memory_space<vmem>>) target(%dma_start3A_593 : memref<50176xf32, #tpu.memory_space<vmem_shared>>) offsets(%dma_start3A_591 : memref<128xi32, #tpu.memory_space<vmem>>) semaphore(%dma_start3A_595 : memref<!tpu.dma_semaphore, #tpu.memory_space<semaphore_mem>>) {add = true}
      %dma_start3A_596 = arith.constant 0 : i32
      %dma_start3A_597 = arith.constant 0 : i32
      %dma_start3A_598 = arith.constant 1 : i32
      %dma_start3A_599 = arith.constant 0 : i32
      %dma_start3A_600 = arith.constant 1 : i32
      %dma_start3A_601 = arith.constant 128 : i32
      %dma_start3A_602 = tpu.memref_slice %arg19[%dma_start3A_596, %dma_start3A_601] : memref<2x1024xf32, #tpu.memory_space<vmem>> -> memref<1x128xf32, #tpu.memory_space<vmem>>
      %dma_start3A_603 = tpu.memref_squeeze %dma_start3A_602 : memref<1x128xf32, #tpu.memory_space<vmem>> -> memref<128xf32, #tpu.memory_space<vmem>>
      %dma_start3A_604 = arith.constant 0 : i32
      %dma_start3A_605 = tpu.memref_slice %arg20[%dma_start3A_597, %dma_start3A_598, %dma_start3A_604] : memref<2x8x128xi32, #tpu.memory_space<vmem>> -> memref<1x1x128xi32, #tpu.memory_space<vmem>>
      %dma_start3A_606 = tpu.memref_squeeze %dma_start3A_605 : memref<1x1x128xi32, #tpu.memory_space<vmem>> -> memref<128xi32, #tpu.memory_space<vmem>>
      %dma_start3A_607 = arith.constant 0 : i32
      %dma_start3A_608 = tpu.memref_slice %arg22[%dma_start3A_607] : memref<50176xf32, #tpu.memory_space<vmem_shared>> -> memref<50176xf32, #tpu.memory_space<vmem_shared>>
      %dma_start3A_609 = tpu.memref_slice %arg25[%dma_start3A_599, %dma_start3A_600] : memref<2x8x!tpu.dma_semaphore, #tpu.memory_space<semaphore_mem>> -> memref<1x1x!tpu.dma_semaphore, #tpu.memory_space<semaphore_mem>>
      %dma_start3A_610 = tpu.memref_squeeze %dma_start3A_609 : memref<1x1x!tpu.dma_semaphore, #tpu.memory_space<semaphore_mem>> -> memref<!tpu.dma_semaphore, #tpu.memory_space<semaphore_mem>>
      tpu.enqueue_indirect_dma source(%dma_start3A_603 : memref<128xf32, #tpu.memory_space<vmem>>) target(%dma_start3A_608 : memref<50176xf32, #tpu.memory_space<vmem_shared>>) offsets(%dma_start3A_606 : memref<128xi32, #tpu.memory_space<vmem>>) semaphore(%dma_start3A_610 : memref<!tpu.dma_semaphore, #tpu.memory_space<semaphore_mem>>) {add = true}
      %dma_start3A_611 = arith.constant 0 : i32
      %dma_start3A_612 = arith.constant 0 : i32
      %dma_start3A_613 = arith.constant 2 : i32
      %dma_start3A_614 = arith.constant 0 : i32
      %dma_start3A_615 = arith.constant 2 : i32
      %dma_start3A_616 = arith.constant 256 : i32
      %dma_start3A_617 = tpu.memref_slice %arg19[%dma_start3A_611, %dma_start3A_616] : memref<2x1024xf32, #tpu.memory_space<vmem>> -> memref<1x128xf32, #tpu.memory_space<vmem>>
      %dma_start3A_618 = tpu.memref_squeeze %dma_start3A_617 : memref<1x128xf32, #tpu.memory_space<vmem>> -> memref<128xf32, #tpu.memory_space<vmem>>
      %dma_start3A_619 = arith.constant 0 : i32
      %dma_start3A_620 = tpu.memref_slice %arg20[%dma_start3A_612, %dma_start3A_613, %dma_start3A_619] : memref<2x8x128xi32, #tpu.memory_space<vmem>> -> memref<1x1x128xi32, #tpu.memory_space<vmem>>
      %dma_start3A_621 = tpu.memref_squeeze %dma_start3A_620 : memref<1x1x128xi32, #tpu.memory_space<vmem>> -> memref<128xi32, #tpu.memory_space<vmem>>
      %dma_start3A_622 = arith.constant 0 : i32
      %dma_start3A_623 = tpu.memref_slice %arg22[%dma_start3A_622] : memref<50176xf32, #tpu.memory_space<vmem_shared>> -> memref<50176xf32, #tpu.memory_space<vmem_shared>>
      %dma_start3A_624 = tpu.memref_slice %arg25[%dma_start3A_614, %dma_start3A_615] : memref<2x8x!tpu.dma_semaphore, #tpu.memory_space<semaphore_mem>> -> memref<1x1x!tpu.dma_semaphore, #tpu.memory_space<semaphore_mem>>
      %dma_start3A_625 = tpu.memref_squeeze %dma_start3A_624 : memref<1x1x!tpu.dma_semaphore, #tpu.memory_space<semaphore_mem>> -> memref<!tpu.dma_semaphore, #tpu.memory_space<semaphore_mem>>
      tpu.enqueue_indirect_dma source(%dma_start3A_618 : memref<128xf32, #tpu.memory_space<vmem>>) target(%dma_start3A_623 : memref<50176xf32, #tpu.memory_space<vmem_shared>>) offsets(%dma_start3A_621 : memref<128xi32, #tpu.memory_space<vmem>>) semaphore(%dma_start3A_625 : memref<!tpu.dma_semaphore, #tpu.memory_space<semaphore_mem>>) {add = true}
      %dma_start3A_626 = arith.constant 0 : i32
      %dma_start3A_627 = arith.constant 0 : i32
      %dma_start3A_628 = arith.constant 3 : i32
      %dma_start3A_629 = arith.constant 0 : i32
      %dma_start3A_630 = arith.constant 3 : i32
      %dma_start3A_631 = arith.constant 384 : i32
      %dma_start3A_632 = tpu.memref_slice %arg19[%dma_start3A_626, %dma_start3A_631] : memref<2x1024xf32, #tpu.memory_space<vmem>> -> memref<1x128xf32, #tpu.memory_space<vmem>>
      %dma_start3A_633 = tpu.memref_squeeze %dma_start3A_632 : memref<1x128xf32, #tpu.memory_space<vmem>> -> memref<128xf32, #tpu.memory_space<vmem>>
      %dma_start3A_634 = arith.constant 0 : i32
      %dma_start3A_635 = tpu.memref_slice %arg20[%dma_start3A_627, %dma_start3A_628, %dma_start3A_634] : memref<2x8x128xi32, #tpu.memory_space<vmem>> -> memref<1x1x128xi32, #tpu.memory_space<vmem>>
      %dma_start3A_636 = tpu.memref_squeeze %dma_start3A_635 : memref<1x1x128xi32, #tpu.memory_space<vmem>> -> memref<128xi32, #tpu.memory_space<vmem>>
      %dma_start3A_637 = arith.constant 0 : i32
      %dma_start3A_638 = tpu.memref_slice %arg22[%dma_start3A_637] : memref<50176xf32, #tpu.memory_space<vmem_shared>> -> memref<50176xf32, #tpu.memory_space<vmem_shared>>
      %dma_start3A_639 = tpu.memref_slice %arg25[%dma_start3A_629, %dma_start3A_630] : memref<2x8x!tpu.dma_semaphore, #tpu.memory_space<semaphore_mem>> -> memref<1x1x!tpu.dma_semaphore, #tpu.memory_space<semaphore_mem>>
      %dma_start3A_640 = tpu.memref_squeeze %dma_start3A_639 : memref<1x1x!tpu.dma_semaphore, #tpu.memory_space<semaphore_mem>> -> memref<!tpu.dma_semaphore, #tpu.memory_space<semaphore_mem>>
      tpu.enqueue_indirect_dma source(%dma_start3A_633 : memref<128xf32, #tpu.memory_space<vmem>>) target(%dma_start3A_638 : memref<50176xf32, #tpu.memory_space<vmem_shared>>) offsets(%dma_start3A_636 : memref<128xi32, #tpu.memory_space<vmem>>) semaphore(%dma_start3A_640 : memref<!tpu.dma_semaphore, #tpu.memory_space<semaphore_mem>>) {add = true}
      %dma_start3A_641 = arith.constant 0 : i32
      %dma_start3A_642 = arith.constant 0 : i32
      %dma_start3A_643 = arith.constant 4 : i32
      %dma_start3A_644 = arith.constant 0 : i32
      %dma_start3A_645 = arith.constant 4 : i32
      %dma_start3A_646 = arith.constant 512 : i32
      %dma_start3A_647 = tpu.memref_slice %arg19[%dma_start3A_641, %dma_start3A_646] : memref<2x1024xf32, #tpu.memory_space<vmem>> -> memref<1x128xf32, #tpu.memory_space<vmem>>
      %dma_start3A_648 = tpu.memref_squeeze %dma_start3A_647 : memref<1x128xf32, #tpu.memory_space<vmem>> -> memref<128xf32, #tpu.memory_space<vmem>>
      %dma_start3A_649 = arith.constant 0 : i32
      %dma_start3A_650 = tpu.memref_slice %arg20[%dma_start3A_642, %dma_start3A_643, %dma_start3A_649] : memref<2x8x128xi32, #tpu.memory_space<vmem>> -> memref<1x1x128xi32, #tpu.memory_space<vmem>>
      %dma_start3A_651 = tpu.memref_squeeze %dma_start3A_650 : memref<1x1x128xi32, #tpu.memory_space<vmem>> -> memref<128xi32, #tpu.memory_space<vmem>>
      %dma_start3A_652 = arith.constant 0 : i32
      %dma_start3A_653 = tpu.memref_slice %arg22[%dma_start3A_652] : memref<50176xf32, #tpu.memory_space<vmem_shared>> -> memref<50176xf32, #tpu.memory_space<vmem_shared>>
      %dma_start3A_654 = tpu.memref_slice %arg25[%dma_start3A_644, %dma_start3A_645] : memref<2x8x!tpu.dma_semaphore, #tpu.memory_space<semaphore_mem>> -> memref<1x1x!tpu.dma_semaphore, #tpu.memory_space<semaphore_mem>>
      %dma_start3A_655 = tpu.memref_squeeze %dma_start3A_654 : memref<1x1x!tpu.dma_semaphore, #tpu.memory_space<semaphore_mem>> -> memref<!tpu.dma_semaphore, #tpu.memory_space<semaphore_mem>>
      tpu.enqueue_indirect_dma source(%dma_start3A_648 : memref<128xf32, #tpu.memory_space<vmem>>) target(%dma_start3A_653 : memref<50176xf32, #tpu.memory_space<vmem_shared>>) offsets(%dma_start3A_651 : memref<128xi32, #tpu.memory_space<vmem>>) semaphore(%dma_start3A_655 : memref<!tpu.dma_semaphore, #tpu.memory_space<semaphore_mem>>) {add = true}
      %dma_start3A_656 = arith.constant 0 : i32
      %dma_start3A_657 = arith.constant 0 : i32
      %dma_start3A_658 = arith.constant 5 : i32
      %dma_start3A_659 = arith.constant 0 : i32
      %dma_start3A_660 = arith.constant 5 : i32
      %dma_start3A_661 = arith.constant 640 : i32
      %dma_start3A_662 = tpu.memref_slice %arg19[%dma_start3A_656, %dma_start3A_661] : memref<2x1024xf32, #tpu.memory_space<vmem>> -> memref<1x128xf32, #tpu.memory_space<vmem>>
      %dma_start3A_663 = tpu.memref_squeeze %dma_start3A_662 : memref<1x128xf32, #tpu.memory_space<vmem>> -> memref<128xf32, #tpu.memory_space<vmem>>
      %dma_start3A_664 = arith.constant 0 : i32
      %dma_start3A_665 = tpu.memref_slice %arg20[%dma_start3A_657, %dma_start3A_658, %dma_start3A_664] : memref<2x8x128xi32, #tpu.memory_space<vmem>> -> memref<1x1x128xi32, #tpu.memory_space<vmem>>
      %dma_start3A_666 = tpu.memref_squeeze %dma_start3A_665 : memref<1x1x128xi32, #tpu.memory_space<vmem>> -> memref<128xi32, #tpu.memory_space<vmem>>
      %dma_start3A_667 = arith.constant 0 : i32
      %dma_start3A_668 = tpu.memref_slice %arg22[%dma_start3A_667] : memref<50176xf32, #tpu.memory_space<vmem_shared>> -> memref<50176xf32, #tpu.memory_space<vmem_shared>>
      %dma_start3A_669 = tpu.memref_slice %arg25[%dma_start3A_659, %dma_start3A_660] : memref<2x8x!tpu.dma_semaphore, #tpu.memory_space<semaphore_mem>> -> memref<1x1x!tpu.dma_semaphore, #tpu.memory_space<semaphore_mem>>
      %dma_start3A_670 = tpu.memref_squeeze %dma_start3A_669 : memref<1x1x!tpu.dma_semaphore, #tpu.memory_space<semaphore_mem>> -> memref<!tpu.dma_semaphore, #tpu.memory_space<semaphore_mem>>
      tpu.enqueue_indirect_dma source(%dma_start3A_663 : memref<128xf32, #tpu.memory_space<vmem>>) target(%dma_start3A_668 : memref<50176xf32, #tpu.memory_space<vmem_shared>>) offsets(%dma_start3A_666 : memref<128xi32, #tpu.memory_space<vmem>>) semaphore(%dma_start3A_670 : memref<!tpu.dma_semaphore, #tpu.memory_space<semaphore_mem>>) {add = true}
      %dma_start3A_671 = arith.constant 0 : i32
      %dma_start3A_672 = arith.constant 0 : i32
      %dma_start3A_673 = arith.constant 6 : i32
      %dma_start3A_674 = arith.constant 0 : i32
      %dma_start3A_675 = arith.constant 6 : i32
      %dma_start3A_676 = arith.constant 768 : i32
      %dma_start3A_677 = tpu.memref_slice %arg19[%dma_start3A_671, %dma_start3A_676] : memref<2x1024xf32, #tpu.memory_space<vmem>> -> memref<1x128xf32, #tpu.memory_space<vmem>>
      %dma_start3A_678 = tpu.memref_squeeze %dma_start3A_677 : memref<1x128xf32, #tpu.memory_space<vmem>> -> memref<128xf32, #tpu.memory_space<vmem>>
      %dma_start3A_679 = arith.constant 0 : i32
      %dma_start3A_680 = tpu.memref_slice %arg20[%dma_start3A_672, %dma_start3A_673, %dma_start3A_679] : memref<2x8x128xi32, #tpu.memory_space<vmem>> -> memref<1x1x128xi32, #tpu.memory_space<vmem>>
      %dma_start3A_681 = tpu.memref_squeeze %dma_start3A_680 : memref<1x1x128xi32, #tpu.memory_space<vmem>> -> memref<128xi32, #tpu.memory_space<vmem>>
      %dma_start3A_682 = arith.constant 0 : i32
      %dma_start3A_683 = tpu.memref_slice %arg22[%dma_start3A_682] : memref<50176xf32, #tpu.memory_space<vmem_shared>> -> memref<50176xf32, #tpu.memory_space<vmem_shared>>
      %dma_start3A_684 = tpu.memref_slice %arg25[%dma_start3A_674, %dma_start3A_675] : memref<2x8x!tpu.dma_semaphore, #tpu.memory_space<semaphore_mem>> -> memref<1x1x!tpu.dma_semaphore, #tpu.memory_space<semaphore_mem>>
      %dma_start3A_685 = tpu.memref_squeeze %dma_start3A_684 : memref<1x1x!tpu.dma_semaphore, #tpu.memory_space<semaphore_mem>> -> memref<!tpu.dma_semaphore, #tpu.memory_space<semaphore_mem>>
      tpu.enqueue_indirect_dma source(%dma_start3A_678 : memref<128xf32, #tpu.memory_space<vmem>>) target(%dma_start3A_683 : memref<50176xf32, #tpu.memory_space<vmem_shared>>) offsets(%dma_start3A_681 : memref<128xi32, #tpu.memory_space<vmem>>) semaphore(%dma_start3A_685 : memref<!tpu.dma_semaphore, #tpu.memory_space<semaphore_mem>>) {add = true}
      %dma_start3A_686 = arith.constant 0 : i32
      %dma_start3A_687 = arith.constant 0 : i32
      %dma_start3A_688 = arith.constant 7 : i32
      %dma_start3A_689 = arith.constant 0 : i32
      %dma_start3A_690 = arith.constant 7 : i32
      %dma_start3A_691 = arith.constant 896 : i32
      %dma_start3A_692 = tpu.memref_slice %arg19[%dma_start3A_686, %dma_start3A_691] : memref<2x1024xf32, #tpu.memory_space<vmem>> -> memref<1x128xf32, #tpu.memory_space<vmem>>
      %dma_start3A_693 = tpu.memref_squeeze %dma_start3A_692 : memref<1x128xf32, #tpu.memory_space<vmem>> -> memref<128xf32, #tpu.memory_space<vmem>>
      %dma_start3A_694 = arith.constant 0 : i32
      %dma_start3A_695 = tpu.memref_slice %arg20[%dma_start3A_687, %dma_start3A_688, %dma_start3A_694] : memref<2x8x128xi32, #tpu.memory_space<vmem>> -> memref<1x1x128xi32, #tpu.memory_space<vmem>>
      %dma_start3A_696 = tpu.memref_squeeze %dma_start3A_695 : memref<1x1x128xi32, #tpu.memory_space<vmem>> -> memref<128xi32, #tpu.memory_space<vmem>>
      %dma_start3A_697 = arith.constant 0 : i32
      %dma_start3A_698 = tpu.memref_slice %arg22[%dma_start3A_697] : memref<50176xf32, #tpu.memory_space<vmem_shared>> -> memref<50176xf32, #tpu.memory_space<vmem_shared>>
      %dma_start3A_699 = tpu.memref_slice %arg25[%dma_start3A_689, %dma_start3A_690] : memref<2x8x!tpu.dma_semaphore, #tpu.memory_space<semaphore_mem>> -> memref<1x1x!tpu.dma_semaphore, #tpu.memory_space<semaphore_mem>>
      %dma_start3A_700 = tpu.memref_squeeze %dma_start3A_699 : memref<1x1x!tpu.dma_semaphore, #tpu.memory_space<semaphore_mem>> -> memref<!tpu.dma_semaphore, #tpu.memory_space<semaphore_mem>>
      tpu.enqueue_indirect_dma source(%dma_start3A_693 : memref<128xf32, #tpu.memory_space<vmem>>) target(%dma_start3A_698 : memref<50176xf32, #tpu.memory_space<vmem_shared>>) offsets(%dma_start3A_696 : memref<128xi32, #tpu.memory_space<vmem>>) semaphore(%dma_start3A_700 : memref<!tpu.dma_semaphore, #tpu.memory_space<semaphore_mem>>) {add = true}
      %add3A_701 = arith.constant 2 : i32
      %add3A_702 = arith.addi %mul3A_490, %add3A_701 : i32
      %mul3A_703 = arith.constant 1024 : i32
      %mul3A_704 = arith.muli %add3A_702, %mul3A_703 : i32
      %add3A_705 = arith.addi %mul3A_37, %mul3A_704 : i32
      %dma_start3A_706 = arith.constant 0 : i32
      %dma_start3A_707 = arith.constant 0 : i32
      %dma_start3A_708 = arith.constant 0 : i32
      %dma_start3A_709 = tpu.memref_slice %arg15[%dma_start3A_706, %dma_start3A_708] : memref<2x1024xi32, #tpu.memory_space<vmem>> -> memref<1x1024xi32, #tpu.memory_space<vmem>>
      %dma_start3A_710 = tpu.memref_squeeze %dma_start3A_709 : memref<1x1024xi32, #tpu.memory_space<vmem>> -> memref<1024xi32, #tpu.memory_space<vmem>>
      %dma_start3A_711 = tpu.memref_slice %arg6[%add3A_705] : memref<1640448xi32, #tpu.memory_space<hbm>> -> memref<1024xi32, #tpu.memory_space<hbm>>
      %dma_start3A_712 = tpu.memref_slice %arg23[%dma_start3A_707] : memref<2x!tpu.dma_semaphore, #tpu.memory_space<semaphore_mem>> -> memref<1x!tpu.dma_semaphore, #tpu.memory_space<semaphore_mem>>
      %dma_start3A_713 = tpu.memref_squeeze %dma_start3A_712 : memref<1x!tpu.dma_semaphore, #tpu.memory_space<semaphore_mem>> -> memref<!tpu.dma_semaphore, #tpu.memory_space<semaphore_mem>>
      %dma_start3A_714 = arith.constant 0 : i32
      %dma_start3A_715 = tpu.memref_slice %arg15[%dma_start3A_706, %dma_start3A_714] : memref<2x1024xi32, #tpu.memory_space<vmem>> -> memref<1x1024xi32, #tpu.memory_space<vmem>>
      %dma_start3A_716 = tpu.memref_squeeze %dma_start3A_715 : memref<1x1024xi32, #tpu.memory_space<vmem>> -> memref<1024xi32, #tpu.memory_space<vmem>>
      %dma_start3A_717 = tpu.memref_slice %arg6[%add3A_705] : memref<1640448xi32, #tpu.memory_space<hbm>> -> memref<1024xi32, #tpu.memory_space<hbm>>
      tpu.enqueue_dma source(%dma_start3A_717 : memref<1024xi32, #tpu.memory_space<hbm>>) target(%dma_start3A_716 : memref<1024xi32, #tpu.memory_space<vmem>>) target_semaphore(%dma_start3A_713 : memref<!tpu.dma_semaphore, #tpu.memory_space<semaphore_mem>>)
      %dma_start3A_718 = arith.constant 0 : i32
      %dma_start3A_719 = arith.constant 0 : i32
      %dma_start3A_720 = arith.constant 0 : i32
      %dma_start3A_721 = tpu.memref_slice %arg16[%dma_start3A_718, %dma_start3A_720] : memref<2x1024xi32, #tpu.memory_space<vmem>> -> memref<1x1024xi32, #tpu.memory_space<vmem>>
      %dma_start3A_722 = tpu.memref_squeeze %dma_start3A_721 : memref<1x1024xi32, #tpu.memory_space<vmem>> -> memref<1024xi32, #tpu.memory_space<vmem>>
      %dma_start3A_723 = tpu.memref_slice %arg7[%add3A_705] : memref<1640448xi32, #tpu.memory_space<hbm>> -> memref<1024xi32, #tpu.memory_space<hbm>>
      %dma_start3A_724 = tpu.memref_slice %arg23[%dma_start3A_719] : memref<2x!tpu.dma_semaphore, #tpu.memory_space<semaphore_mem>> -> memref<1x!tpu.dma_semaphore, #tpu.memory_space<semaphore_mem>>
      %dma_start3A_725 = tpu.memref_squeeze %dma_start3A_724 : memref<1x!tpu.dma_semaphore, #tpu.memory_space<semaphore_mem>> -> memref<!tpu.dma_semaphore, #tpu.memory_space<semaphore_mem>>
      %dma_start3A_726 = arith.constant 0 : i32
      %dma_start3A_727 = tpu.memref_slice %arg16[%dma_start3A_718, %dma_start3A_726] : memref<2x1024xi32, #tpu.memory_space<vmem>> -> memref<1x1024xi32, #tpu.memory_space<vmem>>
      %dma_start3A_728 = tpu.memref_squeeze %dma_start3A_727 : memref<1x1024xi32, #tpu.memory_space<vmem>> -> memref<1024xi32, #tpu.memory_space<vmem>>
      %dma_start3A_729 = tpu.memref_slice %arg7[%add3A_705] : memref<1640448xi32, #tpu.memory_space<hbm>> -> memref<1024xi32, #tpu.memory_space<hbm>>
      tpu.enqueue_dma source(%dma_start3A_729 : memref<1024xi32, #tpu.memory_space<hbm>>) target(%dma_start3A_728 : memref<1024xi32, #tpu.memory_space<vmem>>) target_semaphore(%dma_start3A_725 : memref<!tpu.dma_semaphore, #tpu.memory_space<semaphore_mem>>)
      %dma_start3A_730 = arith.constant 0 : i32
      %dma_start3A_731 = arith.constant 0 : i32
      %dma_start3A_732 = arith.constant 0 : i32
      %dma_start3A_733 = tpu.memref_slice %arg17[%dma_start3A_730, %dma_start3A_732] : memref<2x1024xf32, #tpu.memory_space<vmem>> -> memref<1x1024xf32, #tpu.memory_space<vmem>>
      %dma_start3A_734 = tpu.memref_squeeze %dma_start3A_733 : memref<1x1024xf32, #tpu.memory_space<vmem>> -> memref<1024xf32, #tpu.memory_space<vmem>>
      %dma_start3A_735 = tpu.memref_slice %arg8[%add3A_705] : memref<1640448xf32, #tpu.memory_space<hbm>> -> memref<1024xf32, #tpu.memory_space<hbm>>
      %dma_start3A_736 = tpu.memref_slice %arg23[%dma_start3A_731] : memref<2x!tpu.dma_semaphore, #tpu.memory_space<semaphore_mem>> -> memref<1x!tpu.dma_semaphore, #tpu.memory_space<semaphore_mem>>
      %dma_start3A_737 = tpu.memref_squeeze %dma_start3A_736 : memref<1x!tpu.dma_semaphore, #tpu.memory_space<semaphore_mem>> -> memref<!tpu.dma_semaphore, #tpu.memory_space<semaphore_mem>>
      %dma_start3A_738 = arith.constant 0 : i32
      %dma_start3A_739 = tpu.memref_slice %arg17[%dma_start3A_730, %dma_start3A_738] : memref<2x1024xf32, #tpu.memory_space<vmem>> -> memref<1x1024xf32, #tpu.memory_space<vmem>>
      %dma_start3A_740 = tpu.memref_squeeze %dma_start3A_739 : memref<1x1024xf32, #tpu.memory_space<vmem>> -> memref<1024xf32, #tpu.memory_space<vmem>>
      %dma_start3A_741 = tpu.memref_slice %arg8[%add3A_705] : memref<1640448xf32, #tpu.memory_space<hbm>> -> memref<1024xf32, #tpu.memory_space<hbm>>
      tpu.enqueue_dma source(%dma_start3A_741 : memref<1024xf32, #tpu.memory_space<hbm>>) target(%dma_start3A_740 : memref<1024xf32, #tpu.memory_space<vmem>>) target_semaphore(%dma_start3A_737 : memref<!tpu.dma_semaphore, #tpu.memory_space<semaphore_mem>>)
      %dma_start3A_742 = arith.constant 0 : i32
      %dma_start3A_743 = arith.constant 0 : i32
      %dma_start3A_744 = arith.constant 0 : i32
      %dma_start3A_745 = tpu.memref_slice %arg18[%dma_start3A_742, %dma_start3A_744] : memref<2x1024xf32, #tpu.memory_space<vmem>> -> memref<1x1024xf32, #tpu.memory_space<vmem>>
      %dma_start3A_746 = tpu.memref_squeeze %dma_start3A_745 : memref<1x1024xf32, #tpu.memory_space<vmem>> -> memref<1024xf32, #tpu.memory_space<vmem>>
      %dma_start3A_747 = tpu.memref_slice %arg9[%add3A_705] : memref<1640448xf32, #tpu.memory_space<hbm>> -> memref<1024xf32, #tpu.memory_space<hbm>>
      %dma_start3A_748 = tpu.memref_slice %arg23[%dma_start3A_743] : memref<2x!tpu.dma_semaphore, #tpu.memory_space<semaphore_mem>> -> memref<1x!tpu.dma_semaphore, #tpu.memory_space<semaphore_mem>>
      %dma_start3A_749 = tpu.memref_squeeze %dma_start3A_748 : memref<1x!tpu.dma_semaphore, #tpu.memory_space<semaphore_mem>> -> memref<!tpu.dma_semaphore, #tpu.memory_space<semaphore_mem>>
      %dma_start3A_750 = arith.constant 0 : i32
      %dma_start3A_751 = tpu.memref_slice %arg18[%dma_start3A_742, %dma_start3A_750] : memref<2x1024xf32, #tpu.memory_space<vmem>> -> memref<1x1024xf32, #tpu.memory_space<vmem>>
      %dma_start3A_752 = tpu.memref_squeeze %dma_start3A_751 : memref<1x1024xf32, #tpu.memory_space<vmem>> -> memref<1024xf32, #tpu.memory_space<vmem>>
      %dma_start3A_753 = tpu.memref_slice %arg9[%add3A_705] : memref<1640448xf32, #tpu.memory_space<hbm>> -> memref<1024xf32, #tpu.memory_space<hbm>>
      tpu.enqueue_dma source(%dma_start3A_753 : memref<1024xf32, #tpu.memory_space<hbm>>) target(%dma_start3A_752 : memref<1024xf32, #tpu.memory_space<vmem>>) target_semaphore(%dma_start3A_749 : memref<!tpu.dma_semaphore, #tpu.memory_space<semaphore_mem>>)
      %add3A_754 = arith.constant 1 : i32
      %add3A_755 = arith.addi %mul3A_490, %add3A_754 : i32
      %mul3A_756 = arith.constant 1024 : i32
      %mul3A_757 = arith.muli %add3A_755, %mul3A_756 : i32
      %add3A_758 = arith.addi %mul3A_37, %mul3A_757 : i32
      %dma_wait3A_759 = arith.constant 1 : i32
      %dma_wait3A_760 = arith.constant 1 : i32
      %dma_wait3A_761 = arith.constant 0 : i32
      %dma_wait3A_762 = tpu.memref_slice %arg15[%dma_wait3A_759, %dma_wait3A_761] : memref<2x1024xi32, #tpu.memory_space<vmem>> -> memref<1x1024xi32, #tpu.memory_space<vmem>>
      %dma_wait3A_763 = tpu.memref_squeeze %dma_wait3A_762 : memref<1x1024xi32, #tpu.memory_space<vmem>> -> memref<1024xi32, #tpu.memory_space<vmem>>
      %dma_wait3A_764 = tpu.memref_slice %arg6[%add3A_758] : memref<1640448xi32, #tpu.memory_space<hbm>> -> memref<1024xi32, #tpu.memory_space<hbm>>
      %dma_wait3A_765 = tpu.memref_slice %arg23[%dma_wait3A_760] : memref<2x!tpu.dma_semaphore, #tpu.memory_space<semaphore_mem>> -> memref<1x!tpu.dma_semaphore, #tpu.memory_space<semaphore_mem>>
      %dma_wait3A_766 = tpu.memref_squeeze %dma_wait3A_765 : memref<1x!tpu.dma_semaphore, #tpu.memory_space<semaphore_mem>> -> memref<!tpu.dma_semaphore, #tpu.memory_space<semaphore_mem>>
      %dma_wait3A_767 = arith.constant 0 : i32
      %dma_wait3A_768 = tpu.memref_slice %arg15[%dma_wait3A_759, %dma_wait3A_767] : memref<2x1024xi32, #tpu.memory_space<vmem>> -> memref<1x1024xi32, #tpu.memory_space<vmem>>
      %dma_wait3A_769 = tpu.memref_squeeze %dma_wait3A_768 : memref<1x1024xi32, #tpu.memory_space<vmem>> -> memref<1024xi32, #tpu.memory_space<vmem>>
      %dma_wait3A_770 = tpu.memref_slice %arg6[%add3A_758] : memref<1640448xi32, #tpu.memory_space<hbm>> -> memref<1024xi32, #tpu.memory_space<hbm>>
      tpu.wait_dma2 semaphore(%dma_wait3A_766 : memref<!tpu.dma_semaphore, #tpu.memory_space<semaphore_mem>>) src(%dma_wait3A_770 : memref<1024xi32, #tpu.memory_space<hbm>>) dst(%dma_wait3A_769 : memref<1024xi32, #tpu.memory_space<vmem>>)
      %dma_wait3A_771 = arith.constant 1 : i32
      %dma_wait3A_772 = arith.constant 1 : i32
      %dma_wait3A_773 = arith.constant 0 : i32
      %dma_wait3A_774 = tpu.memref_slice %arg16[%dma_wait3A_771, %dma_wait3A_773] : memref<2x1024xi32, #tpu.memory_space<vmem>> -> memref<1x1024xi32, #tpu.memory_space<vmem>>
      %dma_wait3A_775 = tpu.memref_squeeze %dma_wait3A_774 : memref<1x1024xi32, #tpu.memory_space<vmem>> -> memref<1024xi32, #tpu.memory_space<vmem>>
      %dma_wait3A_776 = tpu.memref_slice %arg7[%add3A_758] : memref<1640448xi32, #tpu.memory_space<hbm>> -> memref<1024xi32, #tpu.memory_space<hbm>>
      %dma_wait3A_777 = tpu.memref_slice %arg23[%dma_wait3A_772] : memref<2x!tpu.dma_semaphore, #tpu.memory_space<semaphore_mem>> -> memref<1x!tpu.dma_semaphore, #tpu.memory_space<semaphore_mem>>
      %dma_wait3A_778 = tpu.memref_squeeze %dma_wait3A_777 : memref<1x!tpu.dma_semaphore, #tpu.memory_space<semaphore_mem>> -> memref<!tpu.dma_semaphore, #tpu.memory_space<semaphore_mem>>
      %dma_wait3A_779 = arith.constant 0 : i32
      %dma_wait3A_780 = tpu.memref_slice %arg16[%dma_wait3A_771, %dma_wait3A_779] : memref<2x1024xi32, #tpu.memory_space<vmem>> -> memref<1x1024xi32, #tpu.memory_space<vmem>>
      %dma_wait3A_781 = tpu.memref_squeeze %dma_wait3A_780 : memref<1x1024xi32, #tpu.memory_space<vmem>> -> memref<1024xi32, #tpu.memory_space<vmem>>
      %dma_wait3A_782 = tpu.memref_slice %arg7[%add3A_758] : memref<1640448xi32, #tpu.memory_space<hbm>> -> memref<1024xi32, #tpu.memory_space<hbm>>
      tpu.wait_dma2 semaphore(%dma_wait3A_778 : memref<!tpu.dma_semaphore, #tpu.memory_space<semaphore_mem>>) src(%dma_wait3A_782 : memref<1024xi32, #tpu.memory_space<hbm>>) dst(%dma_wait3A_781 : memref<1024xi32, #tpu.memory_space<vmem>>)
      %dma_wait3A_783 = arith.constant 1 : i32
      %dma_wait3A_784 = arith.constant 1 : i32
      %dma_wait3A_785 = arith.constant 0 : i32
      %dma_wait3A_786 = tpu.memref_slice %arg17[%dma_wait3A_783, %dma_wait3A_785] : memref<2x1024xf32, #tpu.memory_space<vmem>> -> memref<1x1024xf32, #tpu.memory_space<vmem>>
      %dma_wait3A_787 = tpu.memref_squeeze %dma_wait3A_786 : memref<1x1024xf32, #tpu.memory_space<vmem>> -> memref<1024xf32, #tpu.memory_space<vmem>>
      %dma_wait3A_788 = tpu.memref_slice %arg8[%add3A_758] : memref<1640448xf32, #tpu.memory_space<hbm>> -> memref<1024xf32, #tpu.memory_space<hbm>>
      %dma_wait3A_789 = tpu.memref_slice %arg23[%dma_wait3A_784] : memref<2x!tpu.dma_semaphore, #tpu.memory_space<semaphore_mem>> -> memref<1x!tpu.dma_semaphore, #tpu.memory_space<semaphore_mem>>
      %dma_wait3A_790 = tpu.memref_squeeze %dma_wait3A_789 : memref<1x!tpu.dma_semaphore, #tpu.memory_space<semaphore_mem>> -> memref<!tpu.dma_semaphore, #tpu.memory_space<semaphore_mem>>
      %dma_wait3A_791 = arith.constant 0 : i32
      %dma_wait3A_792 = tpu.memref_slice %arg17[%dma_wait3A_783, %dma_wait3A_791] : memref<2x1024xf32, #tpu.memory_space<vmem>> -> memref<1x1024xf32, #tpu.memory_space<vmem>>
      %dma_wait3A_793 = tpu.memref_squeeze %dma_wait3A_792 : memref<1x1024xf32, #tpu.memory_space<vmem>> -> memref<1024xf32, #tpu.memory_space<vmem>>
      %dma_wait3A_794 = tpu.memref_slice %arg8[%add3A_758] : memref<1640448xf32, #tpu.memory_space<hbm>> -> memref<1024xf32, #tpu.memory_space<hbm>>
      tpu.wait_dma2 semaphore(%dma_wait3A_790 : memref<!tpu.dma_semaphore, #tpu.memory_space<semaphore_mem>>) src(%dma_wait3A_794 : memref<1024xf32, #tpu.memory_space<hbm>>) dst(%dma_wait3A_793 : memref<1024xf32, #tpu.memory_space<vmem>>)
      %dma_wait3A_795 = arith.constant 1 : i32
      %dma_wait3A_796 = arith.constant 1 : i32
      %dma_wait3A_797 = arith.constant 0 : i32
      %dma_wait3A_798 = tpu.memref_slice %arg18[%dma_wait3A_795, %dma_wait3A_797] : memref<2x1024xf32, #tpu.memory_space<vmem>> -> memref<1x1024xf32, #tpu.memory_space<vmem>>
      %dma_wait3A_799 = tpu.memref_squeeze %dma_wait3A_798 : memref<1x1024xf32, #tpu.memory_space<vmem>> -> memref<1024xf32, #tpu.memory_space<vmem>>
      %dma_wait3A_800 = tpu.memref_slice %arg9[%add3A_758] : memref<1640448xf32, #tpu.memory_space<hbm>> -> memref<1024xf32, #tpu.memory_space<hbm>>
      %dma_wait3A_801 = tpu.memref_slice %arg23[%dma_wait3A_796] : memref<2x!tpu.dma_semaphore, #tpu.memory_space<semaphore_mem>> -> memref<1x!tpu.dma_semaphore, #tpu.memory_space<semaphore_mem>>
      %dma_wait3A_802 = tpu.memref_squeeze %dma_wait3A_801 : memref<1x!tpu.dma_semaphore, #tpu.memory_space<semaphore_mem>> -> memref<!tpu.dma_semaphore, #tpu.memory_space<semaphore_mem>>
      %dma_wait3A_803 = arith.constant 0 : i32
      %dma_wait3A_804 = tpu.memref_slice %arg18[%dma_wait3A_795, %dma_wait3A_803] : memref<2x1024xf32, #tpu.memory_space<vmem>> -> memref<1x1024xf32, #tpu.memory_space<vmem>>
      %dma_wait3A_805 = tpu.memref_squeeze %dma_wait3A_804 : memref<1x1024xf32, #tpu.memory_space<vmem>> -> memref<1024xf32, #tpu.memory_space<vmem>>
      %dma_wait3A_806 = tpu.memref_slice %arg9[%add3A_758] : memref<1640448xf32, #tpu.memory_space<hbm>> -> memref<1024xf32, #tpu.memory_space<hbm>>
      tpu.wait_dma2 semaphore(%dma_wait3A_802 : memref<!tpu.dma_semaphore, #tpu.memory_space<semaphore_mem>>) src(%dma_wait3A_806 : memref<1024xf32, #tpu.memory_space<hbm>>) dst(%dma_wait3A_805 : memref<1024xf32, #tpu.memory_space<vmem>>)
      %gt3A_807 = arith.constant 0 : i32
      %gt3A_808 = arith.cmpi sgt, %scan3A_488, %gt3A_807 : i32
      %convert_element_type3A_809 = arith.extui %gt3A_808 : i1 to i32
      %cond3A_810 = arith.constant 0 : i32
      %cond3A_811 = arith.cmpi ne, %convert_element_type3A_809, %cond3A_810 : i32
      scf.if %cond3A_811 {
        %dma_wait3A_1023 = arith.constant 1 : i32
        %dma_wait3A_1024 = arith.constant 1 : i32
        %dma_wait3A_1025 = arith.constant 0 : i32
        %dma_wait3A_1026 = arith.constant 1 : i32
        %dma_wait3A_1027 = arith.constant 0 : i32
        %dma_wait3A_1028 = arith.constant 0 : i32
        %dma_wait3A_1029 = tpu.memref_slice %arg19[%dma_wait3A_1023, %dma_wait3A_1028] : memref<2x1024xf32, #tpu.memory_space<vmem>> -> memref<1x128xf32, #tpu.memory_space<vmem>>
        %dma_wait3A_1030 = tpu.memref_squeeze %dma_wait3A_1029 : memref<1x128xf32, #tpu.memory_space<vmem>> -> memref<128xf32, #tpu.memory_space<vmem>>
        %dma_wait3A_1031 = arith.constant 0 : i32
        %dma_wait3A_1032 = tpu.memref_slice %arg20[%dma_wait3A_1024, %dma_wait3A_1025, %dma_wait3A_1031] : memref<2x8x128xi32, #tpu.memory_space<vmem>> -> memref<1x1x128xi32, #tpu.memory_space<vmem>>
        %dma_wait3A_1033 = tpu.memref_squeeze %dma_wait3A_1032 : memref<1x1x128xi32, #tpu.memory_space<vmem>> -> memref<128xi32, #tpu.memory_space<vmem>>
        %dma_wait3A_1034 = arith.constant 0 : i32
        %dma_wait3A_1035 = tpu.memref_slice %arg22[%dma_wait3A_1034] : memref<50176xf32, #tpu.memory_space<vmem_shared>> -> memref<50176xf32, #tpu.memory_space<vmem_shared>>
        %dma_wait3A_1036 = tpu.memref_slice %arg25[%dma_wait3A_1026, %dma_wait3A_1027] : memref<2x8x!tpu.dma_semaphore, #tpu.memory_space<semaphore_mem>> -> memref<1x1x!tpu.dma_semaphore, #tpu.memory_space<semaphore_mem>>
        %dma_wait3A_1037 = tpu.memref_squeeze %dma_wait3A_1036 : memref<1x1x!tpu.dma_semaphore, #tpu.memory_space<semaphore_mem>> -> memref<!tpu.dma_semaphore, #tpu.memory_space<semaphore_mem>>
        tpu.wait_indirect_dma semaphore(%dma_wait3A_1037 : memref<!tpu.dma_semaphore, #tpu.memory_space<semaphore_mem>>) src(%dma_wait3A_1030 : memref<128xf32, #tpu.memory_space<vmem>>) dst(%dma_wait3A_1035 : memref<50176xf32, #tpu.memory_space<vmem_shared>>)
        %dma_wait3A_1038 = arith.constant 1 : i32
        %dma_wait3A_1039 = arith.constant 1 : i32
        %dma_wait3A_1040 = arith.constant 1 : i32
        %dma_wait3A_1041 = arith.constant 1 : i32
        %dma_wait3A_1042 = arith.constant 1 : i32
        %dma_wait3A_1043 = arith.constant 128 : i32
        %dma_wait3A_1044 = tpu.memref_slice %arg19[%dma_wait3A_1038, %dma_wait3A_1043] : memref<2x1024xf32, #tpu.memory_space<vmem>> -> memref<1x128xf32, #tpu.memory_space<vmem>>
        %dma_wait3A_1045 = tpu.memref_squeeze %dma_wait3A_1044 : memref<1x128xf32, #tpu.memory_space<vmem>> -> memref<128xf32, #tpu.memory_space<vmem>>
        %dma_wait3A_1046 = arith.constant 0 : i32
        %dma_wait3A_1047 = tpu.memref_slice %arg20[%dma_wait3A_1039, %dma_wait3A_1040, %dma_wait3A_1046] : memref<2x8x128xi32, #tpu.memory_space<vmem>> -> memref<1x1x128xi32, #tpu.memory_space<vmem>>
        %dma_wait3A_1048 = tpu.memref_squeeze %dma_wait3A_1047 : memref<1x1x128xi32, #tpu.memory_space<vmem>> -> memref<128xi32, #tpu.memory_space<vmem>>
        %dma_wait3A_1049 = arith.constant 0 : i32
        %dma_wait3A_1050 = tpu.memref_slice %arg22[%dma_wait3A_1049] : memref<50176xf32, #tpu.memory_space<vmem_shared>> -> memref<50176xf32, #tpu.memory_space<vmem_shared>>
        %dma_wait3A_1051 = tpu.memref_slice %arg25[%dma_wait3A_1041, %dma_wait3A_1042] : memref<2x8x!tpu.dma_semaphore, #tpu.memory_space<semaphore_mem>> -> memref<1x1x!tpu.dma_semaphore, #tpu.memory_space<semaphore_mem>>
        %dma_wait3A_1052 = tpu.memref_squeeze %dma_wait3A_1051 : memref<1x1x!tpu.dma_semaphore, #tpu.memory_space<semaphore_mem>> -> memref<!tpu.dma_semaphore, #tpu.memory_space<semaphore_mem>>
        tpu.wait_indirect_dma semaphore(%dma_wait3A_1052 : memref<!tpu.dma_semaphore, #tpu.memory_space<semaphore_mem>>) src(%dma_wait3A_1045 : memref<128xf32, #tpu.memory_space<vmem>>) dst(%dma_wait3A_1050 : memref<50176xf32, #tpu.memory_space<vmem_shared>>)
        %dma_wait3A_1053 = arith.constant 1 : i32
        %dma_wait3A_1054 = arith.constant 1 : i32
        %dma_wait3A_1055 = arith.constant 2 : i32
        %dma_wait3A_1056 = arith.constant 1 : i32
        %dma_wait3A_1057 = arith.constant 2 : i32
        %dma_wait3A_1058 = arith.constant 256 : i32
        %dma_wait3A_1059 = tpu.memref_slice %arg19[%dma_wait3A_1053, %dma_wait3A_1058] : memref<2x1024xf32, #tpu.memory_space<vmem>> -> memref<1x128xf32, #tpu.memory_space<vmem>>
        %dma_wait3A_1060 = tpu.memref_squeeze %dma_wait3A_1059 : memref<1x128xf32, #tpu.memory_space<vmem>> -> memref<128xf32, #tpu.memory_space<vmem>>
        %dma_wait3A_1061 = arith.constant 0 : i32
        %dma_wait3A_1062 = tpu.memref_slice %arg20[%dma_wait3A_1054, %dma_wait3A_1055, %dma_wait3A_1061] : memref<2x8x128xi32, #tpu.memory_space<vmem>> -> memref<1x1x128xi32, #tpu.memory_space<vmem>>
        %dma_wait3A_1063 = tpu.memref_squeeze %dma_wait3A_1062 : memref<1x1x128xi32, #tpu.memory_space<vmem>> -> memref<128xi32, #tpu.memory_space<vmem>>
        %dma_wait3A_1064 = arith.constant 0 : i32
        %dma_wait3A_1065 = tpu.memref_slice %arg22[%dma_wait3A_1064] : memref<50176xf32, #tpu.memory_space<vmem_shared>> -> memref<50176xf32, #tpu.memory_space<vmem_shared>>
        %dma_wait3A_1066 = tpu.memref_slice %arg25[%dma_wait3A_1056, %dma_wait3A_1057] : memref<2x8x!tpu.dma_semaphore, #tpu.memory_space<semaphore_mem>> -> memref<1x1x!tpu.dma_semaphore, #tpu.memory_space<semaphore_mem>>
        %dma_wait3A_1067 = tpu.memref_squeeze %dma_wait3A_1066 : memref<1x1x!tpu.dma_semaphore, #tpu.memory_space<semaphore_mem>> -> memref<!tpu.dma_semaphore, #tpu.memory_space<semaphore_mem>>
        tpu.wait_indirect_dma semaphore(%dma_wait3A_1067 : memref<!tpu.dma_semaphore, #tpu.memory_space<semaphore_mem>>) src(%dma_wait3A_1060 : memref<128xf32, #tpu.memory_space<vmem>>) dst(%dma_wait3A_1065 : memref<50176xf32, #tpu.memory_space<vmem_shared>>)
        %dma_wait3A_1068 = arith.constant 1 : i32
        %dma_wait3A_1069 = arith.constant 1 : i32
        %dma_wait3A_1070 = arith.constant 3 : i32
        %dma_wait3A_1071 = arith.constant 1 : i32
        %dma_wait3A_1072 = arith.constant 3 : i32
        %dma_wait3A_1073 = arith.constant 384 : i32
        %dma_wait3A_1074 = tpu.memref_slice %arg19[%dma_wait3A_1068, %dma_wait3A_1073] : memref<2x1024xf32, #tpu.memory_space<vmem>> -> memref<1x128xf32, #tpu.memory_space<vmem>>
        %dma_wait3A_1075 = tpu.memref_squeeze %dma_wait3A_1074 : memref<1x128xf32, #tpu.memory_space<vmem>> -> memref<128xf32, #tpu.memory_space<vmem>>
        %dma_wait3A_1076 = arith.constant 0 : i32
        %dma_wait3A_1077 = tpu.memref_slice %arg20[%dma_wait3A_1069, %dma_wait3A_1070, %dma_wait3A_1076] : memref<2x8x128xi32, #tpu.memory_space<vmem>> -> memref<1x1x128xi32, #tpu.memory_space<vmem>>
        %dma_wait3A_1078 = tpu.memref_squeeze %dma_wait3A_1077 : memref<1x1x128xi32, #tpu.memory_space<vmem>> -> memref<128xi32, #tpu.memory_space<vmem>>
        %dma_wait3A_1079 = arith.constant 0 : i32
        %dma_wait3A_1080 = tpu.memref_slice %arg22[%dma_wait3A_1079] : memref<50176xf32, #tpu.memory_space<vmem_shared>> -> memref<50176xf32, #tpu.memory_space<vmem_shared>>
        %dma_wait3A_1081 = tpu.memref_slice %arg25[%dma_wait3A_1071, %dma_wait3A_1072] : memref<2x8x!tpu.dma_semaphore, #tpu.memory_space<semaphore_mem>> -> memref<1x1x!tpu.dma_semaphore, #tpu.memory_space<semaphore_mem>>
        %dma_wait3A_1082 = tpu.memref_squeeze %dma_wait3A_1081 : memref<1x1x!tpu.dma_semaphore, #tpu.memory_space<semaphore_mem>> -> memref<!tpu.dma_semaphore, #tpu.memory_space<semaphore_mem>>
        tpu.wait_indirect_dma semaphore(%dma_wait3A_1082 : memref<!tpu.dma_semaphore, #tpu.memory_space<semaphore_mem>>) src(%dma_wait3A_1075 : memref<128xf32, #tpu.memory_space<vmem>>) dst(%dma_wait3A_1080 : memref<50176xf32, #tpu.memory_space<vmem_shared>>)
        %dma_wait3A_1083 = arith.constant 1 : i32
        %dma_wait3A_1084 = arith.constant 1 : i32
        %dma_wait3A_1085 = arith.constant 4 : i32
        %dma_wait3A_1086 = arith.constant 1 : i32
        %dma_wait3A_1087 = arith.constant 4 : i32
        %dma_wait3A_1088 = arith.constant 512 : i32
        %dma_wait3A_1089 = tpu.memref_slice %arg19[%dma_wait3A_1083, %dma_wait3A_1088] : memref<2x1024xf32, #tpu.memory_space<vmem>> -> memref<1x128xf32, #tpu.memory_space<vmem>>
        %dma_wait3A_1090 = tpu.memref_squeeze %dma_wait3A_1089 : memref<1x128xf32, #tpu.memory_space<vmem>> -> memref<128xf32, #tpu.memory_space<vmem>>
        %dma_wait3A_1091 = arith.constant 0 : i32
        %dma_wait3A_1092 = tpu.memref_slice %arg20[%dma_wait3A_1084, %dma_wait3A_1085, %dma_wait3A_1091] : memref<2x8x128xi32, #tpu.memory_space<vmem>> -> memref<1x1x128xi32, #tpu.memory_space<vmem>>
        %dma_wait3A_1093 = tpu.memref_squeeze %dma_wait3A_1092 : memref<1x1x128xi32, #tpu.memory_space<vmem>> -> memref<128xi32, #tpu.memory_space<vmem>>
        %dma_wait3A_1094 = arith.constant 0 : i32
        %dma_wait3A_1095 = tpu.memref_slice %arg22[%dma_wait3A_1094] : memref<50176xf32, #tpu.memory_space<vmem_shared>> -> memref<50176xf32, #tpu.memory_space<vmem_shared>>
        %dma_wait3A_1096 = tpu.memref_slice %arg25[%dma_wait3A_1086, %dma_wait3A_1087] : memref<2x8x!tpu.dma_semaphore, #tpu.memory_space<semaphore_mem>> -> memref<1x1x!tpu.dma_semaphore, #tpu.memory_space<semaphore_mem>>
        %dma_wait3A_1097 = tpu.memref_squeeze %dma_wait3A_1096 : memref<1x1x!tpu.dma_semaphore, #tpu.memory_space<semaphore_mem>> -> memref<!tpu.dma_semaphore, #tpu.memory_space<semaphore_mem>>
        tpu.wait_indirect_dma semaphore(%dma_wait3A_1097 : memref<!tpu.dma_semaphore, #tpu.memory_space<semaphore_mem>>) src(%dma_wait3A_1090 : memref<128xf32, #tpu.memory_space<vmem>>) dst(%dma_wait3A_1095 : memref<50176xf32, #tpu.memory_space<vmem_shared>>)
        %dma_wait3A_1098 = arith.constant 1 : i32
        %dma_wait3A_1099 = arith.constant 1 : i32
        %dma_wait3A_1100 = arith.constant 5 : i32
        %dma_wait3A_1101 = arith.constant 1 : i32
        %dma_wait3A_1102 = arith.constant 5 : i32
        %dma_wait3A_1103 = arith.constant 640 : i32
        %dma_wait3A_1104 = tpu.memref_slice %arg19[%dma_wait3A_1098, %dma_wait3A_1103] : memref<2x1024xf32, #tpu.memory_space<vmem>> -> memref<1x128xf32, #tpu.memory_space<vmem>>
        %dma_wait3A_1105 = tpu.memref_squeeze %dma_wait3A_1104 : memref<1x128xf32, #tpu.memory_space<vmem>> -> memref<128xf32, #tpu.memory_space<vmem>>
        %dma_wait3A_1106 = arith.constant 0 : i32
        %dma_wait3A_1107 = tpu.memref_slice %arg20[%dma_wait3A_1099, %dma_wait3A_1100, %dma_wait3A_1106] : memref<2x8x128xi32, #tpu.memory_space<vmem>> -> memref<1x1x128xi32, #tpu.memory_space<vmem>>
        %dma_wait3A_1108 = tpu.memref_squeeze %dma_wait3A_1107 : memref<1x1x128xi32, #tpu.memory_space<vmem>> -> memref<128xi32, #tpu.memory_space<vmem>>
        %dma_wait3A_1109 = arith.constant 0 : i32
        %dma_wait3A_1110 = tpu.memref_slice %arg22[%dma_wait3A_1109] : memref<50176xf32, #tpu.memory_space<vmem_shared>> -> memref<50176xf32, #tpu.memory_space<vmem_shared>>
        %dma_wait3A_1111 = tpu.memref_slice %arg25[%dma_wait3A_1101, %dma_wait3A_1102] : memref<2x8x!tpu.dma_semaphore, #tpu.memory_space<semaphore_mem>> -> memref<1x1x!tpu.dma_semaphore, #tpu.memory_space<semaphore_mem>>
        %dma_wait3A_1112 = tpu.memref_squeeze %dma_wait3A_1111 : memref<1x1x!tpu.dma_semaphore, #tpu.memory_space<semaphore_mem>> -> memref<!tpu.dma_semaphore, #tpu.memory_space<semaphore_mem>>
        tpu.wait_indirect_dma semaphore(%dma_wait3A_1112 : memref<!tpu.dma_semaphore, #tpu.memory_space<semaphore_mem>>) src(%dma_wait3A_1105 : memref<128xf32, #tpu.memory_space<vmem>>) dst(%dma_wait3A_1110 : memref<50176xf32, #tpu.memory_space<vmem_shared>>)
        %dma_wait3A_1113 = arith.constant 1 : i32
        %dma_wait3A_1114 = arith.constant 1 : i32
        %dma_wait3A_1115 = arith.constant 6 : i32
        %dma_wait3A_1116 = arith.constant 1 : i32
        %dma_wait3A_1117 = arith.constant 6 : i32
        %dma_wait3A_1118 = arith.constant 768 : i32
        %dma_wait3A_1119 = tpu.memref_slice %arg19[%dma_wait3A_1113, %dma_wait3A_1118] : memref<2x1024xf32, #tpu.memory_space<vmem>> -> memref<1x128xf32, #tpu.memory_space<vmem>>
        %dma_wait3A_1120 = tpu.memref_squeeze %dma_wait3A_1119 : memref<1x128xf32, #tpu.memory_space<vmem>> -> memref<128xf32, #tpu.memory_space<vmem>>
        %dma_wait3A_1121 = arith.constant 0 : i32
        %dma_wait3A_1122 = tpu.memref_slice %arg20[%dma_wait3A_1114, %dma_wait3A_1115, %dma_wait3A_1121] : memref<2x8x128xi32, #tpu.memory_space<vmem>> -> memref<1x1x128xi32, #tpu.memory_space<vmem>>
        %dma_wait3A_1123 = tpu.memref_squeeze %dma_wait3A_1122 : memref<1x1x128xi32, #tpu.memory_space<vmem>> -> memref<128xi32, #tpu.memory_space<vmem>>
        %dma_wait3A_1124 = arith.constant 0 : i32
        %dma_wait3A_1125 = tpu.memref_slice %arg22[%dma_wait3A_1124] : memref<50176xf32, #tpu.memory_space<vmem_shared>> -> memref<50176xf32, #tpu.memory_space<vmem_shared>>
        %dma_wait3A_1126 = tpu.memref_slice %arg25[%dma_wait3A_1116, %dma_wait3A_1117] : memref<2x8x!tpu.dma_semaphore, #tpu.memory_space<semaphore_mem>> -> memref<1x1x!tpu.dma_semaphore, #tpu.memory_space<semaphore_mem>>
        %dma_wait3A_1127 = tpu.memref_squeeze %dma_wait3A_1126 : memref<1x1x!tpu.dma_semaphore, #tpu.memory_space<semaphore_mem>> -> memref<!tpu.dma_semaphore, #tpu.memory_space<semaphore_mem>>
        tpu.wait_indirect_dma semaphore(%dma_wait3A_1127 : memref<!tpu.dma_semaphore, #tpu.memory_space<semaphore_mem>>) src(%dma_wait3A_1120 : memref<128xf32, #tpu.memory_space<vmem>>) dst(%dma_wait3A_1125 : memref<50176xf32, #tpu.memory_space<vmem_shared>>)
        %dma_wait3A_1128 = arith.constant 1 : i32
        %dma_wait3A_1129 = arith.constant 1 : i32
        %dma_wait3A_1130 = arith.constant 7 : i32
        %dma_wait3A_1131 = arith.constant 1 : i32
        %dma_wait3A_1132 = arith.constant 7 : i32
        %dma_wait3A_1133 = arith.constant 896 : i32
        %dma_wait3A_1134 = tpu.memref_slice %arg19[%dma_wait3A_1128, %dma_wait3A_1133] : memref<2x1024xf32, #tpu.memory_space<vmem>> -> memref<1x128xf32, #tpu.memory_space<vmem>>
        %dma_wait3A_1135 = tpu.memref_squeeze %dma_wait3A_1134 : memref<1x128xf32, #tpu.memory_space<vmem>> -> memref<128xf32, #tpu.memory_space<vmem>>
        %dma_wait3A_1136 = arith.constant 0 : i32
        %dma_wait3A_1137 = tpu.memref_slice %arg20[%dma_wait3A_1129, %dma_wait3A_1130, %dma_wait3A_1136] : memref<2x8x128xi32, #tpu.memory_space<vmem>> -> memref<1x1x128xi32, #tpu.memory_space<vmem>>
        %dma_wait3A_1138 = tpu.memref_squeeze %dma_wait3A_1137 : memref<1x1x128xi32, #tpu.memory_space<vmem>> -> memref<128xi32, #tpu.memory_space<vmem>>
        %dma_wait3A_1139 = arith.constant 0 : i32
        %dma_wait3A_1140 = tpu.memref_slice %arg22[%dma_wait3A_1139] : memref<50176xf32, #tpu.memory_space<vmem_shared>> -> memref<50176xf32, #tpu.memory_space<vmem_shared>>
        %dma_wait3A_1141 = tpu.memref_slice %arg25[%dma_wait3A_1131, %dma_wait3A_1132] : memref<2x8x!tpu.dma_semaphore, #tpu.memory_space<semaphore_mem>> -> memref<1x1x!tpu.dma_semaphore, #tpu.memory_space<semaphore_mem>>
        %dma_wait3A_1142 = tpu.memref_squeeze %dma_wait3A_1141 : memref<1x1x!tpu.dma_semaphore, #tpu.memory_space<semaphore_mem>> -> memref<!tpu.dma_semaphore, #tpu.memory_space<semaphore_mem>>
        tpu.wait_indirect_dma semaphore(%dma_wait3A_1142 : memref<!tpu.dma_semaphore, #tpu.memory_space<semaphore_mem>>) src(%dma_wait3A_1135 : memref<128xf32, #tpu.memory_space<vmem>>) dst(%dma_wait3A_1140 : memref<50176xf32, #tpu.memory_space<vmem_shared>>)
      } else {
      }
      %mul3A_812 = arith.constant 8 : i32
      %mul3A_813 = arith.muli %add3A_755, %mul3A_812 : i32
      %add3A_814 = arith.addi %mul3A_35, %mul3A_813 : i32
      %dma_start3A_815 = arith.constant 1 : i32
      %dma_start3A_816 = arith.constant 1 : i32
      %dma_start3A_817 = arith.constant 0 : i32
      %dma_start3A_818 = arith.constant 0 : i32
      %dma_start3A_819 = tpu.memref_slice %arg20[%dma_start3A_815, %dma_start3A_817, %dma_start3A_818] : memref<2x8x128xi32, #tpu.memory_space<vmem>> -> memref<1x8x128xi32, #tpu.memory_space<vmem>>
      %dma_start3A_820 = tpu.memref_squeeze %dma_start3A_819 : memref<1x8x128xi32, #tpu.memory_space<vmem>> -> memref<8x128xi32, #tpu.memory_space<vmem>>
      %dma_start3A_821 = arith.constant 0 : i32
      %dma_start3A_822 = tpu.memref_slice %arg10[%add3A_814, %dma_start3A_821] : memref<12816x128xi32, #tpu.memory_space<hbm>> -> memref<8x128xi32, #tpu.memory_space<hbm>>
      %dma_start3A_823 = tpu.memref_slice %arg24[%dma_start3A_816] : memref<2x!tpu.dma_semaphore, #tpu.memory_space<semaphore_mem>> -> memref<1x!tpu.dma_semaphore, #tpu.memory_space<semaphore_mem>>
      %dma_start3A_824 = tpu.memref_squeeze %dma_start3A_823 : memref<1x!tpu.dma_semaphore, #tpu.memory_space<semaphore_mem>> -> memref<!tpu.dma_semaphore, #tpu.memory_space<semaphore_mem>>
      %dma_start3A_825 = arith.constant 0 : i32
      %dma_start3A_826 = arith.constant 0 : i32
      %dma_start3A_827 = tpu.memref_slice %arg20[%dma_start3A_815, %dma_start3A_825, %dma_start3A_826] : memref<2x8x128xi32, #tpu.memory_space<vmem>> -> memref<1x8x128xi32, #tpu.memory_space<vmem>>
      %dma_start3A_828 = tpu.memref_squeeze %dma_start3A_827 : memref<1x8x128xi32, #tpu.memory_space<vmem>> -> memref<8x128xi32, #tpu.memory_space<vmem>>
      %dma_start3A_829 = arith.constant 0 : i32
      %dma_start3A_830 = tpu.memref_slice %arg10[%add3A_814, %dma_start3A_829] : memref<12816x128xi32, #tpu.memory_space<hbm>> -> memref<8x128xi32, #tpu.memory_space<hbm>>
      tpu.enqueue_dma source(%dma_start3A_830 : memref<8x128xi32, #tpu.memory_space<hbm>>) target(%dma_start3A_828 : memref<8x128xi32, #tpu.memory_space<vmem>>) target_semaphore(%dma_start3A_824 : memref<!tpu.dma_semaphore, #tpu.memory_space<semaphore_mem>>)
      %parallel_loop3A_831 = arith.constant 0 : i32
      %parallel_loop3A_832 = arith.constant 1024 : i32
      %parallel_loop3A_833 = arith.constant 16 : i32
      scf.for %parallel_loop3A_1023 = %parallel_loop3A_831 to %parallel_loop3A_832 step %parallel_loop3A_833  : i32 {
        %parallel_loop3A_1024 = arith.constant 1 : i32
        %parallel_loop3A_1025 = arith.index_cast %parallel_loop3A_1024 : i32 to index
        %parallel_loop3A_1026 = arith.index_cast %parallel_loop3A_1023 : i32 to index
        %parallel_loop3A_1027 = tpu.vector_load %arg15[%parallel_loop3A_1025, %parallel_loop3A_1026] {strides = array<i32>} : memref<2x1024xi32, #tpu.memory_space<vmem>>, vector<16xi32>,
        %parallel_loop3A_1028 = arith.constant 1 : i32
        %parallel_loop3A_1029 = arith.index_cast %parallel_loop3A_1028 : i32 to index
        %parallel_loop3A_1030 = arith.index_cast %parallel_loop3A_1023 : i32 to index
        %parallel_loop3A_1031 = tpu.vector_load %arg16[%parallel_loop3A_1029, %parallel_loop3A_1030] {strides = array<i32>} : memref<2x1024xi32, #tpu.memory_space<vmem>>, vector<16xi32>,
        %parallel_loop3A_1032 = tpu.vector_load_idx %arg12[%parallel_loop3A_1027] : memref<50000xf32, #tpu.memory_space<vmem>>[vector<16xi32>], vector<16xf32>,
        %parallel_loop3A_1033 = tpu.vector_load_idx %arg12[%parallel_loop3A_1031] : memref<50000xf32, #tpu.memory_space<vmem>>[vector<16xi32>], vector<16xf32>,
        %parallel_loop3A_1034 = tpu.vector_load_idx %arg13[%parallel_loop3A_1027] : memref<50000xf32, #tpu.memory_space<vmem>>[vector<16xi32>], vector<16xf32>,
        %parallel_loop3A_1035 = tpu.vector_load_idx %arg13[%parallel_loop3A_1031] : memref<50000xf32, #tpu.memory_space<vmem>>[vector<16xi32>], vector<16xf32>,
        %parallel_loop3A_1036 = arith.constant 1 : i32
        %parallel_loop3A_1037 = arith.index_cast %parallel_loop3A_1036 : i32 to index
        %parallel_loop3A_1038 = arith.index_cast %parallel_loop3A_1023 : i32 to index
        %parallel_loop3A_1039 = tpu.vector_load %arg17[%parallel_loop3A_1037, %parallel_loop3A_1038] {strides = array<i32>} : memref<2x1024xf32, #tpu.memory_space<vmem>>, vector<16xf32>,
        %parallel_loop3A_1040 = arith.addf %parallel_loop3A_1034, %parallel_loop3A_1035 : vector<16xf32>
        %parallel_loop3A_1041 = arith.mulf %parallel_loop3A_1039, %parallel_loop3A_1040 : vector<16xf32>
        %parallel_loop3A_1042 = arith.mulf %get3A_21, %parallel_loop3A_1041 : vector<16xf32>
        %parallel_loop3A_1043 = arith.addf %parallel_loop3A_1042, %get3A_5 : vector<16xf32>
        %parallel_loop3A_1044 = math.exp %parallel_loop3A_1043 : vector<16xf32>
        %parallel_loop3A_1045 = arith.mulf %get3A_25, %parallel_loop3A_1041 : vector<16xf32>
        %parallel_loop3A_1046 = arith.addf %parallel_loop3A_1045, %get3A_9 : vector<16xf32>
        %parallel_loop3A_1047 = math.exp %parallel_loop3A_1046 : vector<16xf32>
        %parallel_loop3A_1048 = arith.addf %parallel_loop3A_1044, %parallel_loop3A_1047 : vector<16xf32>
        %parallel_loop3A_1049 = arith.mulf %get3A_29, %parallel_loop3A_1041 : vector<16xf32>
        %parallel_loop3A_1050 = arith.addf %parallel_loop3A_1049, %get3A_13 : vector<16xf32>
        %parallel_loop3A_1051 = math.exp %parallel_loop3A_1050 : vector<16xf32>
        %parallel_loop3A_1052 = arith.addf %parallel_loop3A_1048, %parallel_loop3A_1051 : vector<16xf32>
        %parallel_loop3A_1053 = arith.mulf %get3A_33, %parallel_loop3A_1041 : vector<16xf32>
        %parallel_loop3A_1054 = arith.addf %parallel_loop3A_1053, %get3A_17 : vector<16xf32>
        %parallel_loop3A_1055 = math.exp %parallel_loop3A_1054 : vector<16xf32>
        %parallel_loop3A_1056 = arith.addf %parallel_loop3A_1052, %parallel_loop3A_1055 : vector<16xf32>
        %parallel_loop3A_1057 = arith.mulf %parallel_loop3A_1032, %parallel_loop3A_1033 : vector<16xf32>
        %parallel_loop3A_1058 = arith.mulf %parallel_loop3A_1057, %parallel_loop3A_1056 : vector<16xf32>
        %parallel_loop3A_1059 = arith.constant 1 : i32
        %parallel_loop3A_1060 = arith.index_cast %parallel_loop3A_1059 : i32 to index
        %parallel_loop3A_1061 = arith.index_cast %parallel_loop3A_1023 : i32 to index
        %parallel_loop3A_1062 = tpu.vector_load %arg18[%parallel_loop3A_1060, %parallel_loop3A_1061] {strides = array<i32>} : memref<2x1024xf32, #tpu.memory_space<vmem>>, vector<16xf32>,
        %parallel_loop3A_1063 = arith.mulf %parallel_loop3A_1058, %parallel_loop3A_1062 : vector<16xf32>
        %parallel_loop3A_1064 = arith.divf %parallel_loop3A_1063, %parallel_loop3A_1039 : vector<16xf32>
        %parallel_loop3A_1065 = arith.constant 1 : i32
        %parallel_loop3A_1066 = arith.index_cast %parallel_loop3A_1065 : i32 to index
        %parallel_loop3A_1067 = arith.index_cast %parallel_loop3A_1023 : i32 to index
        %parallel_loop3A_1068 = tpu.vector_load %arg19[%parallel_loop3A_1066, %parallel_loop3A_1067] {strides = array<i32>} : memref<2x1024xf32, #tpu.memory_space<vmem>>, vector<16xf32>,
        tpu.vector_store %arg19[%parallel_loop3A_1066, %parallel_loop3A_1067], %parallel_loop3A_1064 {strides = array<i32>} : memref<2x1024xf32, #tpu.memory_space<vmem>>, vector<16xf32>,
      } {sc.loop_unroll_factor = 4 : i64, sc.parallel_access}
      %dma_wait3A_834 = arith.constant 1 : i32
      %dma_wait3A_835 = arith.constant 1 : i32
      %dma_wait3A_836 = arith.constant 0 : i32
      %dma_wait3A_837 = arith.constant 0 : i32
      %dma_wait3A_838 = tpu.memref_slice %arg20[%dma_wait3A_834, %dma_wait3A_836, %dma_wait3A_837] : memref<2x8x128xi32, #tpu.memory_space<vmem>> -> memref<1x8x128xi32, #tpu.memory_space<vmem>>
      %dma_wait3A_839 = tpu.memref_squeeze %dma_wait3A_838 : memref<1x8x128xi32, #tpu.memory_space<vmem>> -> memref<8x128xi32, #tpu.memory_space<vmem>>
      %dma_wait3A_840 = arith.constant 0 : i32
      %dma_wait3A_841 = tpu.memref_slice %arg10[%add3A_814, %dma_wait3A_840] : memref<12816x128xi32, #tpu.memory_space<hbm>> -> memref<8x128xi32, #tpu.memory_space<hbm>>
      %dma_wait3A_842 = tpu.memref_slice %arg24[%dma_wait3A_835] : memref<2x!tpu.dma_semaphore, #tpu.memory_space<semaphore_mem>> -> memref<1x!tpu.dma_semaphore, #tpu.memory_space<semaphore_mem>>
      %dma_wait3A_843 = tpu.memref_squeeze %dma_wait3A_842 : memref<1x!tpu.dma_semaphore, #tpu.memory_space<semaphore_mem>> -> memref<!tpu.dma_semaphore, #tpu.memory_space<semaphore_mem>>
      %dma_wait3A_844 = arith.constant 0 : i32
      %dma_wait3A_845 = arith.constant 0 : i32
      %dma_wait3A_846 = tpu.memref_slice %arg20[%dma_wait3A_834, %dma_wait3A_844, %dma_wait3A_845] : memref<2x8x128xi32, #tpu.memory_space<vmem>> -> memref<1x8x128xi32, #tpu.memory_space<vmem>>
      %dma_wait3A_847 = tpu.memref_squeeze %dma_wait3A_846 : memref<1x8x128xi32, #tpu.memory_space<vmem>> -> memref<8x128xi32, #tpu.memory_space<vmem>>
      %dma_wait3A_848 = arith.constant 0 : i32
      %dma_wait3A_849 = tpu.memref_slice %arg10[%add3A_814, %dma_wait3A_848] : memref<12816x128xi32, #tpu.memory_space<hbm>> -> memref<8x128xi32, #tpu.memory_space<hbm>>
      tpu.wait_dma2 semaphore(%dma_wait3A_843 : memref<!tpu.dma_semaphore, #tpu.memory_space<semaphore_mem>>) src(%dma_wait3A_849 : memref<8x128xi32, #tpu.memory_space<hbm>>) dst(%dma_wait3A_847 : memref<8x128xi32, #tpu.memory_space<vmem>>)
      %dma_start3A_850 = arith.constant 1 : i32
      %dma_start3A_851 = arith.constant 1 : i32
      %dma_start3A_852 = arith.constant 0 : i32
      %dma_start3A_853 = arith.constant 1 : i32
      %dma_start3A_854 = arith.constant 0 : i32
      %dma_start3A_855 = arith.constant 0 : i32
      %dma_start3A_856 = tpu.memref_slice %arg19[%dma_start3A_850, %dma_start3A_855] : memref<2x1024xf32, #tpu.memory_space<vmem>> -> memref<1x128xf32, #tpu.memory_space<vmem>>
      %dma_start3A_857 = tpu.memref_squeeze %dma_start3A_856 : memref<1x128xf32, #tpu.memory_space<vmem>> -> memref<128xf32, #tpu.memory_space<vmem>>
      %dma_start3A_858 = arith.constant 0 : i32
      %dma_start3A_859 = tpu.memref_slice %arg20[%dma_start3A_851, %dma_start3A_852, %dma_start3A_858] : memref<2x8x128xi32, #tpu.memory_space<vmem>> -> memref<1x1x128xi32, #tpu.memory_space<vmem>>
      %dma_start3A_860 = tpu.memref_squeeze %dma_start3A_859 : memref<1x1x128xi32, #tpu.memory_space<vmem>> -> memref<128xi32, #tpu.memory_space<vmem>>
      %dma_start3A_861 = arith.constant 0 : i32
      %dma_start3A_862 = tpu.memref_slice %arg22[%dma_start3A_861] : memref<50176xf32, #tpu.memory_space<vmem_shared>> -> memref<50176xf32, #tpu.memory_space<vmem_shared>>
      %dma_start3A_863 = tpu.memref_slice %arg25[%dma_start3A_853, %dma_start3A_854] : memref<2x8x!tpu.dma_semaphore, #tpu.memory_space<semaphore_mem>> -> memref<1x1x!tpu.dma_semaphore, #tpu.memory_space<semaphore_mem>>
      %dma_start3A_864 = tpu.memref_squeeze %dma_start3A_863 : memref<1x1x!tpu.dma_semaphore, #tpu.memory_space<semaphore_mem>> -> memref<!tpu.dma_semaphore, #tpu.memory_space<semaphore_mem>>
      tpu.enqueue_indirect_dma source(%dma_start3A_857 : memref<128xf32, #tpu.memory_space<vmem>>) target(%dma_start3A_862 : memref<50176xf32, #tpu.memory_space<vmem_shared>>) offsets(%dma_start3A_860 : memref<128xi32, #tpu.memory_space<vmem>>) semaphore(%dma_start3A_864 : memref<!tpu.dma_semaphore, #tpu.memory_space<semaphore_mem>>) {add = true}
      %dma_start3A_865 = arith.constant 1 : i32
      %dma_start3A_866 = arith.constant 1 : i32
      %dma_start3A_867 = arith.constant 1 : i32
      %dma_start3A_868 = arith.constant 1 : i32
      %dma_start3A_869 = arith.constant 1 : i32
      %dma_start3A_870 = arith.constant 128 : i32
      %dma_start3A_871 = tpu.memref_slice %arg19[%dma_start3A_865, %dma_start3A_870] : memref<2x1024xf32, #tpu.memory_space<vmem>> -> memref<1x128xf32, #tpu.memory_space<vmem>>
      %dma_start3A_872 = tpu.memref_squeeze %dma_start3A_871 : memref<1x128xf32, #tpu.memory_space<vmem>> -> memref<128xf32, #tpu.memory_space<vmem>>
      %dma_start3A_873 = arith.constant 0 : i32
      %dma_start3A_874 = tpu.memref_slice %arg20[%dma_start3A_866, %dma_start3A_867, %dma_start3A_873] : memref<2x8x128xi32, #tpu.memory_space<vmem>> -> memref<1x1x128xi32, #tpu.memory_space<vmem>>
      %dma_start3A_875 = tpu.memref_squeeze %dma_start3A_874 : memref<1x1x128xi32, #tpu.memory_space<vmem>> -> memref<128xi32, #tpu.memory_space<vmem>>
      %dma_start3A_876 = arith.constant 0 : i32
      %dma_start3A_877 = tpu.memref_slice %arg22[%dma_start3A_876] : memref<50176xf32, #tpu.memory_space<vmem_shared>> -> memref<50176xf32, #tpu.memory_space<vmem_shared>>
      %dma_start3A_878 = tpu.memref_slice %arg25[%dma_start3A_868, %dma_start3A_869] : memref<2x8x!tpu.dma_semaphore, #tpu.memory_space<semaphore_mem>> -> memref<1x1x!tpu.dma_semaphore, #tpu.memory_space<semaphore_mem>>
      %dma_start3A_879 = tpu.memref_squeeze %dma_start3A_878 : memref<1x1x!tpu.dma_semaphore, #tpu.memory_space<semaphore_mem>> -> memref<!tpu.dma_semaphore, #tpu.memory_space<semaphore_mem>>
      tpu.enqueue_indirect_dma source(%dma_start3A_872 : memref<128xf32, #tpu.memory_space<vmem>>) target(%dma_start3A_877 : memref<50176xf32, #tpu.memory_space<vmem_shared>>) offsets(%dma_start3A_875 : memref<128xi32, #tpu.memory_space<vmem>>) semaphore(%dma_start3A_879 : memref<!tpu.dma_semaphore, #tpu.memory_space<semaphore_mem>>) {add = true}
      %dma_start3A_880 = arith.constant 1 : i32
      %dma_start3A_881 = arith.constant 1 : i32
      %dma_start3A_882 = arith.constant 2 : i32
      %dma_start3A_883 = arith.constant 1 : i32
      %dma_start3A_884 = arith.constant 2 : i32
      %dma_start3A_885 = arith.constant 256 : i32
      %dma_start3A_886 = tpu.memref_slice %arg19[%dma_start3A_880, %dma_start3A_885] : memref<2x1024xf32, #tpu.memory_space<vmem>> -> memref<1x128xf32, #tpu.memory_space<vmem>>
      %dma_start3A_887 = tpu.memref_squeeze %dma_start3A_886 : memref<1x128xf32, #tpu.memory_space<vmem>> -> memref<128xf32, #tpu.memory_space<vmem>>
      %dma_start3A_888 = arith.constant 0 : i32
      %dma_start3A_889 = tpu.memref_slice %arg20[%dma_start3A_881, %dma_start3A_882, %dma_start3A_888] : memref<2x8x128xi32, #tpu.memory_space<vmem>> -> memref<1x1x128xi32, #tpu.memory_space<vmem>>
      %dma_start3A_890 = tpu.memref_squeeze %dma_start3A_889 : memref<1x1x128xi32, #tpu.memory_space<vmem>> -> memref<128xi32, #tpu.memory_space<vmem>>
      %dma_start3A_891 = arith.constant 0 : i32
      %dma_start3A_892 = tpu.memref_slice %arg22[%dma_start3A_891] : memref<50176xf32, #tpu.memory_space<vmem_shared>> -> memref<50176xf32, #tpu.memory_space<vmem_shared>>
      %dma_start3A_893 = tpu.memref_slice %arg25[%dma_start3A_883, %dma_start3A_884] : memref<2x8x!tpu.dma_semaphore, #tpu.memory_space<semaphore_mem>> -> memref<1x1x!tpu.dma_semaphore, #tpu.memory_space<semaphore_mem>>
      %dma_start3A_894 = tpu.memref_squeeze %dma_start3A_893 : memref<1x1x!tpu.dma_semaphore, #tpu.memory_space<semaphore_mem>> -> memref<!tpu.dma_semaphore, #tpu.memory_space<semaphore_mem>>
      tpu.enqueue_indirect_dma source(%dma_start3A_887 : memref<128xf32, #tpu.memory_space<vmem>>) target(%dma_start3A_892 : memref<50176xf32, #tpu.memory_space<vmem_shared>>) offsets(%dma_start3A_890 : memref<128xi32, #tpu.memory_space<vmem>>) semaphore(%dma_start3A_894 : memref<!tpu.dma_semaphore, #tpu.memory_space<semaphore_mem>>) {add = true}
      %dma_start3A_895 = arith.constant 1 : i32
      %dma_start3A_896 = arith.constant 1 : i32
      %dma_start3A_897 = arith.constant 3 : i32
      %dma_start3A_898 = arith.constant 1 : i32
      %dma_start3A_899 = arith.constant 3 : i32
      %dma_start3A_900 = arith.constant 384 : i32
      %dma_start3A_901 = tpu.memref_slice %arg19[%dma_start3A_895, %dma_start3A_900] : memref<2x1024xf32, #tpu.memory_space<vmem>> -> memref<1x128xf32, #tpu.memory_space<vmem>>
      %dma_start3A_902 = tpu.memref_squeeze %dma_start3A_901 : memref<1x128xf32, #tpu.memory_space<vmem>> -> memref<128xf32, #tpu.memory_space<vmem>>
      %dma_start3A_903 = arith.constant 0 : i32
      %dma_start3A_904 = tpu.memref_slice %arg20[%dma_start3A_896, %dma_start3A_897, %dma_start3A_903] : memref<2x8x128xi32, #tpu.memory_space<vmem>> -> memref<1x1x128xi32, #tpu.memory_space<vmem>>
      %dma_start3A_905 = tpu.memref_squeeze %dma_start3A_904 : memref<1x1x128xi32, #tpu.memory_space<vmem>> -> memref<128xi32, #tpu.memory_space<vmem>>
      %dma_start3A_906 = arith.constant 0 : i32
      %dma_start3A_907 = tpu.memref_slice %arg22[%dma_start3A_906] : memref<50176xf32, #tpu.memory_space<vmem_shared>> -> memref<50176xf32, #tpu.memory_space<vmem_shared>>
      %dma_start3A_908 = tpu.memref_slice %arg25[%dma_start3A_898, %dma_start3A_899] : memref<2x8x!tpu.dma_semaphore, #tpu.memory_space<semaphore_mem>> -> memref<1x1x!tpu.dma_semaphore, #tpu.memory_space<semaphore_mem>>
      %dma_start3A_909 = tpu.memref_squeeze %dma_start3A_908 : memref<1x1x!tpu.dma_semaphore, #tpu.memory_space<semaphore_mem>> -> memref<!tpu.dma_semaphore, #tpu.memory_space<semaphore_mem>>
      tpu.enqueue_indirect_dma source(%dma_start3A_902 : memref<128xf32, #tpu.memory_space<vmem>>) target(%dma_start3A_907 : memref<50176xf32, #tpu.memory_space<vmem_shared>>) offsets(%dma_start3A_905 : memref<128xi32, #tpu.memory_space<vmem>>) semaphore(%dma_start3A_909 : memref<!tpu.dma_semaphore, #tpu.memory_space<semaphore_mem>>) {add = true}
      %dma_start3A_910 = arith.constant 1 : i32
      %dma_start3A_911 = arith.constant 1 : i32
      %dma_start3A_912 = arith.constant 4 : i32
      %dma_start3A_913 = arith.constant 1 : i32
      %dma_start3A_914 = arith.constant 4 : i32
      %dma_start3A_915 = arith.constant 512 : i32
      %dma_start3A_916 = tpu.memref_slice %arg19[%dma_start3A_910, %dma_start3A_915] : memref<2x1024xf32, #tpu.memory_space<vmem>> -> memref<1x128xf32, #tpu.memory_space<vmem>>
      %dma_start3A_917 = tpu.memref_squeeze %dma_start3A_916 : memref<1x128xf32, #tpu.memory_space<vmem>> -> memref<128xf32, #tpu.memory_space<vmem>>
      %dma_start3A_918 = arith.constant 0 : i32
      %dma_start3A_919 = tpu.memref_slice %arg20[%dma_start3A_911, %dma_start3A_912, %dma_start3A_918] : memref<2x8x128xi32, #tpu.memory_space<vmem>> -> memref<1x1x128xi32, #tpu.memory_space<vmem>>
      %dma_start3A_920 = tpu.memref_squeeze %dma_start3A_919 : memref<1x1x128xi32, #tpu.memory_space<vmem>> -> memref<128xi32, #tpu.memory_space<vmem>>
      %dma_start3A_921 = arith.constant 0 : i32
      %dma_start3A_922 = tpu.memref_slice %arg22[%dma_start3A_921] : memref<50176xf32, #tpu.memory_space<vmem_shared>> -> memref<50176xf32, #tpu.memory_space<vmem_shared>>
      %dma_start3A_923 = tpu.memref_slice %arg25[%dma_start3A_913, %dma_start3A_914] : memref<2x8x!tpu.dma_semaphore, #tpu.memory_space<semaphore_mem>> -> memref<1x1x!tpu.dma_semaphore, #tpu.memory_space<semaphore_mem>>
      %dma_start3A_924 = tpu.memref_squeeze %dma_start3A_923 : memref<1x1x!tpu.dma_semaphore, #tpu.memory_space<semaphore_mem>> -> memref<!tpu.dma_semaphore, #tpu.memory_space<semaphore_mem>>
      tpu.enqueue_indirect_dma source(%dma_start3A_917 : memref<128xf32, #tpu.memory_space<vmem>>) target(%dma_start3A_922 : memref<50176xf32, #tpu.memory_space<vmem_shared>>) offsets(%dma_start3A_920 : memref<128xi32, #tpu.memory_space<vmem>>) semaphore(%dma_start3A_924 : memref<!tpu.dma_semaphore, #tpu.memory_space<semaphore_mem>>) {add = true}
      %dma_start3A_925 = arith.constant 1 : i32
      %dma_start3A_926 = arith.constant 1 : i32
      %dma_start3A_927 = arith.constant 5 : i32
      %dma_start3A_928 = arith.constant 1 : i32
      %dma_start3A_929 = arith.constant 5 : i32
      %dma_start3A_930 = arith.constant 640 : i32
      %dma_start3A_931 = tpu.memref_slice %arg19[%dma_start3A_925, %dma_start3A_930] : memref<2x1024xf32, #tpu.memory_space<vmem>> -> memref<1x128xf32, #tpu.memory_space<vmem>>
      %dma_start3A_932 = tpu.memref_squeeze %dma_start3A_931 : memref<1x128xf32, #tpu.memory_space<vmem>> -> memref<128xf32, #tpu.memory_space<vmem>>
      %dma_start3A_933 = arith.constant 0 : i32
      %dma_start3A_934 = tpu.memref_slice %arg20[%dma_start3A_926, %dma_start3A_927, %dma_start3A_933] : memref<2x8x128xi32, #tpu.memory_space<vmem>> -> memref<1x1x128xi32, #tpu.memory_space<vmem>>
      %dma_start3A_935 = tpu.memref_squeeze %dma_start3A_934 : memref<1x1x128xi32, #tpu.memory_space<vmem>> -> memref<128xi32, #tpu.memory_space<vmem>>
      %dma_start3A_936 = arith.constant 0 : i32
      %dma_start3A_937 = tpu.memref_slice %arg22[%dma_start3A_936] : memref<50176xf32, #tpu.memory_space<vmem_shared>> -> memref<50176xf32, #tpu.memory_space<vmem_shared>>
      %dma_start3A_938 = tpu.memref_slice %arg25[%dma_start3A_928, %dma_start3A_929] : memref<2x8x!tpu.dma_semaphore, #tpu.memory_space<semaphore_mem>> -> memref<1x1x!tpu.dma_semaphore, #tpu.memory_space<semaphore_mem>>
      %dma_start3A_939 = tpu.memref_squeeze %dma_start3A_938 : memref<1x1x!tpu.dma_semaphore, #tpu.memory_space<semaphore_mem>> -> memref<!tpu.dma_semaphore, #tpu.memory_space<semaphore_mem>>
      tpu.enqueue_indirect_dma source(%dma_start3A_932 : memref<128xf32, #tpu.memory_space<vmem>>) target(%dma_start3A_937 : memref<50176xf32, #tpu.memory_space<vmem_shared>>) offsets(%dma_start3A_935 : memref<128xi32, #tpu.memory_space<vmem>>) semaphore(%dma_start3A_939 : memref<!tpu.dma_semaphore, #tpu.memory_space<semaphore_mem>>) {add = true}
      %dma_start3A_940 = arith.constant 1 : i32
      %dma_start3A_941 = arith.constant 1 : i32
      %dma_start3A_942 = arith.constant 6 : i32
      %dma_start3A_943 = arith.constant 1 : i32
      %dma_start3A_944 = arith.constant 6 : i32
      %dma_start3A_945 = arith.constant 768 : i32
      %dma_start3A_946 = tpu.memref_slice %arg19[%dma_start3A_940, %dma_start3A_945] : memref<2x1024xf32, #tpu.memory_space<vmem>> -> memref<1x128xf32, #tpu.memory_space<vmem>>
      %dma_start3A_947 = tpu.memref_squeeze %dma_start3A_946 : memref<1x128xf32, #tpu.memory_space<vmem>> -> memref<128xf32, #tpu.memory_space<vmem>>
      %dma_start3A_948 = arith.constant 0 : i32
      %dma_start3A_949 = tpu.memref_slice %arg20[%dma_start3A_941, %dma_start3A_942, %dma_start3A_948] : memref<2x8x128xi32, #tpu.memory_space<vmem>> -> memref<1x1x128xi32, #tpu.memory_space<vmem>>
      %dma_start3A_950 = tpu.memref_squeeze %dma_start3A_949 : memref<1x1x128xi32, #tpu.memory_space<vmem>> -> memref<128xi32, #tpu.memory_space<vmem>>
      %dma_start3A_951 = arith.constant 0 : i32
      %dma_start3A_952 = tpu.memref_slice %arg22[%dma_start3A_951] : memref<50176xf32, #tpu.memory_space<vmem_shared>> -> memref<50176xf32, #tpu.memory_space<vmem_shared>>
      %dma_start3A_953 = tpu.memref_slice %arg25[%dma_start3A_943, %dma_start3A_944] : memref<2x8x!tpu.dma_semaphore, #tpu.memory_space<semaphore_mem>> -> memref<1x1x!tpu.dma_semaphore, #tpu.memory_space<semaphore_mem>>
      %dma_start3A_954 = tpu.memref_squeeze %dma_start3A_953 : memref<1x1x!tpu.dma_semaphore, #tpu.memory_space<semaphore_mem>> -> memref<!tpu.dma_semaphore, #tpu.memory_space<semaphore_mem>>
      tpu.enqueue_indirect_dma source(%dma_start3A_947 : memref<128xf32, #tpu.memory_space<vmem>>) target(%dma_start3A_952 : memref<50176xf32, #tpu.memory_space<vmem_shared>>) offsets(%dma_start3A_950 : memref<128xi32, #tpu.memory_space<vmem>>) semaphore(%dma_start3A_954 : memref<!tpu.dma_semaphore, #tpu.memory_space<semaphore_mem>>) {add = true}
      %dma_start3A_955 = arith.constant 1 : i32
      %dma_start3A_956 = arith.constant 1 : i32
      %dma_start3A_957 = arith.constant 7 : i32
      %dma_start3A_958 = arith.constant 1 : i32
      %dma_start3A_959 = arith.constant 7 : i32
      %dma_start3A_960 = arith.constant 896 : i32
      %dma_start3A_961 = tpu.memref_slice %arg19[%dma_start3A_955, %dma_start3A_960] : memref<2x1024xf32, #tpu.memory_space<vmem>> -> memref<1x128xf32, #tpu.memory_space<vmem>>
      %dma_start3A_962 = tpu.memref_squeeze %dma_start3A_961 : memref<1x128xf32, #tpu.memory_space<vmem>> -> memref<128xf32, #tpu.memory_space<vmem>>
      %dma_start3A_963 = arith.constant 0 : i32
      %dma_start3A_964 = tpu.memref_slice %arg20[%dma_start3A_956, %dma_start3A_957, %dma_start3A_963] : memref<2x8x128xi32, #tpu.memory_space<vmem>> -> memref<1x1x128xi32, #tpu.memory_space<vmem>>
      %dma_start3A_965 = tpu.memref_squeeze %dma_start3A_964 : memref<1x1x128xi32, #tpu.memory_space<vmem>> -> memref<128xi32, #tpu.memory_space<vmem>>
      %dma_start3A_966 = arith.constant 0 : i32
      %dma_start3A_967 = tpu.memref_slice %arg22[%dma_start3A_966] : memref<50176xf32, #tpu.memory_space<vmem_shared>> -> memref<50176xf32, #tpu.memory_space<vmem_shared>>
      %dma_start3A_968 = tpu.memref_slice %arg25[%dma_start3A_958, %dma_start3A_959] : memref<2x8x!tpu.dma_semaphore, #tpu.memory_space<semaphore_mem>> -> memref<1x1x!tpu.dma_semaphore, #tpu.memory_space<semaphore_mem>>
      %dma_start3A_969 = tpu.memref_squeeze %dma_start3A_968 : memref<1x1x!tpu.dma_semaphore, #tpu.memory_space<semaphore_mem>> -> memref<!tpu.dma_semaphore, #tpu.memory_space<semaphore_mem>>
      tpu.enqueue_indirect_dma source(%dma_start3A_962 : memref<128xf32, #tpu.memory_space<vmem>>) target(%dma_start3A_967 : memref<50176xf32, #tpu.memory_space<vmem_shared>>) offsets(%dma_start3A_965 : memref<128xi32, #tpu.memory_space<vmem>>) semaphore(%dma_start3A_969 : memref<!tpu.dma_semaphore, #tpu.memory_space<semaphore_mem>>) {add = true}
      %add3A_970 = arith.constant 2 : i32
      %add3A_971 = arith.addi %add3A_755, %add3A_970 : i32
      %mul3A_972 = arith.constant 1024 : i32
      %mul3A_973 = arith.muli %add3A_971, %mul3A_972 : i32
      %add3A_974 = arith.addi %mul3A_37, %mul3A_973 : i32
      %dma_start3A_975 = arith.constant 1 : i32
      %dma_start3A_976 = arith.constant 1 : i32
      %dma_start3A_977 = arith.constant 0 : i32
      %dma_start3A_978 = tpu.memref_slice %arg15[%dma_start3A_975, %dma_start3A_977] : memref<2x1024xi32, #tpu.memory_space<vmem>> -> memref<1x1024xi32, #tpu.memory_space<vmem>>
      %dma_start3A_979 = tpu.memref_squeeze %dma_start3A_978 : memref<1x1024xi32, #tpu.memory_space<vmem>> -> memref<1024xi32, #tpu.memory_space<vmem>>
      %dma_start3A_980 = tpu.memref_slice %arg6[%add3A_974] : memref<1640448xi32, #tpu.memory_space<hbm>> -> memref<1024xi32, #tpu.memory_space<hbm>>
      %dma_start3A_981 = tpu.memref_slice %arg23[%dma_start3A_976] : memref<2x!tpu.dma_semaphore, #tpu.memory_space<semaphore_mem>> -> memref<1x!tpu.dma_semaphore, #tpu.memory_space<semaphore_mem>>
      %dma_start3A_982 = tpu.memref_squeeze %dma_start3A_981 : memref<1x!tpu.dma_semaphore, #tpu.memory_space<semaphore_mem>> -> memref<!tpu.dma_semaphore, #tpu.memory_space<semaphore_mem>>
      %dma_start3A_983 = arith.constant 0 : i32
      %dma_start3A_984 = tpu.memref_slice %arg15[%dma_start3A_975, %dma_start3A_983] : memref<2x1024xi32, #tpu.memory_space<vmem>> -> memref<1x1024xi32, #tpu.memory_space<vmem>>
      %dma_start3A_985 = tpu.memref_squeeze %dma_start3A_984 : memref<1x1024xi32, #tpu.memory_space<vmem>> -> memref<1024xi32, #tpu.memory_space<vmem>>
      %dma_start3A_986 = tpu.memref_slice %arg6[%add3A_974] : memref<1640448xi32, #tpu.memory_space<hbm>> -> memref<1024xi32, #tpu.memory_space<hbm>>
      tpu.enqueue_dma source(%dma_start3A_986 : memref<1024xi32, #tpu.memory_space<hbm>>) target(%dma_start3A_985 : memref<1024xi32, #tpu.memory_space<vmem>>) target_semaphore(%dma_start3A_982 : memref<!tpu.dma_semaphore, #tpu.memory_space<semaphore_mem>>)
      %dma_start3A_987 = arith.constant 1 : i32
      %dma_start3A_988 = arith.constant 1 : i32
      %dma_start3A_989 = arith.constant 0 : i32
      %dma_start3A_990 = tpu.memref_slice %arg16[%dma_start3A_987, %dma_start3A_989] : memref<2x1024xi32, #tpu.memory_space<vmem>> -> memref<1x1024xi32, #tpu.memory_space<vmem>>
      %dma_start3A_991 = tpu.memref_squeeze %dma_start3A_990 : memref<1x1024xi32, #tpu.memory_space<vmem>> -> memref<1024xi32, #tpu.memory_space<vmem>>
      %dma_start3A_992 = tpu.memref_slice %arg7[%add3A_974] : memref<1640448xi32, #tpu.memory_space<hbm>> -> memref<1024xi32, #tpu.memory_space<hbm>>
      %dma_start3A_993 = tpu.memref_slice %arg23[%dma_start3A_988] : memref<2x!tpu.dma_semaphore, #tpu.memory_space<semaphore_mem>> -> memref<1x!tpu.dma_semaphore, #tpu.memory_space<semaphore_mem>>
      %dma_start3A_994 = tpu.memref_squeeze %dma_start3A_993 : memref<1x!tpu.dma_semaphore, #tpu.memory_space<semaphore_mem>> -> memref<!tpu.dma_semaphore, #tpu.memory_space<semaphore_mem>>
      %dma_start3A_995 = arith.constant 0 : i32
      %dma_start3A_996 = tpu.memref_slice %arg16[%dma_start3A_987, %dma_start3A_995] : memref<2x1024xi32, #tpu.memory_space<vmem>> -> memref<1x1024xi32, #tpu.memory_space<vmem>>
      %dma_start3A_997 = tpu.memref_squeeze %dma_start3A_996 : memref<1x1024xi32, #tpu.memory_space<vmem>> -> memref<1024xi32, #tpu.memory_space<vmem>>
      %dma_start3A_998 = tpu.memref_slice %arg7[%add3A_974] : memref<1640448xi32, #tpu.memory_space<hbm>> -> memref<1024xi32, #tpu.memory_space<hbm>>
      tpu.enqueue_dma source(%dma_start3A_998 : memref<1024xi32, #tpu.memory_space<hbm>>) target(%dma_start3A_997 : memref<1024xi32, #tpu.memory_space<vmem>>) target_semaphore(%dma_start3A_994 : memref<!tpu.dma_semaphore, #tpu.memory_space<semaphore_mem>>)
      %dma_start3A_999 = arith.constant 1 : i32
      %dma_start3A_1000 = arith.constant 1 : i32
      %dma_start3A_1001 = arith.constant 0 : i32
      %dma_start3A_1002 = tpu.memref_slice %arg17[%dma_start3A_999, %dma_start3A_1001] : memref<2x1024xf32, #tpu.memory_space<vmem>> -> memref<1x1024xf32, #tpu.memory_space<vmem>>
      %dma_start3A_1003 = tpu.memref_squeeze %dma_start3A_1002 : memref<1x1024xf32, #tpu.memory_space<vmem>> -> memref<1024xf32, #tpu.memory_space<vmem>>
      %dma_start3A_1004 = tpu.memref_slice %arg8[%add3A_974] : memref<1640448xf32, #tpu.memory_space<hbm>> -> memref<1024xf32, #tpu.memory_space<hbm>>
      %dma_start3A_1005 = tpu.memref_slice %arg23[%dma_start3A_1000] : memref<2x!tpu.dma_semaphore, #tpu.memory_space<semaphore_mem>> -> memref<1x!tpu.dma_semaphore, #tpu.memory_space<semaphore_mem>>
      %dma_start3A_1006 = tpu.memref_squeeze %dma_start3A_1005 : memref<1x!tpu.dma_semaphore, #tpu.memory_space<semaphore_mem>> -> memref<!tpu.dma_semaphore, #tpu.memory_space<semaphore_mem>>
      %dma_start3A_1007 = arith.constant 0 : i32
      %dma_start3A_1008 = tpu.memref_slice %arg17[%dma_start3A_999, %dma_start3A_1007] : memref<2x1024xf32, #tpu.memory_space<vmem>> -> memref<1x1024xf32, #tpu.memory_space<vmem>>
      %dma_start3A_1009 = tpu.memref_squeeze %dma_start3A_1008 : memref<1x1024xf32, #tpu.memory_space<vmem>> -> memref<1024xf32, #tpu.memory_space<vmem>>
      %dma_start3A_1010 = tpu.memref_slice %arg8[%add3A_974] : memref<1640448xf32, #tpu.memory_space<hbm>> -> memref<1024xf32, #tpu.memory_space<hbm>>
      tpu.enqueue_dma source(%dma_start3A_1010 : memref<1024xf32, #tpu.memory_space<hbm>>) target(%dma_start3A_1009 : memref<1024xf32, #tpu.memory_space<vmem>>) target_semaphore(%dma_start3A_1006 : memref<!tpu.dma_semaphore, #tpu.memory_space<semaphore_mem>>)
      %dma_start3A_1011 = arith.constant 1 : i32
      %dma_start3A_1012 = arith.constant 1 : i32
      %dma_start3A_1013 = arith.constant 0 : i32
      %dma_start3A_1014 = tpu.memref_slice %arg18[%dma_start3A_1011, %dma_start3A_1013] : memref<2x1024xf32, #tpu.memory_space<vmem>> -> memref<1x1024xf32, #tpu.memory_space<vmem>>
      %dma_start3A_1015 = tpu.memref_squeeze %dma_start3A_1014 : memref<1x1024xf32, #tpu.memory_space<vmem>> -> memref<1024xf32, #tpu.memory_space<vmem>>
      %dma_start3A_1016 = tpu.memref_slice %arg9[%add3A_974] : memref<1640448xf32, #tpu.memory_space<hbm>> -> memref<1024xf32, #tpu.memory_space<hbm>>
      %dma_start3A_1017 = tpu.memref_slice %arg23[%dma_start3A_1012] : memref<2x!tpu.dma_semaphore, #tpu.memory_space<semaphore_mem>> -> memref<1x!tpu.dma_semaphore, #tpu.memory_space<semaphore_mem>>
      %dma_start3A_1018 = tpu.memref_squeeze %dma_start3A_1017 : memref<1x!tpu.dma_semaphore, #tpu.memory_space<semaphore_mem>> -> memref<!tpu.dma_semaphore, #tpu.memory_space<semaphore_mem>>
      %dma_start3A_1019 = arith.constant 0 : i32
      %dma_start3A_1020 = tpu.memref_slice %arg18[%dma_start3A_1011, %dma_start3A_1019] : memref<2x1024xf32, #tpu.memory_space<vmem>> -> memref<1x1024xf32, #tpu.memory_space<vmem>>
      %dma_start3A_1021 = tpu.memref_squeeze %dma_start3A_1020 : memref<1x1024xf32, #tpu.memory_space<vmem>> -> memref<1024xf32, #tpu.memory_space<vmem>>
      %dma_start3A_1022 = tpu.memref_slice %arg9[%add3A_974] : memref<1640448xf32, #tpu.memory_space<hbm>> -> memref<1024xf32, #tpu.memory_space<hbm>>
      tpu.enqueue_dma source(%dma_start3A_1022 : memref<1024xf32, #tpu.memory_space<hbm>>) target(%dma_start3A_1021 : memref<1024xf32, #tpu.memory_space<vmem>>) target_semaphore(%dma_start3A_1018 : memref<!tpu.dma_semaphore, #tpu.memory_space<semaphore_mem>>)
    }
    %scan3A_140 = arith.constant 25 : i32
    %dma_wait3A = arith.constant 0 : i32
    %dma_wait3A_141 = arith.constant 0 : i32
    %dma_wait3A_142 = arith.constant 0 : i32
    %dma_wait3A_143 = arith.constant 0 : i32
    %dma_wait3A_144 = arith.constant 0 : i32
    %dma_wait3A_145 = arith.constant 0 : i32
    %dma_wait3A_146 = tpu.memref_slice %arg19[%dma_wait3A, %dma_wait3A_145] : memref<2x1024xf32, #tpu.memory_space<vmem>> -> memref<1x128xf32, #tpu.memory_space<vmem>>
    %dma_wait3A_147 = tpu.memref_squeeze %dma_wait3A_146 : memref<1x128xf32, #tpu.memory_space<vmem>> -> memref<128xf32, #tpu.memory_space<vmem>>
    %dma_wait3A_148 = arith.constant 0 : i32
    %dma_wait3A_149 = tpu.memref_slice %arg20[%dma_wait3A_141, %dma_wait3A_142, %dma_wait3A_148] : memref<2x8x128xi32, #tpu.memory_space<vmem>> -> memref<1x1x128xi32, #tpu.memory_space<vmem>>
    %dma_wait3A_150 = tpu.memref_squeeze %dma_wait3A_149 : memref<1x1x128xi32, #tpu.memory_space<vmem>> -> memref<128xi32, #tpu.memory_space<vmem>>
    %dma_wait3A_151 = arith.constant 0 : i32
    %dma_wait3A_152 = tpu.memref_slice %arg22[%dma_wait3A_151] : memref<50176xf32, #tpu.memory_space<vmem_shared>> -> memref<50176xf32, #tpu.memory_space<vmem_shared>>
    %dma_wait3A_153 = tpu.memref_slice %arg25[%dma_wait3A_143, %dma_wait3A_144] : memref<2x8x!tpu.dma_semaphore, #tpu.memory_space<semaphore_mem>> -> memref<1x1x!tpu.dma_semaphore, #tpu.memory_space<semaphore_mem>>
    %dma_wait3A_154 = tpu.memref_squeeze %dma_wait3A_153 : memref<1x1x!tpu.dma_semaphore, #tpu.memory_space<semaphore_mem>> -> memref<!tpu.dma_semaphore, #tpu.memory_space<semaphore_mem>>
    tpu.wait_indirect_dma semaphore(%dma_wait3A_154 : memref<!tpu.dma_semaphore, #tpu.memory_space<semaphore_mem>>) src(%dma_wait3A_147 : memref<128xf32, #tpu.memory_space<vmem>>) dst(%dma_wait3A_152 : memref<50176xf32, #tpu.memory_space<vmem_shared>>)
    %dma_wait3A_155 = arith.constant 0 : i32
    %dma_wait3A_156 = arith.constant 0 : i32
    %dma_wait3A_157 = arith.constant 1 : i32
    %dma_wait3A_158 = arith.constant 0 : i32
    %dma_wait3A_159 = arith.constant 1 : i32
    %dma_wait3A_160 = arith.constant 128 : i32
    %dma_wait3A_161 = tpu.memref_slice %arg19[%dma_wait3A_155, %dma_wait3A_160] : memref<2x1024xf32, #tpu.memory_space<vmem>> -> memref<1x128xf32, #tpu.memory_space<vmem>>
    %dma_wait3A_162 = tpu.memref_squeeze %dma_wait3A_161 : memref<1x128xf32, #tpu.memory_space<vmem>> -> memref<128xf32, #tpu.memory_space<vmem>>
    %dma_wait3A_163 = arith.constant 0 : i32
    %dma_wait3A_164 = tpu.memref_slice %arg20[%dma_wait3A_156, %dma_wait3A_157, %dma_wait3A_163] : memref<2x8x128xi32, #tpu.memory_space<vmem>> -> memref<1x1x128xi32, #tpu.memory_space<vmem>>
    %dma_wait3A_165 = tpu.memref_squeeze %dma_wait3A_164 : memref<1x1x128xi32, #tpu.memory_space<vmem>> -> memref<128xi32, #tpu.memory_space<vmem>>
    %dma_wait3A_166 = arith.constant 0 : i32
    %dma_wait3A_167 = tpu.memref_slice %arg22[%dma_wait3A_166] : memref<50176xf32, #tpu.memory_space<vmem_shared>> -> memref<50176xf32, #tpu.memory_space<vmem_shared>>
    %dma_wait3A_168 = tpu.memref_slice %arg25[%dma_wait3A_158, %dma_wait3A_159] : memref<2x8x!tpu.dma_semaphore, #tpu.memory_space<semaphore_mem>> -> memref<1x1x!tpu.dma_semaphore, #tpu.memory_space<semaphore_mem>>
    %dma_wait3A_169 = tpu.memref_squeeze %dma_wait3A_168 : memref<1x1x!tpu.dma_semaphore, #tpu.memory_space<semaphore_mem>> -> memref<!tpu.dma_semaphore, #tpu.memory_space<semaphore_mem>>
    tpu.wait_indirect_dma semaphore(%dma_wait3A_169 : memref<!tpu.dma_semaphore, #tpu.memory_space<semaphore_mem>>) src(%dma_wait3A_162 : memref<128xf32, #tpu.memory_space<vmem>>) dst(%dma_wait3A_167 : memref<50176xf32, #tpu.memory_space<vmem_shared>>)
    %dma_wait3A_170 = arith.constant 0 : i32
    %dma_wait3A_171 = arith.constant 0 : i32
    %dma_wait3A_172 = arith.constant 2 : i32
    %dma_wait3A_173 = arith.constant 0 : i32
    %dma_wait3A_174 = arith.constant 2 : i32
    %dma_wait3A_175 = arith.constant 256 : i32
    %dma_wait3A_176 = tpu.memref_slice %arg19[%dma_wait3A_170, %dma_wait3A_175] : memref<2x1024xf32, #tpu.memory_space<vmem>> -> memref<1x128xf32, #tpu.memory_space<vmem>>
    %dma_wait3A_177 = tpu.memref_squeeze %dma_wait3A_176 : memref<1x128xf32, #tpu.memory_space<vmem>> -> memref<128xf32, #tpu.memory_space<vmem>>
    %dma_wait3A_178 = arith.constant 0 : i32
    %dma_wait3A_179 = tpu.memref_slice %arg20[%dma_wait3A_171, %dma_wait3A_172, %dma_wait3A_178] : memref<2x8x128xi32, #tpu.memory_space<vmem>> -> memref<1x1x128xi32, #tpu.memory_space<vmem>>
    %dma_wait3A_180 = tpu.memref_squeeze %dma_wait3A_179 : memref<1x1x128xi32, #tpu.memory_space<vmem>> -> memref<128xi32, #tpu.memory_space<vmem>>
    %dma_wait3A_181 = arith.constant 0 : i32
    %dma_wait3A_182 = tpu.memref_slice %arg22[%dma_wait3A_181] : memref<50176xf32, #tpu.memory_space<vmem_shared>> -> memref<50176xf32, #tpu.memory_space<vmem_shared>>
    %dma_wait3A_183 = tpu.memref_slice %arg25[%dma_wait3A_173, %dma_wait3A_174] : memref<2x8x!tpu.dma_semaphore, #tpu.memory_space<semaphore_mem>> -> memref<1x1x!tpu.dma_semaphore, #tpu.memory_space<semaphore_mem>>
    %dma_wait3A_184 = tpu.memref_squeeze %dma_wait3A_183 : memref<1x1x!tpu.dma_semaphore, #tpu.memory_space<semaphore_mem>> -> memref<!tpu.dma_semaphore, #tpu.memory_space<semaphore_mem>>
    tpu.wait_indirect_dma semaphore(%dma_wait3A_184 : memref<!tpu.dma_semaphore, #tpu.memory_space<semaphore_mem>>) src(%dma_wait3A_177 : memref<128xf32, #tpu.memory_space<vmem>>) dst(%dma_wait3A_182 : memref<50176xf32, #tpu.memory_space<vmem_shared>>)
    %dma_wait3A_185 = arith.constant 0 : i32
    %dma_wait3A_186 = arith.constant 0 : i32
    %dma_wait3A_187 = arith.constant 3 : i32
    %dma_wait3A_188 = arith.constant 0 : i32
    %dma_wait3A_189 = arith.constant 3 : i32
    %dma_wait3A_190 = arith.constant 384 : i32
    %dma_wait3A_191 = tpu.memref_slice %arg19[%dma_wait3A_185, %dma_wait3A_190] : memref<2x1024xf32, #tpu.memory_space<vmem>> -> memref<1x128xf32, #tpu.memory_space<vmem>>
    %dma_wait3A_192 = tpu.memref_squeeze %dma_wait3A_191 : memref<1x128xf32, #tpu.memory_space<vmem>> -> memref<128xf32, #tpu.memory_space<vmem>>
    %dma_wait3A_193 = arith.constant 0 : i32
    %dma_wait3A_194 = tpu.memref_slice %arg20[%dma_wait3A_186, %dma_wait3A_187, %dma_wait3A_193] : memref<2x8x128xi32, #tpu.memory_space<vmem>> -> memref<1x1x128xi32, #tpu.memory_space<vmem>>
    %dma_wait3A_195 = tpu.memref_squeeze %dma_wait3A_194 : memref<1x1x128xi32, #tpu.memory_space<vmem>> -> memref<128xi32, #tpu.memory_space<vmem>>
    %dma_wait3A_196 = arith.constant 0 : i32
    %dma_wait3A_197 = tpu.memref_slice %arg22[%dma_wait3A_196] : memref<50176xf32, #tpu.memory_space<vmem_shared>> -> memref<50176xf32, #tpu.memory_space<vmem_shared>>
    %dma_wait3A_198 = tpu.memref_slice %arg25[%dma_wait3A_188, %dma_wait3A_189] : memref<2x8x!tpu.dma_semaphore, #tpu.memory_space<semaphore_mem>> -> memref<1x1x!tpu.dma_semaphore, #tpu.memory_space<semaphore_mem>>
    %dma_wait3A_199 = tpu.memref_squeeze %dma_wait3A_198 : memref<1x1x!tpu.dma_semaphore, #tpu.memory_space<semaphore_mem>> -> memref<!tpu.dma_semaphore, #tpu.memory_space<semaphore_mem>>
    tpu.wait_indirect_dma semaphore(%dma_wait3A_199 : memref<!tpu.dma_semaphore, #tpu.memory_space<semaphore_mem>>) src(%dma_wait3A_192 : memref<128xf32, #tpu.memory_space<vmem>>) dst(%dma_wait3A_197 : memref<50176xf32, #tpu.memory_space<vmem_shared>>)
    %dma_wait3A_200 = arith.constant 0 : i32
    %dma_wait3A_201 = arith.constant 0 : i32
    %dma_wait3A_202 = arith.constant 4 : i32
    %dma_wait3A_203 = arith.constant 0 : i32
    %dma_wait3A_204 = arith.constant 4 : i32
    %dma_wait3A_205 = arith.constant 512 : i32
    %dma_wait3A_206 = tpu.memref_slice %arg19[%dma_wait3A_200, %dma_wait3A_205] : memref<2x1024xf32, #tpu.memory_space<vmem>> -> memref<1x128xf32, #tpu.memory_space<vmem>>
    %dma_wait3A_207 = tpu.memref_squeeze %dma_wait3A_206 : memref<1x128xf32, #tpu.memory_space<vmem>> -> memref<128xf32, #tpu.memory_space<vmem>>
    %dma_wait3A_208 = arith.constant 0 : i32
    %dma_wait3A_209 = tpu.memref_slice %arg20[%dma_wait3A_201, %dma_wait3A_202, %dma_wait3A_208] : memref<2x8x128xi32, #tpu.memory_space<vmem>> -> memref<1x1x128xi32, #tpu.memory_space<vmem>>
    %dma_wait3A_210 = tpu.memref_squeeze %dma_wait3A_209 : memref<1x1x128xi32, #tpu.memory_space<vmem>> -> memref<128xi32, #tpu.memory_space<vmem>>
    %dma_wait3A_211 = arith.constant 0 : i32
    %dma_wait3A_212 = tpu.memref_slice %arg22[%dma_wait3A_211] : memref<50176xf32, #tpu.memory_space<vmem_shared>> -> memref<50176xf32, #tpu.memory_space<vmem_shared>>
    %dma_wait3A_213 = tpu.memref_slice %arg25[%dma_wait3A_203, %dma_wait3A_204] : memref<2x8x!tpu.dma_semaphore, #tpu.memory_space<semaphore_mem>> -> memref<1x1x!tpu.dma_semaphore, #tpu.memory_space<semaphore_mem>>
    %dma_wait3A_214 = tpu.memref_squeeze %dma_wait3A_213 : memref<1x1x!tpu.dma_semaphore, #tpu.memory_space<semaphore_mem>> -> memref<!tpu.dma_semaphore, #tpu.memory_space<semaphore_mem>>
    tpu.wait_indirect_dma semaphore(%dma_wait3A_214 : memref<!tpu.dma_semaphore, #tpu.memory_space<semaphore_mem>>) src(%dma_wait3A_207 : memref<128xf32, #tpu.memory_space<vmem>>) dst(%dma_wait3A_212 : memref<50176xf32, #tpu.memory_space<vmem_shared>>)
    %dma_wait3A_215 = arith.constant 0 : i32
    %dma_wait3A_216 = arith.constant 0 : i32
    %dma_wait3A_217 = arith.constant 5 : i32
    %dma_wait3A_218 = arith.constant 0 : i32
    %dma_wait3A_219 = arith.constant 5 : i32
    %dma_wait3A_220 = arith.constant 640 : i32
    %dma_wait3A_221 = tpu.memref_slice %arg19[%dma_wait3A_215, %dma_wait3A_220] : memref<2x1024xf32, #tpu.memory_space<vmem>> -> memref<1x128xf32, #tpu.memory_space<vmem>>
    %dma_wait3A_222 = tpu.memref_squeeze %dma_wait3A_221 : memref<1x128xf32, #tpu.memory_space<vmem>> -> memref<128xf32, #tpu.memory_space<vmem>>
    %dma_wait3A_223 = arith.constant 0 : i32
    %dma_wait3A_224 = tpu.memref_slice %arg20[%dma_wait3A_216, %dma_wait3A_217, %dma_wait3A_223] : memref<2x8x128xi32, #tpu.memory_space<vmem>> -> memref<1x1x128xi32, #tpu.memory_space<vmem>>
    %dma_wait3A_225 = tpu.memref_squeeze %dma_wait3A_224 : memref<1x1x128xi32, #tpu.memory_space<vmem>> -> memref<128xi32, #tpu.memory_space<vmem>>
    %dma_wait3A_226 = arith.constant 0 : i32
    %dma_wait3A_227 = tpu.memref_slice %arg22[%dma_wait3A_226] : memref<50176xf32, #tpu.memory_space<vmem_shared>> -> memref<50176xf32, #tpu.memory_space<vmem_shared>>
    %dma_wait3A_228 = tpu.memref_slice %arg25[%dma_wait3A_218, %dma_wait3A_219] : memref<2x8x!tpu.dma_semaphore, #tpu.memory_space<semaphore_mem>> -> memref<1x1x!tpu.dma_semaphore, #tpu.memory_space<semaphore_mem>>
    %dma_wait3A_229 = tpu.memref_squeeze %dma_wait3A_228 : memref<1x1x!tpu.dma_semaphore, #tpu.memory_space<semaphore_mem>> -> memref<!tpu.dma_semaphore, #tpu.memory_space<semaphore_mem>>
    tpu.wait_indirect_dma semaphore(%dma_wait3A_229 : memref<!tpu.dma_semaphore, #tpu.memory_space<semaphore_mem>>) src(%dma_wait3A_222 : memref<128xf32, #tpu.memory_space<vmem>>) dst(%dma_wait3A_227 : memref<50176xf32, #tpu.memory_space<vmem_shared>>)
    %dma_wait3A_230 = arith.constant 0 : i32
    %dma_wait3A_231 = arith.constant 0 : i32
    %dma_wait3A_232 = arith.constant 6 : i32
    %dma_wait3A_233 = arith.constant 0 : i32
    %dma_wait3A_234 = arith.constant 6 : i32
    %dma_wait3A_235 = arith.constant 768 : i32
    %dma_wait3A_236 = tpu.memref_slice %arg19[%dma_wait3A_230, %dma_wait3A_235] : memref<2x1024xf32, #tpu.memory_space<vmem>> -> memref<1x128xf32, #tpu.memory_space<vmem>>
    %dma_wait3A_237 = tpu.memref_squeeze %dma_wait3A_236 : memref<1x128xf32, #tpu.memory_space<vmem>> -> memref<128xf32, #tpu.memory_space<vmem>>
    %dma_wait3A_238 = arith.constant 0 : i32
    %dma_wait3A_239 = tpu.memref_slice %arg20[%dma_wait3A_231, %dma_wait3A_232, %dma_wait3A_238] : memref<2x8x128xi32, #tpu.memory_space<vmem>> -> memref<1x1x128xi32, #tpu.memory_space<vmem>>
    %dma_wait3A_240 = tpu.memref_squeeze %dma_wait3A_239 : memref<1x1x128xi32, #tpu.memory_space<vmem>> -> memref<128xi32, #tpu.memory_space<vmem>>
    %dma_wait3A_241 = arith.constant 0 : i32
    %dma_wait3A_242 = tpu.memref_slice %arg22[%dma_wait3A_241] : memref<50176xf32, #tpu.memory_space<vmem_shared>> -> memref<50176xf32, #tpu.memory_space<vmem_shared>>
    %dma_wait3A_243 = tpu.memref_slice %arg25[%dma_wait3A_233, %dma_wait3A_234] : memref<2x8x!tpu.dma_semaphore, #tpu.memory_space<semaphore_mem>> -> memref<1x1x!tpu.dma_semaphore, #tpu.memory_space<semaphore_mem>>
    %dma_wait3A_244 = tpu.memref_squeeze %dma_wait3A_243 : memref<1x1x!tpu.dma_semaphore, #tpu.memory_space<semaphore_mem>> -> memref<!tpu.dma_semaphore, #tpu.memory_space<semaphore_mem>>
    tpu.wait_indirect_dma semaphore(%dma_wait3A_244 : memref<!tpu.dma_semaphore, #tpu.memory_space<semaphore_mem>>) src(%dma_wait3A_237 : memref<128xf32, #tpu.memory_space<vmem>>) dst(%dma_wait3A_242 : memref<50176xf32, #tpu.memory_space<vmem_shared>>)
    %dma_wait3A_245 = arith.constant 0 : i32
    %dma_wait3A_246 = arith.constant 0 : i32
    %dma_wait3A_247 = arith.constant 7 : i32
    %dma_wait3A_248 = arith.constant 0 : i32
    %dma_wait3A_249 = arith.constant 7 : i32
    %dma_wait3A_250 = arith.constant 896 : i32
    %dma_wait3A_251 = tpu.memref_slice %arg19[%dma_wait3A_245, %dma_wait3A_250] : memref<2x1024xf32, #tpu.memory_space<vmem>> -> memref<1x128xf32, #tpu.memory_space<vmem>>
    %dma_wait3A_252 = tpu.memref_squeeze %dma_wait3A_251 : memref<1x128xf32, #tpu.memory_space<vmem>> -> memref<128xf32, #tpu.memory_space<vmem>>
    %dma_wait3A_253 = arith.constant 0 : i32
    %dma_wait3A_254 = tpu.memref_slice %arg20[%dma_wait3A_246, %dma_wait3A_247, %dma_wait3A_253] : memref<2x8x128xi32, #tpu.memory_space<vmem>> -> memref<1x1x128xi32, #tpu.memory_space<vmem>>
    %dma_wait3A_255 = tpu.memref_squeeze %dma_wait3A_254 : memref<1x1x128xi32, #tpu.memory_space<vmem>> -> memref<128xi32, #tpu.memory_space<vmem>>
    %dma_wait3A_256 = arith.constant 0 : i32
    %dma_wait3A_257 = tpu.memref_slice %arg22[%dma_wait3A_256] : memref<50176xf32, #tpu.memory_space<vmem_shared>> -> memref<50176xf32, #tpu.memory_space<vmem_shared>>
    %dma_wait3A_258 = tpu.memref_slice %arg25[%dma_wait3A_248, %dma_wait3A_249] : memref<2x8x!tpu.dma_semaphore, #tpu.memory_space<semaphore_mem>> -> memref<1x1x!tpu.dma_semaphore, #tpu.memory_space<semaphore_mem>>
    %dma_wait3A_259 = tpu.memref_squeeze %dma_wait3A_258 : memref<1x1x!tpu.dma_semaphore, #tpu.memory_space<semaphore_mem>> -> memref<!tpu.dma_semaphore, #tpu.memory_space<semaphore_mem>>
    tpu.wait_indirect_dma semaphore(%dma_wait3A_259 : memref<!tpu.dma_semaphore, #tpu.memory_space<semaphore_mem>>) src(%dma_wait3A_252 : memref<128xf32, #tpu.memory_space<vmem>>) dst(%dma_wait3A_257 : memref<50176xf32, #tpu.memory_space<vmem_shared>>)
    %dma_wait3A_260 = arith.constant 1 : i32
    %dma_wait3A_261 = arith.constant 1 : i32
    %dma_wait3A_262 = arith.constant 0 : i32
    %dma_wait3A_263 = arith.constant 1 : i32
    %dma_wait3A_264 = arith.constant 0 : i32
    %dma_wait3A_265 = arith.constant 0 : i32
    %dma_wait3A_266 = tpu.memref_slice %arg19[%dma_wait3A_260, %dma_wait3A_265] : memref<2x1024xf32, #tpu.memory_space<vmem>> -> memref<1x128xf32, #tpu.memory_space<vmem>>
    %dma_wait3A_267 = tpu.memref_squeeze %dma_wait3A_266 : memref<1x128xf32, #tpu.memory_space<vmem>> -> memref<128xf32, #tpu.memory_space<vmem>>
    %dma_wait3A_268 = arith.constant 0 : i32
    %dma_wait3A_269 = tpu.memref_slice %arg20[%dma_wait3A_261, %dma_wait3A_262, %dma_wait3A_268] : memref<2x8x128xi32, #tpu.memory_space<vmem>> -> memref<1x1x128xi32, #tpu.memory_space<vmem>>
    %dma_wait3A_270 = tpu.memref_squeeze %dma_wait3A_269 : memref<1x1x128xi32, #tpu.memory_space<vmem>> -> memref<128xi32, #tpu.memory_space<vmem>>
    %dma_wait3A_271 = arith.constant 0 : i32
    %dma_wait3A_272 = tpu.memref_slice %arg22[%dma_wait3A_271] : memref<50176xf32, #tpu.memory_space<vmem_shared>> -> memref<50176xf32, #tpu.memory_space<vmem_shared>>
    %dma_wait3A_273 = tpu.memref_slice %arg25[%dma_wait3A_263, %dma_wait3A_264] : memref<2x8x!tpu.dma_semaphore, #tpu.memory_space<semaphore_mem>> -> memref<1x1x!tpu.dma_semaphore, #tpu.memory_space<semaphore_mem>>
    %dma_wait3A_274 = tpu.memref_squeeze %dma_wait3A_273 : memref<1x1x!tpu.dma_semaphore, #tpu.memory_space<semaphore_mem>> -> memref<!tpu.dma_semaphore, #tpu.memory_space<semaphore_mem>>
    tpu.wait_indirect_dma semaphore(%dma_wait3A_274 : memref<!tpu.dma_semaphore, #tpu.memory_space<semaphore_mem>>) src(%dma_wait3A_267 : memref<128xf32, #tpu.memory_space<vmem>>) dst(%dma_wait3A_272 : memref<50176xf32, #tpu.memory_space<vmem_shared>>)
    %dma_wait3A_275 = arith.constant 1 : i32
    %dma_wait3A_276 = arith.constant 1 : i32
    %dma_wait3A_277 = arith.constant 1 : i32
    %dma_wait3A_278 = arith.constant 1 : i32
    %dma_wait3A_279 = arith.constant 1 : i32
    %dma_wait3A_280 = arith.constant 128 : i32
    %dma_wait3A_281 = tpu.memref_slice %arg19[%dma_wait3A_275, %dma_wait3A_280] : memref<2x1024xf32, #tpu.memory_space<vmem>> -> memref<1x128xf32, #tpu.memory_space<vmem>>
    %dma_wait3A_282 = tpu.memref_squeeze %dma_wait3A_281 : memref<1x128xf32, #tpu.memory_space<vmem>> -> memref<128xf32, #tpu.memory_space<vmem>>
    %dma_wait3A_283 = arith.constant 0 : i32
    %dma_wait3A_284 = tpu.memref_slice %arg20[%dma_wait3A_276, %dma_wait3A_277, %dma_wait3A_283] : memref<2x8x128xi32, #tpu.memory_space<vmem>> -> memref<1x1x128xi32, #tpu.memory_space<vmem>>
    %dma_wait3A_285 = tpu.memref_squeeze %dma_wait3A_284 : memref<1x1x128xi32, #tpu.memory_space<vmem>> -> memref<128xi32, #tpu.memory_space<vmem>>
    %dma_wait3A_286 = arith.constant 0 : i32
    %dma_wait3A_287 = tpu.memref_slice %arg22[%dma_wait3A_286] : memref<50176xf32, #tpu.memory_space<vmem_shared>> -> memref<50176xf32, #tpu.memory_space<vmem_shared>>
    %dma_wait3A_288 = tpu.memref_slice %arg25[%dma_wait3A_278, %dma_wait3A_279] : memref<2x8x!tpu.dma_semaphore, #tpu.memory_space<semaphore_mem>> -> memref<1x1x!tpu.dma_semaphore, #tpu.memory_space<semaphore_mem>>
    %dma_wait3A_289 = tpu.memref_squeeze %dma_wait3A_288 : memref<1x1x!tpu.dma_semaphore, #tpu.memory_space<semaphore_mem>> -> memref<!tpu.dma_semaphore, #tpu.memory_space<semaphore_mem>>
    tpu.wait_indirect_dma semaphore(%dma_wait3A_289 : memref<!tpu.dma_semaphore, #tpu.memory_space<semaphore_mem>>) src(%dma_wait3A_282 : memref<128xf32, #tpu.memory_space<vmem>>) dst(%dma_wait3A_287 : memref<50176xf32, #tpu.memory_space<vmem_shared>>)
    %dma_wait3A_290 = arith.constant 1 : i32
    %dma_wait3A_291 = arith.constant 1 : i32
    %dma_wait3A_292 = arith.constant 2 : i32
    %dma_wait3A_293 = arith.constant 1 : i32
    %dma_wait3A_294 = arith.constant 2 : i32
    %dma_wait3A_295 = arith.constant 256 : i32
    %dma_wait3A_296 = tpu.memref_slice %arg19[%dma_wait3A_290, %dma_wait3A_295] : memref<2x1024xf32, #tpu.memory_space<vmem>> -> memref<1x128xf32, #tpu.memory_space<vmem>>
    %dma_wait3A_297 = tpu.memref_squeeze %dma_wait3A_296 : memref<1x128xf32, #tpu.memory_space<vmem>> -> memref<128xf32, #tpu.memory_space<vmem>>
    %dma_wait3A_298 = arith.constant 0 : i32
    %dma_wait3A_299 = tpu.memref_slice %arg20[%dma_wait3A_291, %dma_wait3A_292, %dma_wait3A_298] : memref<2x8x128xi32, #tpu.memory_space<vmem>> -> memref<1x1x128xi32, #tpu.memory_space<vmem>>
    %dma_wait3A_300 = tpu.memref_squeeze %dma_wait3A_299 : memref<1x1x128xi32, #tpu.memory_space<vmem>> -> memref<128xi32, #tpu.memory_space<vmem>>
    %dma_wait3A_301 = arith.constant 0 : i32
    %dma_wait3A_302 = tpu.memref_slice %arg22[%dma_wait3A_301] : memref<50176xf32, #tpu.memory_space<vmem_shared>> -> memref<50176xf32, #tpu.memory_space<vmem_shared>>
    %dma_wait3A_303 = tpu.memref_slice %arg25[%dma_wait3A_293, %dma_wait3A_294] : memref<2x8x!tpu.dma_semaphore, #tpu.memory_space<semaphore_mem>> -> memref<1x1x!tpu.dma_semaphore, #tpu.memory_space<semaphore_mem>>
    %dma_wait3A_304 = tpu.memref_squeeze %dma_wait3A_303 : memref<1x1x!tpu.dma_semaphore, #tpu.memory_space<semaphore_mem>> -> memref<!tpu.dma_semaphore, #tpu.memory_space<semaphore_mem>>
    tpu.wait_indirect_dma semaphore(%dma_wait3A_304 : memref<!tpu.dma_semaphore, #tpu.memory_space<semaphore_mem>>) src(%dma_wait3A_297 : memref<128xf32, #tpu.memory_space<vmem>>) dst(%dma_wait3A_302 : memref<50176xf32, #tpu.memory_space<vmem_shared>>)
    %dma_wait3A_305 = arith.constant 1 : i32
    %dma_wait3A_306 = arith.constant 1 : i32
    %dma_wait3A_307 = arith.constant 3 : i32
    %dma_wait3A_308 = arith.constant 1 : i32
    %dma_wait3A_309 = arith.constant 3 : i32
    %dma_wait3A_310 = arith.constant 384 : i32
    %dma_wait3A_311 = tpu.memref_slice %arg19[%dma_wait3A_305, %dma_wait3A_310] : memref<2x1024xf32, #tpu.memory_space<vmem>> -> memref<1x128xf32, #tpu.memory_space<vmem>>
    %dma_wait3A_312 = tpu.memref_squeeze %dma_wait3A_311 : memref<1x128xf32, #tpu.memory_space<vmem>> -> memref<128xf32, #tpu.memory_space<vmem>>
    %dma_wait3A_313 = arith.constant 0 : i32
    %dma_wait3A_314 = tpu.memref_slice %arg20[%dma_wait3A_306, %dma_wait3A_307, %dma_wait3A_313] : memref<2x8x128xi32, #tpu.memory_space<vmem>> -> memref<1x1x128xi32, #tpu.memory_space<vmem>>
    %dma_wait3A_315 = tpu.memref_squeeze %dma_wait3A_314 : memref<1x1x128xi32, #tpu.memory_space<vmem>> -> memref<128xi32, #tpu.memory_space<vmem>>
    %dma_wait3A_316 = arith.constant 0 : i32
    %dma_wait3A_317 = tpu.memref_slice %arg22[%dma_wait3A_316] : memref<50176xf32, #tpu.memory_space<vmem_shared>> -> memref<50176xf32, #tpu.memory_space<vmem_shared>>
    %dma_wait3A_318 = tpu.memref_slice %arg25[%dma_wait3A_308, %dma_wait3A_309] : memref<2x8x!tpu.dma_semaphore, #tpu.memory_space<semaphore_mem>> -> memref<1x1x!tpu.dma_semaphore, #tpu.memory_space<semaphore_mem>>
    %dma_wait3A_319 = tpu.memref_squeeze %dma_wait3A_318 : memref<1x1x!tpu.dma_semaphore, #tpu.memory_space<semaphore_mem>> -> memref<!tpu.dma_semaphore, #tpu.memory_space<semaphore_mem>>
    tpu.wait_indirect_dma semaphore(%dma_wait3A_319 : memref<!tpu.dma_semaphore, #tpu.memory_space<semaphore_mem>>) src(%dma_wait3A_312 : memref<128xf32, #tpu.memory_space<vmem>>) dst(%dma_wait3A_317 : memref<50176xf32, #tpu.memory_space<vmem_shared>>)
    %dma_wait3A_320 = arith.constant 1 : i32
    %dma_wait3A_321 = arith.constant 1 : i32
    %dma_wait3A_322 = arith.constant 4 : i32
    %dma_wait3A_323 = arith.constant 1 : i32
    %dma_wait3A_324 = arith.constant 4 : i32
    %dma_wait3A_325 = arith.constant 512 : i32
    %dma_wait3A_326 = tpu.memref_slice %arg19[%dma_wait3A_320, %dma_wait3A_325] : memref<2x1024xf32, #tpu.memory_space<vmem>> -> memref<1x128xf32, #tpu.memory_space<vmem>>
    %dma_wait3A_327 = tpu.memref_squeeze %dma_wait3A_326 : memref<1x128xf32, #tpu.memory_space<vmem>> -> memref<128xf32, #tpu.memory_space<vmem>>
    %dma_wait3A_328 = arith.constant 0 : i32
    %dma_wait3A_329 = tpu.memref_slice %arg20[%dma_wait3A_321, %dma_wait3A_322, %dma_wait3A_328] : memref<2x8x128xi32, #tpu.memory_space<vmem>> -> memref<1x1x128xi32, #tpu.memory_space<vmem>>
    %dma_wait3A_330 = tpu.memref_squeeze %dma_wait3A_329 : memref<1x1x128xi32, #tpu.memory_space<vmem>> -> memref<128xi32, #tpu.memory_space<vmem>>
    %dma_wait3A_331 = arith.constant 0 : i32
    %dma_wait3A_332 = tpu.memref_slice %arg22[%dma_wait3A_331] : memref<50176xf32, #tpu.memory_space<vmem_shared>> -> memref<50176xf32, #tpu.memory_space<vmem_shared>>
    %dma_wait3A_333 = tpu.memref_slice %arg25[%dma_wait3A_323, %dma_wait3A_324] : memref<2x8x!tpu.dma_semaphore, #tpu.memory_space<semaphore_mem>> -> memref<1x1x!tpu.dma_semaphore, #tpu.memory_space<semaphore_mem>>
    %dma_wait3A_334 = tpu.memref_squeeze %dma_wait3A_333 : memref<1x1x!tpu.dma_semaphore, #tpu.memory_space<semaphore_mem>> -> memref<!tpu.dma_semaphore, #tpu.memory_space<semaphore_mem>>
    tpu.wait_indirect_dma semaphore(%dma_wait3A_334 : memref<!tpu.dma_semaphore, #tpu.memory_space<semaphore_mem>>) src(%dma_wait3A_327 : memref<128xf32, #tpu.memory_space<vmem>>) dst(%dma_wait3A_332 : memref<50176xf32, #tpu.memory_space<vmem_shared>>)
    %dma_wait3A_335 = arith.constant 1 : i32
    %dma_wait3A_336 = arith.constant 1 : i32
    %dma_wait3A_337 = arith.constant 5 : i32
    %dma_wait3A_338 = arith.constant 1 : i32
    %dma_wait3A_339 = arith.constant 5 : i32
    %dma_wait3A_340 = arith.constant 640 : i32
    %dma_wait3A_341 = tpu.memref_slice %arg19[%dma_wait3A_335, %dma_wait3A_340] : memref<2x1024xf32, #tpu.memory_space<vmem>> -> memref<1x128xf32, #tpu.memory_space<vmem>>
    %dma_wait3A_342 = tpu.memref_squeeze %dma_wait3A_341 : memref<1x128xf32, #tpu.memory_space<vmem>> -> memref<128xf32, #tpu.memory_space<vmem>>
    %dma_wait3A_343 = arith.constant 0 : i32
    %dma_wait3A_344 = tpu.memref_slice %arg20[%dma_wait3A_336, %dma_wait3A_337, %dma_wait3A_343] : memref<2x8x128xi32, #tpu.memory_space<vmem>> -> memref<1x1x128xi32, #tpu.memory_space<vmem>>
    %dma_wait3A_345 = tpu.memref_squeeze %dma_wait3A_344 : memref<1x1x128xi32, #tpu.memory_space<vmem>> -> memref<128xi32, #tpu.memory_space<vmem>>
    %dma_wait3A_346 = arith.constant 0 : i32
    %dma_wait3A_347 = tpu.memref_slice %arg22[%dma_wait3A_346] : memref<50176xf32, #tpu.memory_space<vmem_shared>> -> memref<50176xf32, #tpu.memory_space<vmem_shared>>
    %dma_wait3A_348 = tpu.memref_slice %arg25[%dma_wait3A_338, %dma_wait3A_339] : memref<2x8x!tpu.dma_semaphore, #tpu.memory_space<semaphore_mem>> -> memref<1x1x!tpu.dma_semaphore, #tpu.memory_space<semaphore_mem>>
    %dma_wait3A_349 = tpu.memref_squeeze %dma_wait3A_348 : memref<1x1x!tpu.dma_semaphore, #tpu.memory_space<semaphore_mem>> -> memref<!tpu.dma_semaphore, #tpu.memory_space<semaphore_mem>>
    tpu.wait_indirect_dma semaphore(%dma_wait3A_349 : memref<!tpu.dma_semaphore, #tpu.memory_space<semaphore_mem>>) src(%dma_wait3A_342 : memref<128xf32, #tpu.memory_space<vmem>>) dst(%dma_wait3A_347 : memref<50176xf32, #tpu.memory_space<vmem_shared>>)
    %dma_wait3A_350 = arith.constant 1 : i32
    %dma_wait3A_351 = arith.constant 1 : i32
    %dma_wait3A_352 = arith.constant 6 : i32
    %dma_wait3A_353 = arith.constant 1 : i32
    %dma_wait3A_354 = arith.constant 6 : i32
    %dma_wait3A_355 = arith.constant 768 : i32
    %dma_wait3A_356 = tpu.memref_slice %arg19[%dma_wait3A_350, %dma_wait3A_355] : memref<2x1024xf32, #tpu.memory_space<vmem>> -> memref<1x128xf32, #tpu.memory_space<vmem>>
    %dma_wait3A_357 = tpu.memref_squeeze %dma_wait3A_356 : memref<1x128xf32, #tpu.memory_space<vmem>> -> memref<128xf32, #tpu.memory_space<vmem>>
    %dma_wait3A_358 = arith.constant 0 : i32
    %dma_wait3A_359 = tpu.memref_slice %arg20[%dma_wait3A_351, %dma_wait3A_352, %dma_wait3A_358] : memref<2x8x128xi32, #tpu.memory_space<vmem>> -> memref<1x1x128xi32, #tpu.memory_space<vmem>>
    %dma_wait3A_360 = tpu.memref_squeeze %dma_wait3A_359 : memref<1x1x128xi32, #tpu.memory_space<vmem>> -> memref<128xi32, #tpu.memory_space<vmem>>
    %dma_wait3A_361 = arith.constant 0 : i32
    %dma_wait3A_362 = tpu.memref_slice %arg22[%dma_wait3A_361] : memref<50176xf32, #tpu.memory_space<vmem_shared>> -> memref<50176xf32, #tpu.memory_space<vmem_shared>>
    %dma_wait3A_363 = tpu.memref_slice %arg25[%dma_wait3A_353, %dma_wait3A_354] : memref<2x8x!tpu.dma_semaphore, #tpu.memory_space<semaphore_mem>> -> memref<1x1x!tpu.dma_semaphore, #tpu.memory_space<semaphore_mem>>
    %dma_wait3A_364 = tpu.memref_squeeze %dma_wait3A_363 : memref<1x1x!tpu.dma_semaphore, #tpu.memory_space<semaphore_mem>> -> memref<!tpu.dma_semaphore, #tpu.memory_space<semaphore_mem>>
    tpu.wait_indirect_dma semaphore(%dma_wait3A_364 : memref<!tpu.dma_semaphore, #tpu.memory_space<semaphore_mem>>) src(%dma_wait3A_357 : memref<128xf32, #tpu.memory_space<vmem>>) dst(%dma_wait3A_362 : memref<50176xf32, #tpu.memory_space<vmem_shared>>)
    %dma_wait3A_365 = arith.constant 1 : i32
    %dma_wait3A_366 = arith.constant 1 : i32
    %dma_wait3A_367 = arith.constant 7 : i32
    %dma_wait3A_368 = arith.constant 1 : i32
    %dma_wait3A_369 = arith.constant 7 : i32
    %dma_wait3A_370 = arith.constant 896 : i32
    %dma_wait3A_371 = tpu.memref_slice %arg19[%dma_wait3A_365, %dma_wait3A_370] : memref<2x1024xf32, #tpu.memory_space<vmem>> -> memref<1x128xf32, #tpu.memory_space<vmem>>
    %dma_wait3A_372 = tpu.memref_squeeze %dma_wait3A_371 : memref<1x128xf32, #tpu.memory_space<vmem>> -> memref<128xf32, #tpu.memory_space<vmem>>
    %dma_wait3A_373 = arith.constant 0 : i32
    %dma_wait3A_374 = tpu.memref_slice %arg20[%dma_wait3A_366, %dma_wait3A_367, %dma_wait3A_373] : memref<2x8x128xi32, #tpu.memory_space<vmem>> -> memref<1x1x128xi32, #tpu.memory_space<vmem>>
    %dma_wait3A_375 = tpu.memref_squeeze %dma_wait3A_374 : memref<1x1x128xi32, #tpu.memory_space<vmem>> -> memref<128xi32, #tpu.memory_space<vmem>>
    %dma_wait3A_376 = arith.constant 0 : i32
    %dma_wait3A_377 = tpu.memref_slice %arg22[%dma_wait3A_376] : memref<50176xf32, #tpu.memory_space<vmem_shared>> -> memref<50176xf32, #tpu.memory_space<vmem_shared>>
    %dma_wait3A_378 = tpu.memref_slice %arg25[%dma_wait3A_368, %dma_wait3A_369] : memref<2x8x!tpu.dma_semaphore, #tpu.memory_space<semaphore_mem>> -> memref<1x1x!tpu.dma_semaphore, #tpu.memory_space<semaphore_mem>>
    %dma_wait3A_379 = tpu.memref_squeeze %dma_wait3A_378 : memref<1x1x!tpu.dma_semaphore, #tpu.memory_space<semaphore_mem>> -> memref<!tpu.dma_semaphore, #tpu.memory_space<semaphore_mem>>
    tpu.wait_indirect_dma semaphore(%dma_wait3A_379 : memref<!tpu.dma_semaphore, #tpu.memory_space<semaphore_mem>>) src(%dma_wait3A_372 : memref<128xf32, #tpu.memory_space<vmem>>) dst(%dma_wait3A_377 : memref<50176xf32, #tpu.memory_space<vmem_shared>>)
    %add3A_380 = arith.constant 51200 : i32
    %add3A_381 = arith.addi %mul3A_37, %add3A_380 : i32
    %dma_wait3A_382 = arith.constant 0 : i32
    %dma_wait3A_383 = arith.constant 0 : i32
    %dma_wait3A_384 = arith.constant 0 : i32
    %dma_wait3A_385 = tpu.memref_slice %arg15[%dma_wait3A_382, %dma_wait3A_384] : memref<2x1024xi32, #tpu.memory_space<vmem>> -> memref<1x1024xi32, #tpu.memory_space<vmem>>
    %dma_wait3A_386 = tpu.memref_squeeze %dma_wait3A_385 : memref<1x1024xi32, #tpu.memory_space<vmem>> -> memref<1024xi32, #tpu.memory_space<vmem>>
    %dma_wait3A_387 = tpu.memref_slice %arg6[%add3A_381] : memref<1640448xi32, #tpu.memory_space<hbm>> -> memref<1024xi32, #tpu.memory_space<hbm>>
    %dma_wait3A_388 = tpu.memref_slice %arg23[%dma_wait3A_383] : memref<2x!tpu.dma_semaphore, #tpu.memory_space<semaphore_mem>> -> memref<1x!tpu.dma_semaphore, #tpu.memory_space<semaphore_mem>>
    %dma_wait3A_389 = tpu.memref_squeeze %dma_wait3A_388 : memref<1x!tpu.dma_semaphore, #tpu.memory_space<semaphore_mem>> -> memref<!tpu.dma_semaphore, #tpu.memory_space<semaphore_mem>>
    %dma_wait3A_390 = arith.constant 0 : i32
    %dma_wait3A_391 = tpu.memref_slice %arg15[%dma_wait3A_382, %dma_wait3A_390] : memref<2x1024xi32, #tpu.memory_space<vmem>> -> memref<1x1024xi32, #tpu.memory_space<vmem>>
    %dma_wait3A_392 = tpu.memref_squeeze %dma_wait3A_391 : memref<1x1024xi32, #tpu.memory_space<vmem>> -> memref<1024xi32, #tpu.memory_space<vmem>>
    %dma_wait3A_393 = tpu.memref_slice %arg6[%add3A_381] : memref<1640448xi32, #tpu.memory_space<hbm>> -> memref<1024xi32, #tpu.memory_space<hbm>>
    tpu.wait_dma2 semaphore(%dma_wait3A_389 : memref<!tpu.dma_semaphore, #tpu.memory_space<semaphore_mem>>) src(%dma_wait3A_393 : memref<1024xi32, #tpu.memory_space<hbm>>) dst(%dma_wait3A_392 : memref<1024xi32, #tpu.memory_space<vmem>>)
    %dma_wait3A_394 = arith.constant 0 : i32
    %dma_wait3A_395 = arith.constant 0 : i32
    %dma_wait3A_396 = arith.constant 0 : i32
    %dma_wait3A_397 = tpu.memref_slice %arg16[%dma_wait3A_394, %dma_wait3A_396] : memref<2x1024xi32, #tpu.memory_space<vmem>> -> memref<1x1024xi32, #tpu.memory_space<vmem>>
    %dma_wait3A_398 = tpu.memref_squeeze %dma_wait3A_397 : memref<1x1024xi32, #tpu.memory_space<vmem>> -> memref<1024xi32, #tpu.memory_space<vmem>>
    %dma_wait3A_399 = tpu.memref_slice %arg7[%add3A_381] : memref<1640448xi32, #tpu.memory_space<hbm>> -> memref<1024xi32, #tpu.memory_space<hbm>>
    %dma_wait3A_400 = tpu.memref_slice %arg23[%dma_wait3A_395] : memref<2x!tpu.dma_semaphore, #tpu.memory_space<semaphore_mem>> -> memref<1x!tpu.dma_semaphore, #tpu.memory_space<semaphore_mem>>
    %dma_wait3A_401 = tpu.memref_squeeze %dma_wait3A_400 : memref<1x!tpu.dma_semaphore, #tpu.memory_space<semaphore_mem>> -> memref<!tpu.dma_semaphore, #tpu.memory_space<semaphore_mem>>
    %dma_wait3A_402 = arith.constant 0 : i32
    %dma_wait3A_403 = tpu.memref_slice %arg16[%dma_wait3A_394, %dma_wait3A_402] : memref<2x1024xi32, #tpu.memory_space<vmem>> -> memref<1x1024xi32, #tpu.memory_space<vmem>>
    %dma_wait3A_404 = tpu.memref_squeeze %dma_wait3A_403 : memref<1x1024xi32, #tpu.memory_space<vmem>> -> memref<1024xi32, #tpu.memory_space<vmem>>
    %dma_wait3A_405 = tpu.memref_slice %arg7[%add3A_381] : memref<1640448xi32, #tpu.memory_space<hbm>> -> memref<1024xi32, #tpu.memory_space<hbm>>
    tpu.wait_dma2 semaphore(%dma_wait3A_401 : memref<!tpu.dma_semaphore, #tpu.memory_space<semaphore_mem>>) src(%dma_wait3A_405 : memref<1024xi32, #tpu.memory_space<hbm>>) dst(%dma_wait3A_404 : memref<1024xi32, #tpu.memory_space<vmem>>)
    %dma_wait3A_406 = arith.constant 0 : i32
    %dma_wait3A_407 = arith.constant 0 : i32
    %dma_wait3A_408 = arith.constant 0 : i32
    %dma_wait3A_409 = tpu.memref_slice %arg17[%dma_wait3A_406, %dma_wait3A_408] : memref<2x1024xf32, #tpu.memory_space<vmem>> -> memref<1x1024xf32, #tpu.memory_space<vmem>>
    %dma_wait3A_410 = tpu.memref_squeeze %dma_wait3A_409 : memref<1x1024xf32, #tpu.memory_space<vmem>> -> memref<1024xf32, #tpu.memory_space<vmem>>
    %dma_wait3A_411 = tpu.memref_slice %arg8[%add3A_381] : memref<1640448xf32, #tpu.memory_space<hbm>> -> memref<1024xf32, #tpu.memory_space<hbm>>
    %dma_wait3A_412 = tpu.memref_slice %arg23[%dma_wait3A_407] : memref<2x!tpu.dma_semaphore, #tpu.memory_space<semaphore_mem>> -> memref<1x!tpu.dma_semaphore, #tpu.memory_space<semaphore_mem>>
    %dma_wait3A_413 = tpu.memref_squeeze %dma_wait3A_412 : memref<1x!tpu.dma_semaphore, #tpu.memory_space<semaphore_mem>> -> memref<!tpu.dma_semaphore, #tpu.memory_space<semaphore_mem>>
    %dma_wait3A_414 = arith.constant 0 : i32
    %dma_wait3A_415 = tpu.memref_slice %arg17[%dma_wait3A_406, %dma_wait3A_414] : memref<2x1024xf32, #tpu.memory_space<vmem>> -> memref<1x1024xf32, #tpu.memory_space<vmem>>
    %dma_wait3A_416 = tpu.memref_squeeze %dma_wait3A_415 : memref<1x1024xf32, #tpu.memory_space<vmem>> -> memref<1024xf32, #tpu.memory_space<vmem>>
    %dma_wait3A_417 = tpu.memref_slice %arg8[%add3A_381] : memref<1640448xf32, #tpu.memory_space<hbm>> -> memref<1024xf32, #tpu.memory_space<hbm>>
    tpu.wait_dma2 semaphore(%dma_wait3A_413 : memref<!tpu.dma_semaphore, #tpu.memory_space<semaphore_mem>>) src(%dma_wait3A_417 : memref<1024xf32, #tpu.memory_space<hbm>>) dst(%dma_wait3A_416 : memref<1024xf32, #tpu.memory_space<vmem>>)
    %dma_wait3A_418 = arith.constant 0 : i32
    %dma_wait3A_419 = arith.constant 0 : i32
    %dma_wait3A_420 = arith.constant 0 : i32
    %dma_wait3A_421 = tpu.memref_slice %arg18[%dma_wait3A_418, %dma_wait3A_420] : memref<2x1024xf32, #tpu.memory_space<vmem>> -> memref<1x1024xf32, #tpu.memory_space<vmem>>
    %dma_wait3A_422 = tpu.memref_squeeze %dma_wait3A_421 : memref<1x1024xf32, #tpu.memory_space<vmem>> -> memref<1024xf32, #tpu.memory_space<vmem>>
    %dma_wait3A_423 = tpu.memref_slice %arg9[%add3A_381] : memref<1640448xf32, #tpu.memory_space<hbm>> -> memref<1024xf32, #tpu.memory_space<hbm>>
    %dma_wait3A_424 = tpu.memref_slice %arg23[%dma_wait3A_419] : memref<2x!tpu.dma_semaphore, #tpu.memory_space<semaphore_mem>> -> memref<1x!tpu.dma_semaphore, #tpu.memory_space<semaphore_mem>>
    %dma_wait3A_425 = tpu.memref_squeeze %dma_wait3A_424 : memref<1x!tpu.dma_semaphore, #tpu.memory_space<semaphore_mem>> -> memref<!tpu.dma_semaphore, #tpu.memory_space<semaphore_mem>>
    %dma_wait3A_426 = arith.constant 0 : i32
    %dma_wait3A_427 = tpu.memref_slice %arg18[%dma_wait3A_418, %dma_wait3A_426] : memref<2x1024xf32, #tpu.memory_space<vmem>> -> memref<1x1024xf32, #tpu.memory_space<vmem>>
    %dma_wait3A_428 = tpu.memref_squeeze %dma_wait3A_427 : memref<1x1024xf32, #tpu.memory_space<vmem>> -> memref<1024xf32, #tpu.memory_space<vmem>>
    %dma_wait3A_429 = tpu.memref_slice %arg9[%add3A_381] : memref<1640448xf32, #tpu.memory_space<hbm>> -> memref<1024xf32, #tpu.memory_space<hbm>>
    tpu.wait_dma2 semaphore(%dma_wait3A_425 : memref<!tpu.dma_semaphore, #tpu.memory_space<semaphore_mem>>) src(%dma_wait3A_429 : memref<1024xf32, #tpu.memory_space<hbm>>) dst(%dma_wait3A_428 : memref<1024xf32, #tpu.memory_space<vmem>>)
    %add3A_430 = arith.constant 52224 : i32
    %add3A_431 = arith.addi %mul3A_37, %add3A_430 : i32
    %dma_wait3A_432 = arith.constant 1 : i32
    %dma_wait3A_433 = arith.constant 1 : i32
    %dma_wait3A_434 = arith.constant 0 : i32
    %dma_wait3A_435 = tpu.memref_slice %arg15[%dma_wait3A_432, %dma_wait3A_434] : memref<2x1024xi32, #tpu.memory_space<vmem>> -> memref<1x1024xi32, #tpu.memory_space<vmem>>
    %dma_wait3A_436 = tpu.memref_squeeze %dma_wait3A_435 : memref<1x1024xi32, #tpu.memory_space<vmem>> -> memref<1024xi32, #tpu.memory_space<vmem>>
    %dma_wait3A_437 = tpu.memref_slice %arg6[%add3A_431] : memref<1640448xi32, #tpu.memory_space<hbm>> -> memref<1024xi32, #tpu.memory_space<hbm>>
    %dma_wait3A_438 = tpu.memref_slice %arg23[%dma_wait3A_433] : memref<2x!tpu.dma_semaphore, #tpu.memory_space<semaphore_mem>> -> memref<1x!tpu.dma_semaphore, #tpu.memory_space<semaphore_mem>>
    %dma_wait3A_439 = tpu.memref_squeeze %dma_wait3A_438 : memref<1x!tpu.dma_semaphore, #tpu.memory_space<semaphore_mem>> -> memref<!tpu.dma_semaphore, #tpu.memory_space<semaphore_mem>>
    %dma_wait3A_440 = arith.constant 0 : i32
    %dma_wait3A_441 = tpu.memref_slice %arg15[%dma_wait3A_432, %dma_wait3A_440] : memref<2x1024xi32, #tpu.memory_space<vmem>> -> memref<1x1024xi32, #tpu.memory_space<vmem>>
    %dma_wait3A_442 = tpu.memref_squeeze %dma_wait3A_441 : memref<1x1024xi32, #tpu.memory_space<vmem>> -> memref<1024xi32, #tpu.memory_space<vmem>>
    %dma_wait3A_443 = tpu.memref_slice %arg6[%add3A_431] : memref<1640448xi32, #tpu.memory_space<hbm>> -> memref<1024xi32, #tpu.memory_space<hbm>>
    tpu.wait_dma2 semaphore(%dma_wait3A_439 : memref<!tpu.dma_semaphore, #tpu.memory_space<semaphore_mem>>) src(%dma_wait3A_443 : memref<1024xi32, #tpu.memory_space<hbm>>) dst(%dma_wait3A_442 : memref<1024xi32, #tpu.memory_space<vmem>>)
    %dma_wait3A_444 = arith.constant 1 : i32
    %dma_wait3A_445 = arith.constant 1 : i32
    %dma_wait3A_446 = arith.constant 0 : i32
    %dma_wait3A_447 = tpu.memref_slice %arg16[%dma_wait3A_444, %dma_wait3A_446] : memref<2x1024xi32, #tpu.memory_space<vmem>> -> memref<1x1024xi32, #tpu.memory_space<vmem>>
    %dma_wait3A_448 = tpu.memref_squeeze %dma_wait3A_447 : memref<1x1024xi32, #tpu.memory_space<vmem>> -> memref<1024xi32, #tpu.memory_space<vmem>>
    %dma_wait3A_449 = tpu.memref_slice %arg7[%add3A_431] : memref<1640448xi32, #tpu.memory_space<hbm>> -> memref<1024xi32, #tpu.memory_space<hbm>>
    %dma_wait3A_450 = tpu.memref_slice %arg23[%dma_wait3A_445] : memref<2x!tpu.dma_semaphore, #tpu.memory_space<semaphore_mem>> -> memref<1x!tpu.dma_semaphore, #tpu.memory_space<semaphore_mem>>
    %dma_wait3A_451 = tpu.memref_squeeze %dma_wait3A_450 : memref<1x!tpu.dma_semaphore, #tpu.memory_space<semaphore_mem>> -> memref<!tpu.dma_semaphore, #tpu.memory_space<semaphore_mem>>
    %dma_wait3A_452 = arith.constant 0 : i32
    %dma_wait3A_453 = tpu.memref_slice %arg16[%dma_wait3A_444, %dma_wait3A_452] : memref<2x1024xi32, #tpu.memory_space<vmem>> -> memref<1x1024xi32, #tpu.memory_space<vmem>>
    %dma_wait3A_454 = tpu.memref_squeeze %dma_wait3A_453 : memref<1x1024xi32, #tpu.memory_space<vmem>> -> memref<1024xi32, #tpu.memory_space<vmem>>
    %dma_wait3A_455 = tpu.memref_slice %arg7[%add3A_431] : memref<1640448xi32, #tpu.memory_space<hbm>> -> memref<1024xi32, #tpu.memory_space<hbm>>
    tpu.wait_dma2 semaphore(%dma_wait3A_451 : memref<!tpu.dma_semaphore, #tpu.memory_space<semaphore_mem>>) src(%dma_wait3A_455 : memref<1024xi32, #tpu.memory_space<hbm>>) dst(%dma_wait3A_454 : memref<1024xi32, #tpu.memory_space<vmem>>)
    %dma_wait3A_456 = arith.constant 1 : i32
    %dma_wait3A_457 = arith.constant 1 : i32
    %dma_wait3A_458 = arith.constant 0 : i32
    %dma_wait3A_459 = tpu.memref_slice %arg17[%dma_wait3A_456, %dma_wait3A_458] : memref<2x1024xf32, #tpu.memory_space<vmem>> -> memref<1x1024xf32, #tpu.memory_space<vmem>>
    %dma_wait3A_460 = tpu.memref_squeeze %dma_wait3A_459 : memref<1x1024xf32, #tpu.memory_space<vmem>> -> memref<1024xf32, #tpu.memory_space<vmem>>
    %dma_wait3A_461 = tpu.memref_slice %arg8[%add3A_431] : memref<1640448xf32, #tpu.memory_space<hbm>> -> memref<1024xf32, #tpu.memory_space<hbm>>
    %dma_wait3A_462 = tpu.memref_slice %arg23[%dma_wait3A_457] : memref<2x!tpu.dma_semaphore, #tpu.memory_space<semaphore_mem>> -> memref<1x!tpu.dma_semaphore, #tpu.memory_space<semaphore_mem>>
    %dma_wait3A_463 = tpu.memref_squeeze %dma_wait3A_462 : memref<1x!tpu.dma_semaphore, #tpu.memory_space<semaphore_mem>> -> memref<!tpu.dma_semaphore, #tpu.memory_space<semaphore_mem>>
    %dma_wait3A_464 = arith.constant 0 : i32
    %dma_wait3A_465 = tpu.memref_slice %arg17[%dma_wait3A_456, %dma_wait3A_464] : memref<2x1024xf32, #tpu.memory_space<vmem>> -> memref<1x1024xf32, #tpu.memory_space<vmem>>
    %dma_wait3A_466 = tpu.memref_squeeze %dma_wait3A_465 : memref<1x1024xf32, #tpu.memory_space<vmem>> -> memref<1024xf32, #tpu.memory_space<vmem>>
    %dma_wait3A_467 = tpu.memref_slice %arg8[%add3A_431] : memref<1640448xf32, #tpu.memory_space<hbm>> -> memref<1024xf32, #tpu.memory_space<hbm>>
    tpu.wait_dma2 semaphore(%dma_wait3A_463 : memref<!tpu.dma_semaphore, #tpu.memory_space<semaphore_mem>>) src(%dma_wait3A_467 : memref<1024xf32, #tpu.memory_space<hbm>>) dst(%dma_wait3A_466 : memref<1024xf32, #tpu.memory_space<vmem>>)
    %dma_wait3A_468 = arith.constant 1 : i32
    %dma_wait3A_469 = arith.constant 1 : i32
    %dma_wait3A_470 = arith.constant 0 : i32
    %dma_wait3A_471 = tpu.memref_slice %arg18[%dma_wait3A_468, %dma_wait3A_470] : memref<2x1024xf32, #tpu.memory_space<vmem>> -> memref<1x1024xf32, #tpu.memory_space<vmem>>
    %dma_wait3A_472 = tpu.memref_squeeze %dma_wait3A_471 : memref<1x1024xf32, #tpu.memory_space<vmem>> -> memref<1024xf32, #tpu.memory_space<vmem>>
    %dma_wait3A_473 = tpu.memref_slice %arg9[%add3A_431] : memref<1640448xf32, #tpu.memory_space<hbm>> -> memref<1024xf32, #tpu.memory_space<hbm>>
    %dma_wait3A_474 = tpu.memref_slice %arg23[%dma_wait3A_469] : memref<2x!tpu.dma_semaphore, #tpu.memory_space<semaphore_mem>> -> memref<1x!tpu.dma_semaphore, #tpu.memory_space<semaphore_mem>>
    %dma_wait3A_475 = tpu.memref_squeeze %dma_wait3A_474 : memref<1x!tpu.dma_semaphore, #tpu.memory_space<semaphore_mem>> -> memref<!tpu.dma_semaphore, #tpu.memory_space<semaphore_mem>>
    %dma_wait3A_476 = arith.constant 0 : i32
    %dma_wait3A_477 = tpu.memref_slice %arg18[%dma_wait3A_468, %dma_wait3A_476] : memref<2x1024xf32, #tpu.memory_space<vmem>> -> memref<1x1024xf32, #tpu.memory_space<vmem>>
    %dma_wait3A_478 = tpu.memref_squeeze %dma_wait3A_477 : memref<1x1024xf32, #tpu.memory_space<vmem>> -> memref<1024xf32, #tpu.memory_space<vmem>>
    %dma_wait3A_479 = tpu.memref_slice %arg9[%add3A_431] : memref<1640448xf32, #tpu.memory_space<hbm>> -> memref<1024xf32, #tpu.memory_space<hbm>>
    tpu.wait_dma2 semaphore(%dma_wait3A_475 : memref<!tpu.dma_semaphore, #tpu.memory_space<semaphore_mem>>) src(%dma_wait3A_479 : memref<1024xf32, #tpu.memory_space<hbm>>) dst(%dma_wait3A_478 : memref<1024xf32, #tpu.memory_space<vmem>>)
    %barrier3A_480 = arith.constant 0 : index
    tpu.barrier barrier_id(%barrier3A_480)
    %mul3A_481 = arith.constant 3136 : i32
    %mul3A_482 = arith.muli %arg1, %mul3A_481 : i32
    "tpu.region"() ({
      %run_scoped3A = tpu.sem_alloc : memref<!tpu.dma_semaphore, #tpu.memory_space<semaphore_mem>>
      %dma_start3A_488 = tpu.memref_slice %arg22[%mul3A_482] : memref<50176xf32, #tpu.memory_space<vmem_shared>> -> memref<3136xf32, #tpu.memory_space<vmem_shared>>
      %dma_start3A_489 = tpu.memref_slice %arg22[%mul3A_482] : memref<50176xf32, #tpu.memory_space<vmem_shared>> -> memref<3136xf32, #tpu.memory_space<vmem_shared>>
      tpu.enqueue_dma source(%dma_start3A_489 : memref<3136xf32, #tpu.memory_space<vmem_shared>>) target(%arg21 : memref<3136xf32, #tpu.memory_space<vmem>>) target_semaphore(%run_scoped3A : memref<!tpu.dma_semaphore, #tpu.memory_space<semaphore_mem>>)
      %dma_wait3A_490 = tpu.memref_slice %arg22[%mul3A_482] : memref<50176xf32, #tpu.memory_space<vmem_shared>> -> memref<3136xf32, #tpu.memory_space<vmem_shared>>
      %dma_wait3A_491 = tpu.memref_slice %arg22[%mul3A_482] : memref<50176xf32, #tpu.memory_space<vmem_shared>> -> memref<3136xf32, #tpu.memory_space<vmem_shared>>
      tpu.wait_dma2 semaphore(%run_scoped3A : memref<!tpu.dma_semaphore, #tpu.memory_space<semaphore_mem>>) src(%dma_wait3A_491 : memref<3136xf32, #tpu.memory_space<vmem_shared>>) dst(%arg21 : memref<3136xf32, #tpu.memory_space<vmem>>)
      tpu.yield
    }) : () -> ()
    %mul3A_483 = arith.constant 50176 : i32
    %mul3A_484 = arith.muli %arg0, %mul3A_483 : i32
    %mul3A_485 = arith.constant 3136 : i32
    %mul3A_486 = arith.muli %arg1, %mul3A_485 : i32
    %add3A_487 = arith.addi %mul3A_484, %mul3A_486 : i32
    "tpu.region"() ({
      %run_scoped3A = tpu.sem_alloc : memref<!tpu.dma_semaphore, #tpu.memory_space<semaphore_mem>>
      %dma_start3A_488 = tpu.memref_slice %arg11[%add3A_487] : memref<100352xf32, #tpu.memory_space<hbm>> -> memref<3136xf32, #tpu.memory_space<hbm>>
      %dma_start3A_489 = tpu.memref_slice %arg11[%add3A_487] : memref<100352xf32, #tpu.memory_space<hbm>> -> memref<3136xf32, #tpu.memory_space<hbm>>
      tpu.enqueue_dma source(%arg21 : memref<3136xf32, #tpu.memory_space<vmem>>) target(%dma_start3A_489 : memref<3136xf32, #tpu.memory_space<hbm>>) target_semaphore(%run_scoped3A : memref<!tpu.dma_semaphore, #tpu.memory_space<semaphore_mem>>)
      %dma_wait3A_490 = tpu.memref_slice %arg11[%add3A_487] : memref<100352xf32, #tpu.memory_space<hbm>> -> memref<3136xf32, #tpu.memory_space<hbm>>
      %dma_wait3A_491 = tpu.memref_slice %arg11[%add3A_487] : memref<100352xf32, #tpu.memory_space<hbm>> -> memref<3136xf32, #tpu.memory_space<hbm>>
      tpu.wait_dma2 semaphore(%run_scoped3A : memref<!tpu.dma_semaphore, #tpu.memory_space<semaphore_mem>>) src(%arg21 : memref<3136xf32, #tpu.memory_space<vmem>>) dst(%dma_wait3A_491 : memref<3136xf32, #tpu.memory_space<hbm>>)
      tpu.yield
    }) : () -> ()
    return
  }
}

module attributes {stable_mosaic.version = 14 : i64} {
  func.func @_combine_body(%arg0: memref<2x392x128xf32, #tpu.memory_space<vmem>>, %arg1: memref<392x128xf32, #tpu.memory_space<vmem>>) attributes {dimension_semantics = [], scalar_prefetch = 0 : i64, scratch_operands = 0 : i64, tpu.core_type = #tpu.core_type<tc>} {
    %get3A = arith.constant 0 : index
    %get3A_0 = arith.constant 0 : index
    %get3A_1 = arith.constant 0 : index
    %get3A_2 = vector.load %arg0[%get3A, %get3A_0, %get3A_1] : memref<2x392x128xf32, #tpu.memory_space<vmem>>, vector<1x392x128xf32>
    %get3A_3 = vector.shape_cast %get3A_2 : vector<1x392x128xf32> to vector<392x128xf32>
    %get3A_4 = arith.constant 1 : index
    %get3A_5 = arith.constant 0 : index
    %get3A_6 = arith.constant 0 : index
    %get3A_7 = vector.load %arg0[%get3A_4, %get3A_5, %get3A_6] : memref<2x392x128xf32, #tpu.memory_space<vmem>>, vector<1x392x128xf32>
    %get3A_8 = vector.shape_cast %get3A_7 : vector<1x392x128xf32> to vector<392x128xf32>
    %add3A = arith.addf %get3A_3, %get3A_8 : vector<392x128xf32>
    %swap3A = arith.constant 0 : index
    %swap3A_9 = arith.constant 0 : index
    %swap3A_10 = vector.load %arg1[%swap3A, %swap3A_9] : memref<392x128xf32, #tpu.memory_space<vmem>>, vector<392x128xf32>
    tpu.vector_store %arg1[%swap3A, %swap3A_9], %add3A {strides = array<i32>} : memref<392x128xf32, #tpu.memory_space<vmem>>, vector<392x128xf32>,
    return
  }
}

</mosaic_0001>

<sc_bundles>
// kernel: kernel.4.cloned.1.call-start
scs
__scs_entry_jumppad:
0x0: {  	(pc) =	sbr.rel $0x88, $3  }
0x1: {  	(tag) =	ssettag $0x0;
	lr =	simm.s32 $0x1  }
0x2: {  	[smem:$0x3F98] =	sst lr;
	_ =	strace $0xD0000000  }
0x3: {  	_ = 	snop  }
0x4: {  	_ = 	snop  }
0x5: {  	_ = 	snop  }
0x6: {  	_ = 	snop  }
0x7: {  	_ = 	snop  }
__scs_overlays_trampoline_lowered:
0x8: {  	[smem:$0x3FA7] =	sst s0  }
0x9: {  	[smem:$0x3FA8] =	sst s1  }
0xa: {  	[smem:$0x3FA9] =	sst s2  }
0xb: {  	[smem:$0x3FAA] =	sst s3  }
0xc: {  	[smem:$0x3FAB] =	sst s4  }
0xd: {  	[smem:$0x3FAC] =	sst s5  }
0xe: {  	[smem:$0x3FAD] =	sst s6  }
0xf: {  	[smem:$0x3FAE] =	sst s7  }
0x10: {  	[smem:$0x3FAF] =	sst s8  }
0x11: {  	[smem:$0x3FB0] =	sst s9;
	s0 =	simm.s32 @!p0 $0x0  }
0x12: {  	s1 =	sld [smem:$0x3F96];
	s0 =	simm.s32 @p0 $0x1  }
0x13: {  	[smem:$0x3FB1] =	sst s0;
	s0 =	simm.s32 @!p1 $0x0  }
0x14: {  	s2 =	sld [smem:$0x3F95];
	s0 =	simm.s32 @p1 $0x1  }
0x15: {  	[smem:$0x3FB2] =	sst s0;
	s0 =	simm.s32 @!p2 $0x0  }
0x16: {  	s3 =	sld [smem:$0x3FDB];
	s0 =	simm.s32 @p2 $0x1  }
0x17: {  	s4 =	simm.s32 $0x1BF5;
	[smem:$0x3FB4] =	sst s0  }
0x18: {  	s0 =	sld [smem:$0x3F97];
	_ =	swait.ge [sflag:s4], $0x0  }
0x19: {  	s7 =	sld [smem:$0x3F98]  }
0x1a: {  	s8 =	sadd.s32 $0xFFFFE003, lr  }
0x1b: {  	s9 =	sadd.s32 $0xFFFFFEF7, lr;
	s5 =	simm.s32 $0xFFFFFFFF;
	p2 =	slt.u32 s8, $0xFFFFF086  }
0x1c: {  	p1 =	slt.u32 s9, $0xF7A;
	s5 =	simm.s32 @!p2 $0x0  }
0x1d: {  	s5 =	simm.s32 @p1 $0x1;
	p0 =	seq.s32 s7, s2  }
0x1e: {  	s7 =	smul.u32 @!p0 $0xF7A, s2;
	p2 =	seq.s32 @!p0 s5, $0x0  }
0x1f: {  	s9 =	smul.u32 $0xF7A, s1;
	s8 =	simm.s32 @!p0 $0x1BF5;
	p2 =	por !p2, p0  }
0x20: {  	[sflag:s8] =	ssyncset.s32 @!p0 $0xFFFFF086;
	s6 =	sadd.s32 @!p0 s3, s7;
	s7 =	simm.s32 @!p0 $0x108  }
0x21: {  	s3 =	sadd.s32 s3, s9;
	s6 =	sadd.s32 @!p0 $0x88, s6;
	s7 =	simm.s32 @p2 $0x1082  }
0x22: {  	[simem:s7], [sflag:s8] =	dma.local @!p0 [hbm:s6], $0xF7A  }
0x23: {  	s9 =	sor.u32 $0xD0000000, s2;
	s6 =	simm.s32 $0x108;
	_ =	swait.ge @!p0 [sflag:s8], $0x0  }
0x24: {  	s3 =	sadd.s32 $0x88, s3;
	s6 =	simm.s32 @!p1 $0x1082;
	[sflag:s4] =	ssyncset.s32 $0xFFFFF086  }
0x25: {  	[simem:s6], [sflag:s4] =	dma.local [hbm:s3], $0xF7A  }
0x26: {  	[smem:$0x3F98] =	sst s1;
	(tag) =	ssettag s2;
	_ =	strace s9  }
0x27: {  	s1 =	sld [smem:$0x3FA8]  }
0x28: {  	s2 =	sld [smem:$0x3FA9]  }
0x29: {  	s4 =	sld [smem:$0x3FAB]  }
0x2a: {  	p0 =	seq.s32 s5, $0x0;
	s5 =	sld [smem:$0x3FAC]  }
0x2b: {  	s6 =	sld [smem:$0x3FAD]  }
0x2c: {  	s7 =	sld [smem:$0x3FAE]  }
0x2d: {  	s3 =	simm.s32 $0x108;
	s8 =	sld [smem:$0x3FAF]  }
0x2e: {  	s3 =	simm.s32 @!p0 $0x1082;
	s9 =	sld [smem:$0x3FB0]  }
0x2f: {  	lr =	sadd.s32 s0, s3;
	s0 =	sld [smem:$0x3FA7]  }
0x30: {  	s3 =	sld [smem:$0x3FAA]  }
0x31: {  	[smem:$0x3FB3] =	sst s10  }
0x32: {  	s10 =	sld [smem:$0x3FB1];
	_ =	sdelay $0x3  }
0x33: {  	p0 =	seq.s32 s10, $0x1;
	s10 =	sld [smem:$0x3FB3];
	_ =	sdelay $0x3  }
0x34: {  	[smem:$0x3FB3] =	sst s10  }
0x35: {  	s10 =	sld [smem:$0x3FB2];
	_ =	sdelay $0x3  }
0x36: {  	p1 =	seq.s32 s10, $0x1;
	s10 =	sld [smem:$0x3FB3];
	_ =	sdelay $0x3  }
0x37: {  	[smem:$0x3FB3] =	sst s10  }
0x38: {  	s10 =	sld [smem:$0x3FB4]  }
0x39: {  	_ = 	snop;
	(pc) =	sbr.ind lr, $3  }
0x3a: {  	_ = 	snop  }
0x3b: {  	_ = 	snop  }
0x3c: {  	p2 =	seq.s32 s10, $0x1;
	s10 =	sld [smem:$0x3FB3]  }
0x3d: {  	_ =	shalt  }
0x3e: {  	_ =	shalt  }
0x3f: {  	_ =	shalt  }
0x40: {  	_ =	shalt  }
0x41: {  	_ =	shalt  }
0x42: {  	_ =	shalt  }
0x43: {  	_ =	shalt  }
0x44: {  	_ =	shalt  }
0x45: {  	_ =	shalt  }
0x46: {  	_ =	shalt  }
0x47: {  	_ =	shalt  }
0x48: {  	_ =	shalt  }
0x49: {  	_ =	shalt  }
0x4a: {  	_ =	shalt  }
0x4b: {  	_ =	shalt  }
0x4c: {  	_ =	shalt  }
0x4d: {  	_ =	shalt  }
0x4e: {  	_ =	shalt  }
0x4f: {  	_ =	shalt  }
0x50: {  	_ =	shalt  }
0x51: {  	_ =	shalt  }
0x52: {  	_ =	shalt  }
0x53: {  	_ =	shalt  }
0x54: {  	_ =	shalt  }
0x55: {  	_ =	shalt  }
0x56: {  	_ =	shalt  }
0x57: {  	_ =	shalt  }
0x58: {  	_ =	shalt  }
0x59: {  	_ =	shalt  }
0x5a: {  	_ =	shalt  }
0x5b: {  	_ =	shalt  }
0x5c: {  	_ =	shalt  }
0x5d: {  	_ =	shalt  }
0x5e: {  	_ =	shalt  }
0x5f: {  	_ =	shalt  }
0x60: {  	_ =	shalt  }
0x61: {  	_ =	shalt  }
0x62: {  	_ =	shalt  }
0x63: {  	_ =	shalt  }
0x64: {  	_ =	shalt  }
0x65: {  	_ =	shalt  }
0x66: {  	_ =	shalt  }
0x67: {  	_ =	shalt  }
0x68: {  	_ =	shalt  }
0x69: {  	_ =	shalt  }
0x6a: {  	_ =	shalt  }
0x6b: {  	_ =	shalt  }
0x6c: {  	_ =	shalt  }
0x6d: {  	_ =	shalt  }
0x6e: {  	_ =	shalt  }
0x6f: {  	_ =	shalt  }
0x70: {  	_ =	shalt  }
0x71: {  	_ =	shalt  }
0x72: {  	_ =	shalt  }
0x73: {  	_ =	shalt  }
0x74: {  	_ =	shalt  }
0x75: {  	_ =	shalt  }
0x76: {  	_ =	shalt  }
0x77: {  	_ =	shalt  }
0x78: {  	_ =	shalt  }
0x79: {  	_ =	shalt  }
0x7a: {  	_ =	shalt  }
0x7b: {  	_ =	shalt  }
0x7c: {  	_ =	shalt  }
0x7d: {  	_ =	shalt  }
0x7e: {  	_ =	shalt  }
0x7f: {  	_ =	shalt  }
0x80: {  	_ =	shalt  }
0x81: {  	_ =	shalt  }
0x82: {  	_ =	shalt  }
0x83: {  	_ =	shalt  }
0x84: {  	_ =	shalt  }
0x85: {  	_ =	shalt  }
0x86: {  	_ =	shalt  }
0x87: {  	_ =	shalt  }
.Lfunc_end0:
.L_simem_size_0:
called_computation_lowered:
.L_overlay_start_0:
0x88: {  	s2 =	sld [smem:$0x3FD9]  }
0x89: {  	s3 =	sld [smem:$0x3FFE];
	_ =	sdelay $0x1  }
0x8a: {  	s1 =	srdreg.scid  }
0x8b: {  	s0 =	sand.u32 $0x1, s1  }
0x8c: {  	s17 =	sshll.u32 s0, $0xA;
	s2 =	sadd.s32 s3, s2  }
0x8d: {  	s2 =	sadd.s32 s2, s17  }
0x8e: {  	[smem:$0x3FBF] =	sst s2  }
0x8f: {  	_ = 	snop  }
0x90: {  	s2 =	sld [smem:$0x3FD0];
	(tm) =	ssettm $0x1  }
0x91: {  	s18 =	sld [smem:$0x3FFB];
	_ =	sdelay $0x3  }
0x92: {  	_ =	strace s18  }
0x93: {  	s3 =	sld [smem:$0x3FFC];
	_ =	sdelay $0x3  }
0x94: {  	_ =	strace s3  }
0x95: {  	s3 =	sld [smem:$0x3FFD];
	_ =	sdelay $0x3  }
0x96: {  	_ =	strace s3  }
0x97: {  	_ =	strace $0x8FFFFFFF  }
0x98: {  	s19 =	sld [smem:$0x3FDB];
	_ =	sdelay $0x1  }
0x99: {  	s4 =	simm.s32 $_scs_section_size  }
0x9a: {  	s5 =	simm.s32 $_size__tile_overlayer_lowered;
	s6 =	simm.s32 $_tile_overlayer_lowered  }
0x9b: {  	s22 =	simm.s32 $0x1BFF;
	s21 =	sshll.u32 s6, $0x1;
	s3 =	sadd.s32 s4, s19  }
0x9c: {  	s7 =	simm.s32 $0x0;
	s20 =	sshll.u32 s5, $0x1;
	s5 =	sadd.s32 s21, s3  }
0x9d: {  	[timem:s7], [sflag:s22] =	dma.local [hbm:s5], s20  }
0x9e: {  	_ =	swait.ge [sflag:s22], s20  }
0x9f: {  	s4 =	ssub.s32 $0x0, s20;
	[sflag:s22] =	ssyncset.done $0x0  }
0xa0: {  	[sflag:s22] =	ssyncadd.s32 s4;
	_ =	sdelay $0x1  }
0xa1: {  	s23 =	simm.s32 $0x1B8B  }
0xa2: {  	_ =	swait.ge [sflag:s23], $0x1  }
0xa3: {  	[sflag:s23] =	ssyncset.done $0x0  }
0xa4: {  	s25 =	simm.s32 $0x1B8E;
	s24 =	sld [smem:$0x3FFE];
	[sflag:s23] =	ssyncadd.s32 $0xFFFFFFFF  }
0xa5: {  	s26 =	simm.s32 $execute0_lowered;
	[smem:$0x3FD2] =	sst s25  }
0xa6: {  	s5 =	sshll.u32 s26, $0x1;
	_ =	strace $0x80000046;
	[dreg:$0x1] =	wrdreg $0xFFFFFFFF  }
0xa7: {  	s28 =	simm.s32 $_size_execute0_lowered;
	s3 =	sadd.s32 s3, s5;
	[dreg:$0x0] =	wrdreg $0x0  }
0xa8: {  	s5 =	sshll.u32 s28, $0x1;
	[dreg:$0x2] =	wrdreg s3  }
0xa9: {  	[dreg:$0x3] =	wrdreg s5  }
0xaa: {  	[dreg:$0x4] =	wrdreg $0xC0  }
0xab: {  	_ =	task [dreg:s7], $0x5FFFF  }
0xac: {  	[dreg:$0x1] =	wrdreg $0xFFFFFFFF  }
0xad: {  	[dreg:$0x0] =	wrdreg $0x60  }
0xae: {  	[dreg:$0x2] =	wrdreg s24  }
0xaf: {  	[dreg:$0x3] =	wrdreg s2  }
0xb0: {  	[dreg:$0x4] =	wrdreg $0x1C7800  }
0xb1: {  	[dreg:$0x5] =	wrdreg $0x9  }
0xb2: {  	_ =	task.clear_ibuf [dreg:s7], $0x6FFFF;
	_ =	strace $0x90000046  }
0xb3: {  	s29 =	simm.s32 $0x9;
	_ =	strace $0x80000048  }
0xb4: {  	_ =	swait.ge [sflag:s29], $0x1  }
0xb5: {  	[sflag:s29] =	ssyncadd.s32 $0xFFFFFFFF  }
0xb6: {  	_ =	strace $0x90000048  }
0xb7: {  	_ =	sfence  }
0xb8: {  	s30 =	sld [smem:$0x0];
	_ =	sdelay $0x2  }
0xb9: {  	s31 =	sshll.u32 s1, $0xD;
	s1 =	sshrl.u32 s1, $0x2  }
0xba: {  	s3 =	sand.u32 $0x4000, s31;
	s1 =	sadd.s32 s1, s30  }
0xbb: {  	s0 =	sor.u32 s3, s0;
	s1 =	sshll.u32 s1, $0x11  }
0xbc: {  	s0 =	sor.u32 s1, s0  }
0xbd: {  	s0 =	sadd.s32 $0x8F2B, s0  }
0xbe: {  	[sflag:s0] =	ssyncadd.remote.s32 $0x1  }
0xbf: {  	_ =	sfence.sel $0xFFFF  }
0xc0: {  	[dreg:$0x0] =	wrdreg $0xFFFFFFFF;
	(pc) =	sbr.abs _section_cstart, $3  }
0xc1: {  	[dreg:$0x1] =	wrdreg $0xFFFFFFFF  }
0xc2: {  	_ =	task.clear_ibuf [dreg:s7], $0x2FFFF;
	_ =	strace $0x9FFFFFFF  }
0xc3: {  	(tm) =	ssettm $0x7FFFFFFF  }
tec
execute0_lowered:
.L_overlay_start_1:
0x0: {  	(tag) =	ssettag $0x1  }
0x1: {  	s0 =	rddreg [dreg:$0x0]  }
0x2: {  	s2 =	rddreg [dreg:$0x2];
	s3 =	simm.s32 $0x0  }
0x3: {  	s13 =	srdreg.scid;
	s6 =	stileid.u32;
	s30 =	simm.s32 $0xC380  }
0x4: {  	[smem:$0x7FF] =	sst s3;
	s1 =	sadd.s32 $0xFC600, s0;
	s4 =	sadd.s32 $0xFE000, s0  }
0x5: {  	s14 =	smul.u32 $0xC40, s6;
	s5 =	sadd.s32 $0xFE200, s0;
	s8 =	sadd.s32 $0x33E00, s0  }
0x6: {  	s9 =	sadd.s32 $0x66000, s0;
	s10 =	sadd.s32 $0x98200, s0;
	s6 =	sshll.u32 s6, $0x1  }
0x7: {  	s11 =	sadd.s32 $0xCA400, s0;
	_ =	strace $0x80000047;
	[dreg:$0x4] =	wrdreg s1  }
0x8: {  	s12 =	sadd.s32 $0x1C00, s0;
	[dreg:$0x5] =	wrdreg s4;
	s1 =	sand.u32 $0x1, s13  }
0x9: {  	s15 =	smul.u32 $0xC400, s1;
	s6 =	sor.u32 s1, s6;
	s1 =	ssub.s32 $0x2, s1  }
0xa: {  	[dreg:$0x6] =	wrdreg s5;
	s28 =	smov.u32 s12;
	s16 =	sshrl.u32 s1, $0x1  }
0xb: {  	s13 =	sadd.s32 s14, s2;
	s7 =	smul.u32 $0xC800, s6;
	s1 =	ssub.s32 s1, s16  }
0xc: {  	s22 =	smul.u32 $0x1900, s6;
	[dreg:$0x7] =	wrdreg s13;
	s1 =	smax.u32 s1, $0x1  }
0xd: {  	s6 =	simm.s32 $0x1BB00;
	s29 =	sadd.s32 $0x800, s7;
	[dreg:$0x11] =	wrdreg s1  }
0xe: {  	s17 =	sshrl.u32 s7, $0x3;
	s31 =	sadd.s32 $0xC00, s7;
	[dreg:$0x13] =	wrdreg s29  }
0xf: {  	s5 =	sadd.s32 s14, s15;
	s18 =	sadd.s32 s8, s17;
	[dreg:$0x14] =	wrdreg s31  }
0x10: {  	s14 =	simm.s32 $0x1B300;
	s19 =	sadd.s32 s9, s17;
	[dreg:$0x8] =	wrdreg s18  }
0x11: {  	s15 =	simm.s32 $0x80;
	s20 =	sadd.s32 s10, s17;
	[dreg:$0x9] =	wrdreg s19  }
0x12: {  	s21 =	sadd.s32 s11, s17;
	s4 =	sor.u32 $0x80, s17;
	[dreg:$0xa] =	wrdreg s20  }
0x13: {  	s16 =	simm.s32 $0x2;
	[dreg:$0xb] =	wrdreg s21;
	s23 =	sadd.s32 s8, s4  }
0x14: {  	s5 =	sshrl.u32 s5, $0x3;
	s24 =	sadd.s32 s9, s4;
	[dreg:$0xc] =	wrdreg s23  }
0x15: {  	s26 =	sadd.s32 s22, s12;
	s25 =	sadd.s32 s10, s4;
	[dreg:$0xd] =	wrdreg s24  }
0x16: {  	s0 =	sadd.s32 s5, s0;
	s4 =	sadd.s32 s11, s4;
	[dreg:$0xe] =	wrdreg s25  }
0x17: {  	s17 =	simm.s32 $0x1B700;
	s0 =	sadd.s32 $0xFE400, s0;
	[dreg:$0xf] =	wrdreg s4  }
0x18: {  	s5 =	simm.s32 $0x0;
	s18 =	simm.s32 $0x4;
	[dreg:$0x10] =	wrdreg s0  }
0x19: {  	s0 =	sadd.s32 $0x80, s26;
	s26 =	smov.u32 s7;
	s4 =	simm.s32 $0x15  }
0x1a: {  	s24 =	simm.s32 $0x1;
	[dreg:$0x12] =	wrdreg s0;
	s0 =	simm.s32 $0x3  }
.LBB2_1:
0x1b: {  	[dreg:$0x15] =	wrdreg s5  }
0x1c: {  	s1 =	rddreg [dreg:$0x4]  }
0x1d: {  	[tilespmem:s3], [sflag:$0x15] =	stream.linear.gather [hbm4b:s1+s3], $0xC380, $0x38;
	[tilespmem:$0x1D3C0] =	vst v63  }
0x1e: {  	_ =	swait.ge [sflag:s4], $0xC380  }
0x1f: {  	[sflag:s4] =	ssyncset.done $0x0  }
0x20: {  	[sflag:s4] =	ssyncadd.s32 $0xFFFF3C80  }
0x21: {  	s12 =	rddreg [dreg:$0x1]  }
0x22: {  	[tilespmem:s30], [sflag:$0x15] =	stream.linear.gather [hbm4b:s12+s3], $0xC380, $0x38;
	[tilespmem:$0x1D3C0] =	vst v63  }
0x23: {  	_ =	swait.ge [sflag:s4], $0xC380  }
0x24: {  	[sflag:s4] =	ssyncset.done $0x0  }
0x25: {  	s20 =	simm.s32 $0x18700;
	s19 =	rddreg [dreg:$0x5];
	[sflag:s4] =	ssyncadd.s32 $0xFFFF3C80  }
0x26: {  	[tilespmem:s20], [sflag:$0x15] =	stream.linear.gather [hbm4b:s19+s3], $0x400, $0x38;
	[tilespmem:$0x1D3C0] =	vst v63  }
0x27: {  	_ =	swait.ge [sflag:s4], $0x400  }
0x28: {  	[sflag:s4] =	ssyncset.done $0x0  }
0x29: {  	s21 =	rddreg [dreg:$0x6];
	[sflag:s4] =	ssyncadd.s32 $0xFFFFFC00  }
0x2a: {  	[tilespmem:s6], [sflag:$0x15] =	stream.linear.gather [hbm4b:s21+s3], $0xC80, $0x38;
	[tilespmem:$0x1D3C0] =	vst v63  }
0x2b: {  	_ =	swait.ge [sflag:s4], $0xC80  }
0x2c: {  	[sflag:s4] =	ssyncset.done $0x0  }
0x2d: {  	[sflag:s4] =	ssyncadd.s32 $0xFFFFF380  }
0x2e: {  	[spmem:s13] =	stream.linear.scatter [tilespmem:s6], [sflag:$0x15], $0xC40, $0x38;
	[tilespmem:$0x1D3C0] =	vst v63  }
0x2f: {  	_ =	swait.ge [sflag:s4], $0xC40  }
0x30: {  	[sflag:s4] =	ssyncset.done $0x0  }
0x31: {  	[sflag:s4] =	ssyncadd.s32 $0xFFFFF3C0  }
0x32: {  	[bflag:$0x0] =	sbarrier.arrive $0xFFFF  }
0x33: {  	v0 =	vld [tilespmem:$0x18700]  }
0x34: {  	v1 =	vld [tilespmem:$0x18780]  }
0x35: {  	v2 =	vld [tilespmem:$0x18800]  }
0x36: {  	v3 =	vld [tilespmem:$0x18880]  }
0x37: {  	v4 =	vld [tilespmem:$0x18900]  }
0x38: {  	v5 =	vld [tilespmem:$0x18980]  }
0x39: {  	s22 =	simm.s32 $0x18B00;
	v6 =	vld [tilespmem:$0x18A00];
	s4 =	rddreg [dreg:$0x8]  }
0x3a: {  	v7 =	vld [tilespmem:$0x18A80];
	[tilespmem:s22], [sflag:$0x1] =	stream.linear.gather [hbm4b:s4+s3], $0x80, $0x38  }
0x3b: {  	s25 =	simm.s32 $0x18C00;
	s23 =	sadd.s32 $0x10, s4  }
0x3c: {  	[tilespmem:s25], [sflag:$0x1] =	stream.linear.gather [hbm4b:s23+s3], $0x80, $0x38;
	[tilespmem:$0x1D3C0] =	vst v63  }
0x3d: {  	s31 =	simm.s32 $0x18D00;
	s29 =	sadd.s32 $0x20, s4  }
0x3e: {  	[tilespmem:s31], [sflag:$0x1] =	stream.linear.gather [hbm4b:s29+s3], $0x80, $0x38;
	[tilespmem:$0x1D3C0] =	vst v63  }
0x3f: {  	s6 =	simm.s32 $0x18E00;
	s5 =	sadd.s32 $0x30, s4  }
0x40: {  	[tilespmem:s6], [sflag:$0x1] =	stream.linear.gather [hbm4b:s5+s3], $0x80, $0x38;
	[tilespmem:$0x1D3C0] =	vst v63  }
0x41: {  	s12 =	simm.s32 $0x18F00;
	s7 =	sadd.s32 $0x40, s4  }
0x42: {  	[tilespmem:s12], [sflag:$0x1] =	stream.linear.gather [hbm4b:s7+s3], $0x80, $0x38;
	[tilespmem:$0x1D3C0] =	vst v63  }
0x43: {  	s19 =	simm.s32 $0x19000;
	s13 =	sadd.s32 $0x50, s4  }
0x44: {  	[tilespmem:s19], [sflag:$0x1] =	stream.linear.gather [hbm4b:s13+s3], $0x80, $0x38;
	[tilespmem:$0x1D3C0] =	vst v63  }
0x45: {  	s21 =	simm.s32 $0x19100;
	s20 =	sadd.s32 $0x60, s4  }
0x46: {  	[tilespmem:s21], [sflag:$0x1] =	stream.linear.gather [hbm4b:s20+s3], $0x80, $0x38;
	[tilespmem:$0x1D3C0] =	vst v63  }
0x47: {  	s22 =	sadd.s32 $0x70, s4;
	s23 =	simm.s32 $0x19200  }
0x48: {  	[tilespmem:s23], [sflag:$0x1] =	stream.linear.gather [hbm4b:s22+s3], $0x80, $0x38;
	[tilespmem:$0x1D3C0] =	vst v63  }
0x49: {  	s4 =	rddreg [dreg:$0x9];
	s25 =	simm.s32 $0x19300  }
0x4a: {  	[tilespmem:s25], [sflag:$0x1] =	stream.linear.gather [hbm4b:s4+s3], $0x80, $0x38;
	[tilespmem:$0x1D3C0] =	vst v63  }
0x4b: {  	s29 =	sadd.s32 $0x10, s4;
	s31 =	simm.s32 $0x19400  }
0x4c: {  	[tilespmem:s31], [sflag:$0x1] =	stream.linear.gather [hbm4b:s29+s3], $0x80, $0x38;
	[tilespmem:$0x1D3C0] =	vst v63  }
0x4d: {  	s6 =	sadd.s32 $0x20, s4;
	s7 =	simm.s32 $0x19500  }
0x4e: {  	[tilespmem:s7], [sflag:$0x1] =	stream.linear.gather [hbm4b:s6+s3], $0x80, $0x38;
	[tilespmem:$0x1D3C0] =	vst v63  }
0x4f: {  	s12 =	sadd.s32 $0x30, s4;
	s13 =	simm.s32 $0x19600  }
0x50: {  	[tilespmem:s13], [sflag:$0x1] =	stream.linear.gather [hbm4b:s12+s3], $0x80, $0x38;
	[tilespmem:$0x1D3C0] =	vst v63  }
0x51: {  	s19 =	sadd.s32 $0x40, s4;
	s20 =	simm.s32 $0x19700  }
0x52: {  	[tilespmem:s20], [sflag:$0x1] =	stream.linear.gather [hbm4b:s19+s3], $0x80, $0x38;
	[tilespmem:$0x1D3C0] =	vst v63  }
0x53: {  	s21 =	sadd.s32 $0x50, s4;
	s22 =	simm.s32 $0x19800  }
0x54: {  	[tilespmem:s22], [sflag:$0x1] =	stream.linear.gather [hbm4b:s21+s3], $0x80, $0x38;
	[tilespmem:$0x1D3C0] =	vst v63  }
0x55: {  	s23 =	sadd.s32 $0x60, s4;
	s25 =	simm.s32 $0x19900  }
0x56: {  	[tilespmem:s25], [sflag:$0x1] =	stream.linear.gather [hbm4b:s23+s3], $0x80, $0x38;
	[tilespmem:$0x1D3C0] =	vst v63  }
0x57: {  	s29 =	sadd.s32 $0x70, s4;
	s31 =	simm.s32 $0x19A00  }
0x58: {  	[tilespmem:s31], [sflag:$0x1] =	stream.linear.gather [hbm4b:s29+s3], $0x80, $0x38;
	[tilespmem:$0x1D3C0] =	vst v63  }
0x59: {  	s5 =	simm.s32 $0x19B00;
	s4 =	rddreg [dreg:$0xa]  }
0x5a: {  	[tilespmem:s5], [sflag:$0x1] =	stream.linear.gather [hbm4b:s4+s3], $0x80, $0x38;
	[tilespmem:$0x1D3C0] =	vst v63  }
0x5b: {  	s6 =	sadd.s32 $0x10, s4;
	s7 =	simm.s32 $0x19C00  }
0x5c: {  	[tilespmem:s7], [sflag:$0x1] =	stream.linear.gather [hbm4b:s6+s3], $0x80, $0x38;
	[tilespmem:$0x1D3C0] =	vst v63  }
0x5d: {  	s12 =	sadd.s32 $0x20, s4;
	s13 =	simm.s32 $0x19D00  }
0x5e: {  	[tilespmem:s13], [sflag:$0x1] =	stream.linear.gather [hbm4b:s12+s3], $0x80, $0x38;
	[tilespmem:$0x1D3C0] =	vst v63  }
0x5f: {  	s19 =	sadd.s32 $0x30, s4;
	s20 =	simm.s32 $0x19E00  }
0x60: {  	[tilespmem:s20], [sflag:$0x1] =	stream.linear.gather [hbm4b:s19+s3], $0x80, $0x38;
	[tilespmem:$0x1D3C0] =	vst v63  }
0x61: {  	s21 =	sadd.s32 $0x40, s4;
	s22 =	simm.s32 $0x19F00  }
0x62: {  	[tilespmem:s22], [sflag:$0x1] =	stream.linear.gather [hbm4b:s21+s3], $0x80, $0x38;
	[tilespmem:$0x1D3C0] =	vst v63  }
0x63: {  	s23 =	sadd.s32 $0x50, s4;
	s25 =	simm.s32 $0x1A000  }
0x64: {  	[tilespmem:s25], [sflag:$0x1] =	stream.linear.gather [hbm4b:s23+s3], $0x80, $0x38;
	[tilespmem:$0x1D3C0] =	vst v63  }
0x65: {  	s29 =	sadd.s32 $0x60, s4;
	s31 =	simm.s32 $0x1A100  }
0x66: {  	[tilespmem:s31], [sflag:$0x1] =	stream.linear.gather [hbm4b:s29+s3], $0x80, $0x38;
	[tilespmem:$0x1D3C0] =	vst v63  }
0x67: {  	s5 =	sadd.s32 $0x70, s4;
	s6 =	simm.s32 $0x1A200  }
0x68: {  	[tilespmem:s6], [sflag:$0x1] =	stream.linear.gather [hbm4b:s5+s3], $0x80, $0x38;
	[tilespmem:$0x1D3C0] =	vst v63  }
0x69: {  	s4 =	rddreg [dreg:$0xb];
	s7 =	simm.s32 $0x1A300  }
0x6a: {  	[tilespmem:s7], [sflag:$0x1] =	stream.linear.gather [hbm4b:s4+s3], $0x80, $0x38;
	[tilespmem:$0x1D3C0] =	vst v63  }
0x6b: {  	s12 =	sadd.s32 $0x10, s4;
	s13 =	simm.s32 $0x1A400  }
0x6c: {  	[tilespmem:s13], [sflag:$0x1] =	stream.linear.gather [hbm4b:s12+s3], $0x80, $0x38;
	[tilespmem:$0x1D3C0] =	vst v63  }
0x6d: {  	s19 =	sadd.s32 $0x20, s4;
	s20 =	simm.s32 $0x1A500  }
0x6e: {  	[tilespmem:s20], [sflag:$0x1] =	stream.linear.gather [hbm4b:s19+s3], $0x80, $0x38;
	[tilespmem:$0x1D3C0] =	vst v63  }
0x6f: {  	s21 =	sadd.s32 $0x30, s4;
	s22 =	simm.s32 $0x1A600  }
0x70: {  	[tilespmem:s22], [sflag:$0x1] =	stream.linear.gather [hbm4b:s21+s3], $0x80, $0x38;
	[tilespmem:$0x1D3C0] =	vst v63  }
0x71: {  	s23 =	sadd.s32 $0x40, s4;
	s25 =	simm.s32 $0x1A700  }
0x72: {  	[tilespmem:s25], [sflag:$0x1] =	stream.linear.gather [hbm4b:s23+s3], $0x80, $0x38;
	[tilespmem:$0x1D3C0] =	vst v63  }
0x73: {  	s29 =	sadd.s32 $0x50, s4;
	s31 =	simm.s32 $0x1A800  }
0x74: {  	[tilespmem:s31], [sflag:$0x1] =	stream.linear.gather [hbm4b:s29+s3], $0x80, $0x38;
	[tilespmem:$0x1D3C0] =	vst v63  }
0x75: {  	s5 =	sadd.s32 $0x60, s4;
	s6 =	simm.s32 $0x1A900  }
0x76: {  	[tilespmem:s6], [sflag:$0x1] =	stream.linear.gather [hbm4b:s5+s3], $0x80, $0x38;
	[tilespmem:$0x1D3C0] =	vst v63  }
0x77: {  	s7 =	sadd.s32 $0x70, s4;
	s12 =	simm.s32 $0x1AA00  }
0x78: {  	[tilespmem:s12], [sflag:$0x1] =	stream.linear.gather [hbm4b:s7+s3], $0x80, $0x38;
	[tilespmem:$0x1D3C0] =	vst v63  }
0x79: {  	s4 =	rddreg [dreg:$0xc];
	s13 =	simm.s32 $0x18B80  }
0x7a: {  	[tilespmem:s13], [sflag:$0x2] =	stream.linear.gather [hbm4b:s4+s3], $0x80, $0x38;
	[tilespmem:$0x1D3C0] =	vst v63  }
0x7b: {  	s19 =	sadd.s32 $0x10, s4;
	s20 =	simm.s32 $0x18C80  }
0x7c: {  	[tilespmem:s20], [sflag:$0x2] =	stream.linear.gather [hbm4b:s19+s3], $0x80, $0x38;
	[tilespmem:$0x1D3C0] =	vst v63  }
0x7d: {  	s21 =	sadd.s32 $0x20, s4;
	s22 =	simm.s32 $0x18D80  }
0x7e: {  	[tilespmem:s22], [sflag:$0x2] =	stream.linear.gather [hbm4b:s21+s3], $0x80, $0x38;
	[tilespmem:$0x1D3C0] =	vst v63  }
0x7f: {  	s23 =	sadd.s32 $0x30, s4;
	s25 =	simm.s32 $0x18E80  }
0x80: {  	[tilespmem:s25], [sflag:$0x2] =	stream.linear.gather [hbm4b:s23+s3], $0x80, $0x38;
	[tilespmem:$0x1D3C0] =	vst v63  }
0x81: {  	s29 =	sadd.s32 $0x40, s4;
	s31 =	simm.s32 $0x18F80  }
0x82: {  	[tilespmem:s31], [sflag:$0x2] =	stream.linear.gather [hbm4b:s29+s3], $0x80, $0x38;
	[tilespmem:$0x1D3C0] =	vst v63  }
0x83: {  	s5 =	sadd.s32 $0x50, s4;
	s6 =	simm.s32 $0x19080  }
0x84: {  	[tilespmem:s6], [sflag:$0x2] =	stream.linear.gather [hbm4b:s5+s3], $0x80, $0x38;
	[tilespmem:$0x1D3C0] =	vst v63  }
0x85: {  	s7 =	sadd.s32 $0x60, s4;
	s12 =	simm.s32 $0x19180  }
0x86: {  	[tilespmem:s12], [sflag:$0x2] =	stream.linear.gather [hbm4b:s7+s3], $0x80, $0x38;
	[tilespmem:$0x1D3C0] =	vst v63  }
0x87: {  	s13 =	sadd.s32 $0x70, s4;
	s19 =	simm.s32 $0x19280  }
0x88: {  	[tilespmem:s19], [sflag:$0x2] =	stream.linear.gather [hbm4b:s13+s3], $0x80, $0x38;
	[tilespmem:$0x1D3C0] =	vst v63  }
0x89: {  	s4 =	rddreg [dreg:$0xd];
	s20 =	simm.s32 $0x19380  }
0x8a: {  	[tilespmem:s20], [sflag:$0x2] =	stream.linear.gather [hbm4b:s4+s3], $0x80, $0x38;
	[tilespmem:$0x1D3C0] =	vst v63  }
0x8b: {  	s21 =	sadd.s32 $0x10, s4;
	s22 =	simm.s32 $0x19480  }
0x8c: {  	[tilespmem:s22], [sflag:$0x2] =	stream.linear.gather [hbm4b:s21+s3], $0x80, $0x38;
	[tilespmem:$0x1D3C0] =	vst v63  }
0x8d: {  	s23 =	sadd.s32 $0x20, s4;
	s25 =	simm.s32 $0x19580  }
0x8e: {  	[tilespmem:s25], [sflag:$0x2] =	stream.linear.gather [hbm4b:s23+s3], $0x80, $0x38;
	[tilespmem:$0x1D3C0] =	vst v63  }
0x8f: {  	s29 =	sadd.s32 $0x30, s4;
	s31 =	simm.s32 $0x19680  }
0x90: {  	[tilespmem:s31], [sflag:$0x2] =	stream.linear.gather [hbm4b:s29+s3], $0x80, $0x38;
	[tilespmem:$0x1D3C0] =	vst v63  }
0x91: {  	s5 =	sadd.s32 $0x40, s4;
	s6 =	simm.s32 $0x19780  }
0x92: {  	[tilespmem:s6], [sflag:$0x2] =	stream.linear.gather [hbm4b:s5+s3], $0x80, $0x38;
	[tilespmem:$0x1D3C0] =	vst v63  }
0x93: {  	s7 =	sadd.s32 $0x50, s4;
	s12 =	simm.s32 $0x19880  }
0x94: {  	[tilespmem:s12], [sflag:$0x2] =	stream.linear.gather [hbm4b:s7+s3], $0x80, $0x38;
	[tilespmem:$0x1D3C0] =	vst v63  }
0x95: {  	s13 =	sadd.s32 $0x60, s4;
	s19 =	simm.s32 $0x19980  }
0x96: {  	[tilespmem:s19], [sflag:$0x2] =	stream.linear.gather [hbm4b:s13+s3], $0x80, $0x38;
	[tilespmem:$0x1D3C0] =	vst v63  }
0x97: {  	s20 =	sadd.s32 $0x70, s4;
	s21 =	simm.s32 $0x19A80  }
0x98: {  	[tilespmem:s21], [sflag:$0x2] =	stream.linear.gather [hbm4b:s20+s3], $0x80, $0x38;
	[tilespmem:$0x1D3C0] =	vst v63  }
0x99: {  	s4 =	rddreg [dreg:$0xe];
	s22 =	simm.s32 $0x19B80  }
0x9a: {  	[tilespmem:s22], [sflag:$0x2] =	stream.linear.gather [hbm4b:s4+s3], $0x80, $0x38;
	[tilespmem:$0x1D3C0] =	vst v63  }
0x9b: {  	s23 =	sadd.s32 $0x10, s4;
	s25 =	simm.s32 $0x19C80  }
0x9c: {  	[tilespmem:s25], [sflag:$0x2] =	stream.linear.gather [hbm4b:s23+s3], $0x80, $0x38;
	[tilespmem:$0x1D3C0] =	vst v63  }
0x9d: {  	s29 =	sadd.s32 $0x20, s4;
	s31 =	simm.s32 $0x19D80  }
0x9e: {  	[tilespmem:s31], [sflag:$0x2] =	stream.linear.gather [hbm4b:s29+s3], $0x80, $0x38;
	[tilespmem:$0x1D3C0] =	vst v63  }
0x9f: {  	s5 =	sadd.s32 $0x30, s4;
	s6 =	simm.s32 $0x19E80  }
0xa0: {  	[tilespmem:s6], [sflag:$0x2] =	stream.linear.gather [hbm4b:s5+s3], $0x80, $0x38;
	[tilespmem:$0x1D3C0] =	vst v63  }
0xa1: {  	s7 =	sadd.s32 $0x40, s4;
	s12 =	simm.s32 $0x19F80  }
0xa2: {  	[tilespmem:s12], [sflag:$0x2] =	stream.linear.gather [hbm4b:s7+s3], $0x80, $0x38;
	[tilespmem:$0x1D3C0] =	vst v63  }
0xa3: {  	s13 =	sadd.s32 $0x50, s4;
	s19 =	simm.s32 $0x1A080  }
0xa4: {  	[tilespmem:s19], [sflag:$0x2] =	stream.linear.gather [hbm4b:s13+s3], $0x80, $0x38;
	[tilespmem:$0x1D3C0] =	vst v63  }
0xa5: {  	s20 =	sadd.s32 $0x60, s4;
	s21 =	simm.s32 $0x1A180  }
0xa6: {  	[tilespmem:s21], [sflag:$0x2] =	stream.linear.gather [hbm4b:s20+s3], $0x80, $0x38;
	[tilespmem:$0x1D3C0] =	vst v63  }
0xa7: {  	s22 =	sadd.s32 $0x70, s4;
	s23 =	simm.s32 $0x1A280  }
0xa8: {  	[tilespmem:s23], [sflag:$0x2] =	stream.linear.gather [hbm4b:s22+s3], $0x80, $0x38;
	[tilespmem:$0x1D3C0] =	vst v63  }
0xa9: {  	s4 =	rddreg [dreg:$0xf];
	s25 =	simm.s32 $0x1A380  }
0xaa: {  	[tilespmem:s25], [sflag:$0x2] =	stream.linear.gather [hbm4b:s4+s3], $0x80, $0x38;
	[tilespmem:$0x1D3C0] =	vst v63  }
0xab: {  	s29 =	sadd.s32 $0x10, s4;
	s31 =	simm.s32 $0x1A480  }
0xac: {  	[tilespmem:s31], [sflag:$0x2] =	stream.linear.gather [hbm4b:s29+s3], $0x80, $0x38;
	[tilespmem:$0x1D3C0] =	vst v63  }
0xad: {  	s6 =	sadd.s32 $0x20, s4;
	s7 =	simm.s32 $0x1A580  }
0xae: {  	[tilespmem:s7], [sflag:$0x2] =	stream.linear.gather [hbm4b:s6+s3], $0x80, $0x38;
	[tilespmem:$0x1D3C0] =	vst v63  }
0xaf: {  	s12 =	sadd.s32 $0x30, s4;
	s13 =	simm.s32 $0x1A680  }
0xb0: {  	[tilespmem:s13], [sflag:$0x2] =	stream.linear.gather [hbm4b:s12+s3], $0x80, $0x38;
	[tilespmem:$0x1D3C0] =	vst v63  }
0xb1: {  	s19 =	sadd.s32 $0x40, s4;
	s20 =	simm.s32 $0x1A780  }
0xb2: {  	[tilespmem:s20], [sflag:$0x2] =	stream.linear.gather [hbm4b:s19+s3], $0x80, $0x38;
	[tilespmem:$0x1D3C0] =	vst v63  }
0xb3: {  	s21 =	sadd.s32 $0x50, s4;
	s22 =	simm.s32 $0x1A880  }
0xb4: {  	[tilespmem:s22], [sflag:$0x2] =	stream.linear.gather [hbm4b:s21+s3], $0x80, $0x38;
	[tilespmem:$0x1D3C0] =	vst v63  }
0xb5: {  	s23 =	sadd.s32 $0x60, s4;
	s25 =	simm.s32 $0x1A980  }
0xb6: {  	[tilespmem:s25], [sflag:$0x2] =	stream.linear.gather [hbm4b:s23+s3], $0x80, $0x38;
	[tilespmem:$0x1D3C0] =	vst v63  }
0xb7: {  	s29 =	sadd.s32 $0x70, s4;
	s31 =	simm.s32 $0x1AA80;
	s19 =	simm.s32 $0x0  }
0xb8: {  	[tilespmem:s31], [sflag:$0x2] =	stream.linear.gather [hbm4b:s29+s3], $0x80, $0x38;
	[tilespmem:$0x1D3C0] =	vst v63  }
.LBB2_2:
0xb9: {  	_ =	swait.ge [sflag:s24], $0x400  }
0xba: {  	[sflag:s24] =	ssyncset.done $0x0  }
0xbb: {  	[sflag:s24] =	ssyncadd.s32 $0xFFFFFC00  }
0xbc: {  	_ =	swait.ge [sflag:s24], $0x400  }
0xbd: {  	[sflag:s24] =	ssyncset.done $0x0  }
0xbe: {  	[sflag:s24] =	ssyncadd.s32 $0xFFFFFC00  }
0xbf: {  	_ =	swait.ge [sflag:s24], $0x400  }
0xc0: {  	[sflag:s24] =	ssyncset.done $0x0  }
0xc1: {  	[sflag:s24] =	ssyncadd.s32 $0xFFFFFC00  }
0xc2: {  	_ =	swait.ge [sflag:s24], $0x400  }
0xc3: {  	p0 =	seq.s32 s19, $0x0;
	[sflag:s24] =	ssyncset.done $0x0  }
0xc4: {  	s1 =	simm.s32 @!p0 $0x5;
	[sflag:s24] =	ssyncadd.s32 $0xFFFFFC00  }
0xc5: {  	_ =	swait.ge @!p0 [sflag:s1], $0x80  }
0xc6: {  	[sflag:s1] =	ssyncset.done @!p0 $0x0  }
0xc7: {  	[sflag:s1] =	ssyncadd.s32 @!p0 $0xFFFFFF80;
	s1 =	simm.s32 @!p0 $0x6  }
0xc8: {  	_ =	swait.ge @!p0 [sflag:s1], $0x80  }
0xc9: {  	[sflag:s1] =	ssyncset.done @!p0 $0x0  }
0xca: {  	[sflag:s1] =	ssyncadd.s32 @!p0 $0xFFFFFF80;
	s1 =	simm.s32 @!p0 $0x7  }
0xcb: {  	_ =	swait.ge @!p0 [sflag:s1], $0x80  }
0xcc: {  	[sflag:s1] =	ssyncset.done @!p0 $0x0  }
0xcd: {  	[sflag:s1] =	ssyncadd.s32 @!p0 $0xFFFFFF80;
	s1 =	simm.s32 @!p0 $0x8  }
0xce: {  	_ =	swait.ge @!p0 [sflag:s1], $0x80  }
0xcf: {  	[sflag:s1] =	ssyncset.done @!p0 $0x0  }
0xd0: {  	[sflag:s1] =	ssyncadd.s32 @!p0 $0xFFFFFF80;
	s1 =	simm.s32 @!p0 $0x9  }
0xd1: {  	_ =	swait.ge @!p0 [sflag:s1], $0x80  }
0xd2: {  	[sflag:s1] =	ssyncset.done @!p0 $0x0  }
0xd3: {  	[sflag:s1] =	ssyncadd.s32 @!p0 $0xFFFFFF80;
	s1 =	simm.s32 @!p0 $0xA  }
0xd4: {  	_ =	swait.ge @!p0 [sflag:s1], $0x80  }
0xd5: {  	[sflag:s1] =	ssyncset.done @!p0 $0x0  }
0xd6: {  	[sflag:s1] =	ssyncadd.s32 @!p0 $0xFFFFFF80;
	s1 =	simm.s32 @!p0 $0xB  }
0xd7: {  	_ =	swait.ge @!p0 [sflag:s1], $0x80  }
0xd8: {  	s20 =	sshll.u32 s19, $0xB;
	[sflag:s1] =	ssyncset.done @!p0 $0x0  }
0xd9: {  	s4 =	sadd.s32 s26, s20;
	[sflag:s1] =	ssyncadd.s32 @!p0 $0xFFFFFF80;
	s1 =	simm.s32 @!p0 $0xC  }
0xda: {  	s29 =	simm.s32 $0x0;
	s4 =	sshrl.u32 s4, $0x3;
	_ =	swait.ge @!p0 [sflag:s1], $0x80  }
0xdb: {  	s31 =	simm.s32 $0x0;
	s25 =	sadd.s32 s28, s4;
	[sflag:s1] =	ssyncset.done @!p0 $0x0  }
0xdc: {  	s4 =	sand.u32 $0x700, s29;
	[sflag:s1] =	ssyncadd.s32 @!p0 $0xFFFFFF80;
	s1 =	sand.u32 $0x40, s31  }
0xdd: {  	[tilespmem:s14], [sflag:$0x3] =	stream.linear.gather [hbm4b:s25+s29], $0x400, $0x38;
	[tilespmem:$0x1D3C0] =	vst v63  }
0xde: {  	s21 =	sor.u32 s1, s4  }
0xdf: {  	v8 =	vld [tilespmem:s21+$0x19B00]  }
0xe0: {  	v9 =	vld [tilespmem:s21+$0x19330]  }
0xe1: {  	v10 =	vld [tilespmem:s21+$0x18B00]  }
0xe2: {  	v11 =	vld [tilespmem:s21+$0x19310]  }
0xe3: {  	v12 =	vld [tilespmem:s21+$0x19300]  }
0xe4: {  	v13 =	vld [tilespmem:s21+$0x19320]  }
0xe5: {  	v14 =	vld [tilespmem:s21+$0x18B30]  }
0xe6: {  	v15 =	vld [tilespmem:s21+$0x18B20]  }
0xe7: {  	v16 =	vld [tilespmem:s21+$0x18B10]  }
0xe8: {  	v25 =	vld [tilespmem:s21+$0x19B20]  }
0xe9: {  	v26 =	vld [tilespmem:s21+$0x19B10]  }
0xea: {  	v27 =	vld [tilespmem:s21+$0x19B30]  }
0xeb: {  	v17 =	vld.idx.msk [tilespmem:v9+s30+$0x0], $0xffff  }
0xec: {  	v18 =	vld.idx.msk [tilespmem:v10+s30+$0x0], $0xffff  }
0xed: {  	v19 =	vld.idx.msk [tilespmem:v11+s30+$0x0], $0xffff  }
0xee: {  	v20 =	vld.idx.msk [tilespmem:v12+s30+$0x0], $0xffff  }
0xef: {  	v21 =	vld.idx.msk [tilespmem:v13+s30+$0x0], $0xffff  }
0xf0: {  	v23 =	vld.idx.msk [tilespmem:v15+s30+$0x0], $0xffff  }
0xf1: {  	v24 =	vld.idx.msk [tilespmem:v16+s30+$0x0], $0xffff  }
0xf2: {  	v22 =	vld.idx.msk [tilespmem:v14+s30+$0x0], $0xffff;
	_ =	sdelay $0x1  }
0xf3: {  	(erf) = vrcp.f32 v8  }
0xf4: {  	s1 =	simm.s32 $0x40;
	s4 =	simm.s32 $0x80;
	(erf) = vrcp.f32 v27;
	v21 =	vadd.f32 v21, v23  }
0xf5: {  	s5 =	sand.u32 $0x40, s1;
	s6 =	sand.u32 $0x700, s4;
	(erf) = vrcp.f32 v25;
	v19 =	vadd.f32 v19, v24;
	v23 =	vld.idx.msk [tilespmem:v9+s3+$0x0], $0xffff;
	v9 =	vadd.f32 v20, v18  }
0xf6: {  	s22 =	sor.u32 s5, s6;
	(erf) = vrcp.f32 v26;
	v17 =	vadd.f32 v17, v22;
	v22 =	vld.idx.msk [tilespmem:v14+s3+$0x0], $0xffff;
	v14 =	vmul.f32 v21, v25  }
0xf7: {  	v30 =	vld [tilespmem:s22+$0x19B00];
	v18 =	vmul.f32 v19, v26;
	v19 =	vmul.f32 v9, v8  }
0xf8: {  	v28 =	vld.idx.msk [tilespmem:v11+s3+$0x0], $0xffff;
	v17 =	vmul.f32 v17, v27;
	v8 =	vmul.f32 v14, v4  }
0xf9: {  	v20 =	vld.idx.msk [tilespmem:v12+s3+$0x0], $0xffff;
	v9 =	vmul.f32 v18, v4;
	v24 =	vmul.f32 v19, v6  }
0xfa: {  	v27 =	vld.idx.msk [tilespmem:v15+s3+$0x0], $0xffff;
	v12 =	vmul.f32 v18, v7;
	v15 =	vmul.f32 v18, v5  }
0xfb: {  	v21 =	vld.idx.msk [tilespmem:v13+s3+$0x0], $0xffff;
	v11 =	vmul.f32 v17, v4;
	v29 =	vmul.f32 v14, v5  }
0xfc: {  	v25 =	vld.idx.msk [tilespmem:v16+s3+$0x0], $0xffff;
	v13 =	vmul.f32 v18, v6;
	v31 =	vmul.f32 v17, v5  }
0xfd: {  	v32 =	vld [tilespmem:s22+$0x18B00];
	v18 =	vmul.f32 v17, v6;
	v33 =	vmul.f32 v14, v7  }
0xfe: {  	v37 =	vld [tilespmem:s22+$0x19300];
	v14 =	vmul.f32 v14, v6;
	v34 =	vmul.f32 v19, v5  }
0xff: {  	v41 =	vld [tilespmem:s22+$0x19320];
	v36 =	vmul.f32 v19, v4;
	v19 =	vmul.f32 v19, v7;
	v9 =	vadd.f32 v9, v0  }
0x100: {  	v38 =	vld [tilespmem:s22+$0x18B30];
	v17 =	vmul.f32 v17, v7;
	v12 =	vadd.f32 v12, v3;
	v8 =	vadd.f32 v8, v0  }
0x101: {  	v50 =	vld [tilespmem:s22+$0x19B30];
	v16 =	vadd.f32 v13, v2;
	v11 =	vadd.f32 v11, v0;
	v48 =	vmul.f32 v28, v25  }
0x102: {  	v10 =	vld.idx.msk [tilespmem:v10+s3+$0x0], $0xffff;
	v59 =	vadd.f32 v18, v2;
	v18 =	vmul.f32 v21, v27;
	v12 =	vmul.f32 $1.442695020e+00, v12  }
0x103: {  	v26 =	vld [tilespmem:s22+$0x19330];
	v29 =	vadd.f32 v29, v1;
	v9 =	vmul.f32 $1.442695020e+00, v9;
	v8 =	vmul.f32 $1.442695020e+00, v8  }
0x104: {  	v13 =	vld [tilespmem:s22+$0x19310];
	v14 =	vadd.f32 v14, v2;
	v11 =	vmul.f32 $1.442695020e+00, v11;
	(erf) = vpow2.f32 v12  }
0x105: {  	v34 =	vadd.f32 v34, v1;
	(erf) = vpow2.f32 v8;
	v8 =	vmul.f32 $1.442695020e+00, v16;
	v16 =	vld [tilespmem:s22+$0x18B20]  }
0x106: {  	v29 =	vmul.f32 $1.442695020e+00, v29;
	v12 =	vadd.f32 v15, v1;
	v15 =	vld [tilespmem:s22+$0x18B10];
	(erf) = vpow2.f32 v9  }
0x107: {  	v39 =	vld.idx.msk [tilespmem:v32+s30+$0x0], $0xffff;
	v33 =	vadd.f32 v33, v3;
	v42 =	vmul.f32 $1.442695020e+00, v14;
	(erf) = vpow2.f32 v8  }
0x108: {  	v43 =	vld.idx.msk [tilespmem:v37+s30+$0x0], $0xffff;
	v36 =	vadd.f32 v36, v0;
	v12 =	vmul.f32 $1.442695020e+00, v12;
	(erf) = vpow2.f32 v11  }
0x109: {  	v44 =	vld.idx.msk [tilespmem:v41+s30+$0x0], $0xffff;
	v24 =	vadd.f32 v24, v2;
	v14 =	vmul.f32 $1.442695020e+00, v34;
	v8 =	vpop (erf);
	(erf) = vrcp.f32 v30  }
0x10a: {  	v19 =	vadd.f32 v19, v3;
	v28 =	vld.idx.msk [tilespmem:v38+s30+$0x0], $0xffff;
	v33 =	vmul.f32 $1.442695020e+00, v33;
	v9 =	vpop (erf);
	(erf) = vpow2.f32 v12  }
0x10b: {  	v17 =	vadd.f32 v17, v3;
	v25 =	vmul.f32 $1.442695020e+00, v36;
	v24 =	vmul.f32 $1.442695020e+00, v24;
	v35 =	vld.idx.msk [tilespmem:v26+s30+$0x0], $0xffff;
	v11 =	vpop (erf)  }
0x10c: {  	v21 =	vmul.f32 $1.442695020e+00, v19;
	v40 =	vld.idx.msk [tilespmem:v13+s30+$0x0], $0xffff;
	(erf) = vpow2.f32 v14;
	v12 =	vpop (erf)  }
0x10d: {  	v19 =	vadd.f32 v43, v39;
	v36 =	vmul.f32 $1.442695020e+00, v17;
	(erf) = vpow2.f32 v29;
	v58 =	vpop (erf);
	v46 =	vld.idx.msk [tilespmem:v16+s30+$0x0], $0xffff  }
0x10e: {  	v14 =	vmul.f32 v20, v10;
	v47 =	vld.idx.msk [tilespmem:v15+s30+$0x0], $0xffff;
	(erf) = vpow2.f32 v33;
	v49 =	vpop (erf)  }
0x10f: {  	v27 =	vld [tilespmem:s22+$0x19B20];
	v33 =	vmul.f32 v19, v30;
	(erf) = vpow2.f32 v25;
	v45 =	vpop (erf)  }
0x110: {  	v51 =	vld [tilespmem:s22+$0x19B10];
	v19 =	vmul.f32 v23, v22;
	(erf) = vpow2.f32 v24;
	v29 =	vpop (erf)  }
0x111: {  	v25 =	vmul.f32 $1.442695020e+00, v59;
	v24 =	vadd.f32 v35, v28;
	(erf) = vpow2.f32 v42;
	v20 =	vpop (erf)  }
0x112: {  	v34 =	vmul.f32 v33, v6;
	(erf) = vpow2.f32 v21;
	v10 =	vpop (erf);
	v28 =	vadd.f32 v44, v46  }
0x113: {  	v22 =	vadd.f32 v40, v47;
	v24 =	vmul.f32 v24, v50;
	(erf) = vrcp.f32 v50;
	v17 =	vpop (erf)  }
0x114: {  	(erf) = vpow2.f32 v25;
	v17 =	vadd.f32 v17, v45;
	v43 =	vmul.f32 v28, v27  }
0x115: {  	v35 =	vld [tilespmem:s21+$0x1A310];
	v40 =	vmul.f32 v24, v4;
	v45 =	vmul.f32 v22, v51;
	v30 =	vpop (erf)  }
0x116: {  	v25 =	vld [tilespmem:s21+$0x1A320];
	(erf) = vrcp.f32 v27;
	v61 =	vpop (erf);
	v21 =	vadd.f32 v17, v29;
	v23 =	vmul.f32 v43, v4  }
0x117: {  	v22 =	vld [tilespmem:s21+$0x1A330];
	(erf) = vrcp.f32 v51;
	v29 =	vadd.f32 v31, v1;
	v31 =	vmul.f32 v45, v4;
	v28 =	vpop (erf)  }
0x118: {  	v17 =	vld [tilespmem:s21+$0x1A300];
	v27 =	vpop (erf);
	v60 =	vadd.f32 v21, v58;
	v21 =	vmul.f32 v45, v7;
	v62 =	vadd.f32 v23, v0  }
0x119: {  	v47 =	vmul.f32 v45, v5;
	v23 =	vadd.f32 v31, v0;
	v30 =	vadd.f32 v30, v27;
	v27 =	vld.idx.msk [tilespmem:v32+s3+$0x0], $0xffff  }
0x11a: {  	v52 =	vmul.f32 v43, v5;
	v31 =	vmul.f32 $1.442695020e+00, v29;
	v29 =	vld.idx.msk [tilespmem:v41+s3+$0x0], $0xffff;
	v42 =	vadd.f32 v21, v3  }
0x11b: {  	v63 =	vpop (erf);
	v46 =	vmul.f32 $1.442695020e+00, v23;
	v23 =	vld.idx.msk [tilespmem:v38+s3+$0x0], $0xffff;
	v39 =	vmul.f32 v60, v48;
	v38 =	vadd.f32 v61, v49  }
0x11c: {  	v44 =	vpop (erf);
	v21 =	vld.idx.msk [tilespmem:v26+s3+$0x0], $0xffff;
	v26 =	vmul.f32 v24, v5;
	v32 =	vadd.f32 v30, v63;
	(erf) = vpow2.f32 v31  }
0x11d: {  	v31 =	vld.idx.msk [tilespmem:v37+s3+$0x0], $0xffff;
	v41 =	vmul.f32 $1.442695020e+00, v62;
	v48 =	vadd.f32 v52, v1;
	v37 =	vmul.f32 v24, v6;
	v30 =	vpop (erf)  }
.LBB2_3:
0x11e: {  	s1 =	sadd.s32 $0x40, s1;
	v49 =	vmul.f32 $1.442695020e+00, v42;
	v50 =	vld.idx.msk [tilespmem:v16+s3+$0x0], $0xffff;
	v51 =	vmul.f32 v43, v7;
	s4 =	sadd.s32 $0x80, s4;
	v42 =	vpop (erf)  }
0x11f: {  	s5 =	sand.u32 $0x40, s1;
	s6 =	sand.u32 $0x700, s4;
	p1 =	slt.u32 s1, $0x3C0;
	v52 =	vld.idx.msk [tilespmem:v13+s3+$0x0], $0xffff;
	v13 =	vmul.f32 v45, v6;
	v45 =	vmul.f32 $1.442695020e+00, v48;
	v48 =	vadd.f32 v37, v2;
	v53 =	vpop (erf)  }
0x120: {  	v16 =	vadd.f32 v40, v0;
	s5 =	sor.u32 s5, s6;
	v54 =	vld.idx.msk [tilespmem:v15+s3+$0x0], $0xffff;
	v15 =	vadd.f32 v47, v1;
	(erf) = vpow2.f32 v36  }
0x121: {  	v36 =	vmul.f32 v43, v6;
	v47 =	vld [tilespmem:s5+$0x19B00];
	v13 =	vadd.f32 v13, v2;
	(erf) = vpow2.f32 v49;
	v43 =	vpop (erf)  }
0x122: {  	v44 =	vadd.f32 v38, v44;
	v16 =	vmul.f32 $1.442695020e+00, v16;
	v40 =	vld [tilespmem:s5+$0x19330];
	(erf) = vpow2.f32 v41  }
0x123: {  	v41 =	vmul.f32 v33, v4;
	v38 =	vld [tilespmem:s5+$0x18B00];
	v49 =	vmul.f32 $1.442695020e+00, v13  }
0x124: {  	v55 =	vmul.f32 v33, v5;
	v36 =	vadd.f32 v36, v2;
	v13 =	vld [tilespmem:s5+$0x19310];
	(erf) = vpow2.f32 v46;
	v46 =	vpop (erf)  }
0x125: {  	v33 =	vmul.f32 v33, v7;
	v57 =	vmul.f32 $1.442695020e+00, v15;
	v56 =	vadd.f32 v41, v0;
	v37 =	vld [tilespmem:s5+$0x19300];
	v15 =	vpop (erf)  }
0x126: {  	v35 =	vmul.f32 v39, v35;
	v55 =	vadd.f32 v55, v1;
	v41 =	vld [tilespmem:s5+$0x19320];
	(erf) = vpow2.f32 v49  }
0x127: {  	v28 =	vadd.f32 v44, v28;
	v49 =	vmul.f32 $1.442695020e+00, v36;
	v39 =	vld [tilespmem:s5+$0x18B30];
	(erf) = vpow2.f32 v16  }
0x128: {  	v36 =	vadd.f32 v51, v3;
	v20 =	vadd.f32 v15, v20;
	v16 =	vld [tilespmem:s5+$0x18B20];
	(erf) = vrcp.f32 v47  }
0x129: {  	v35 =	vmul.f32 v35, v12;
	v44 =	vmul.f32 $1.442695020e+00, v55;
	v12 =	vmov v46;
	v15 =	vld [tilespmem:s5+$0x18B10];
	v51 =	vpop (erf)  }
0x12a: {  	v36 =	vmul.f32 $1.442695020e+00, v36;
	v20 =	vadd.f32 v20, v53;
	v46 =	vld.idx.msk [tilespmem:v40+s30+$0x0], $0xffff;
	(erf) = vpow2.f32 v57;
	v55 =	vpop (erf)  }
0x12b: {  	v34 =	vadd.f32 v34, v2;
	v18 =	vmul.f32 v28, v18;
	v52 =	vmul.f32 v52, v54;
	v53 =	vld.idx.msk [tilespmem:v38+s30+$0x0], $0xffff;
	v54 =	vpop (erf)  }
0x12c: {  	v56 =	vmul.f32 $1.442695020e+00, v56;
	v20 =	vadd.f32 v20, v51;
	v28 =	vld.idx.msk [tilespmem:v13+s30+$0x0], $0xffff;
	(erf) = vpow2.f32 v44;
	[tilespmem:s21+$0x1AB10] =	vst v35  }
0x12d: {  	v34 =	vmul.f32 $1.442695020e+00, v34;
	v35 =	vld.idx.msk [tilespmem:v37+s30+$0x0], $0xffff;
	v44 =	vpop (erf);
	(erf) = vpow2.f32 v45  }
0x12e: {  	v18 =	vmul.f32 v18, v25;
	v45 =	vld.idx.msk [tilespmem:v41+s30+$0x0], $0xffff;
	(erf) = vpow2.f32 v36  }
0x12f: {  	v24 =	vmul.f32 v24, v7;
	v30 =	vadd.f32 v32, v30;
	v19 =	vmul.f32 v20, v19;
	v25 =	vld.idx.msk [tilespmem:v39+s30+$0x0], $0xffff;
	v51 =	vpop (erf)  }
0x130: {  	v27 =	vmul.f32 v31, v27;
	v33 =	vadd.f32 v33, v3;
	v31 =	vmul.f32 v18, v11;
	v32 =	vld.idx.msk [tilespmem:v16+s30+$0x0], $0xffff;
	v20 =	vpop (erf)  }
0x131: {  	v59 =	vadd.f32 v24, v3;
	v18 =	vmul.f32 v29, v50;
	v22 =	vmul.f32 v19, v22;
	v57 =	vld.idx.msk [tilespmem:v15+s30+$0x0], $0xffff;
	v58 =	vpop (erf)  }
0x132: {  	v50 =	vmul.f32 $1.442695020e+00, v33;
	v11 =	vmovc v43;
	v19 =	vmul.f32 v30, v14;
	v14 =	vmov v27;
	v29 =	vld [tilespmem:s5+$0x19B30]  }
0x133: {  	v36 =	vmul.f32 $1.442695020e+00, v59;
	v43 =	vadd.f32 v35, v53;
	v30 =	vld [tilespmem:s5+$0x19B20];
	(erf) = vpow2.f32 v56;
	v24 =	vpop (erf)  }
0x134: {  	v53 =	vld [tilespmem:s5+$0x19B10];
	v35 =	vadd.f32 v24, v44;
	v44 =	vmul.f32 $1.442695020e+00, v48;
	(erf) = vpow2.f32 v34  }
0x135: {  	v17 =	vmul.f32 v19, v17;
	v33 =	vmul.f32 v43, v47;
	v24 =	vadd.f32 v46, v25;
	v27 =	vpop (erf);
	[tilespmem:s21+$0x1AB20] =	vst v31  }
0x136: {  	v19 =	vmul.f32 v21, v23;
	v25 =	vadd.f32 v45, v32;
	v31 =	vpop (erf);
	(erf) = vpow2.f32 v49  }
0x137: {  	v21 =	vadd.f32 v28, v57;
	v24 =	vmul.f32 v24, v29;
	(erf) = vpow2.f32 v50;
	v28 =	vpop (erf)  }
0x138: {  	v22 =	vmul.f32 v22, v9;
	v9 =	vmovc v42;
	v23 =	vadd.f32 v35, v51;
	v43 =	vmul.f32 v25, v30  }
0x139: {  	v45 =	vmul.f32 v21, v53;
	v21 =	vmul.f32 v17, v8;
	v8 =	vmovc v10;
	v10 =	vmov v58  }
0x13a: {  	v26 =	vadd.f32 v26, v1;
	v25 =	vmul.f32 v43, v4;
	(erf) = vrcp.f32 v29;
	v17 =	vld [tilespmem:s22+$0x1A300];
	[tilespmem:s21+$0x1AB30] =	vst v22  }
0x13b: {  	v32 =	vadd.f32 v23, v55;
	v29 =	vmul.f32 v45, v4;
	v22 =	vld [tilespmem:s22+$0x1A330];
	(erf) = vpow2.f32 v44;
	[tilespmem:s21+$0x1AB00] =	vst v21;
	s21 =	smov.u32 s22;
	s22 =	smov.u32 s5  }
0x13c: {  	v34 =	vmul.f32 v33, v6;
	v21 =	vmul.f32 v45, v7;
	v48 =	vadd.f32 v25, v0;
	v25 =	vld [tilespmem:s21+$0x1A320];
	v44 =	vpop (erf)  }
0x13d: {  	v47 =	vmul.f32 v45, v5;
	v23 =	vadd.f32 v29, v0;
	(erf) = vrcp.f32 v30;
	v35 =	vld [tilespmem:s21+$0x1A310];
	v49 =	vpop (erf)  }
.Ltmp0:
0x13e: {  	v50 =	vmul.f32 $1.442695020e+00, v26;
	v42 =	vadd.f32 v21, v3;
	v21 =	vld.idx.msk [tilespmem:v40+s3+$0x0], $0xffff;
	v40 =	vmul.f32 v24, v4;
	(pc) =	sbr.rel @p1 .LBB2_3-.Ltmp0, $4  }
0x13f: {  	v51 =	vadd.f32 v27, v44;
	v46 =	vmul.f32 $1.442695020e+00, v23;
	v23 =	vld.idx.msk [tilespmem:v39+s3+$0x0], $0xffff;
	v39 =	vmul.f32 v32, v52;
	v44 =	vpop (erf)  }
0x140: {  	v52 =	vmul.f32 v43, v5;
	v27 =	vld.idx.msk [tilespmem:v38+s3+$0x0], $0xffff;
	(erf) = vrcp.f32 v53;
	v38 =	vadd.f32 v31, v54;
	v30 =	vpop (erf)  }
0x141: {  	v26 =	vmul.f32 v24, v5;
	v32 =	vadd.f32 v51, v49;
	v29 =	vld.idx.msk [tilespmem:v41+s3+$0x0], $0xffff;
	(erf) = vpow2.f32 v50  }
0x142: {  	v41 =	vmul.f32 $1.442695020e+00, v48;
	v48 =	vadd.f32 v52, v1;
	v31 =	vld.idx.msk [tilespmem:v37+s3+$0x0], $0xffff;
	v37 =	vmul.f32 v24, v6  }
0x143: {  	v42 =	vmul.f32 $1.442695020e+00, v42  }
0x144: {  	v49 =	vmul.f32 v43, v7;
	v45 =	vmul.f32 v45, v6  }
0x145: {  	(erf) = vpow2.f32 v36;
	v52 =	vmul.f32 v43, v6  }
0x146: {  	v54 =	vmul.f32 v33, v5;
	v56 =	vmul.f32 v33, v4  }
0x147: {  	v57 =	vmul.f32 v33, v7;
	v24 =	vmul.f32 v24, v7;
	v53 =	vadd.f32 v45, v2  }
0x148: {  	v40 =	vadd.f32 v40, v0;
	v48 =	vmul.f32 $1.442695020e+00, v48;
	(erf) = vpow2.f32 v42  }
0x149: {  	v55 =	vadd.f32 v47, v1;
	(erf) = vpow2.f32 v41;
	v43 =	vmul.f32 $1.442695020e+00, v53  }
0x14a: {  	v40 =	vmul.f32 $1.442695020e+00, v40;
	v41 =	vadd.f32 v54, v1;
	(erf) = vpow2.f32 v46  }
0x14b: {  	v34 =	vadd.f32 v34, v2;
	v42 =	vmul.f32 $1.442695020e+00, v55;
	v46 =	vpop (erf);
	(erf) = vpow2.f32 v43  }
0x14c: {  	v59 =	vadd.f32 v49, v3;
	v58 =	vpop (erf);
	v41 =	vmul.f32 $1.442695020e+00, v41;
	(erf) = vpow2.f32 v40  }
0x14d: {  	v45 =	vadd.f32 v56, v0;
	v34 =	vmul.f32 $1.442695020e+00, v34;
	v60 =	vpop (erf);
	(erf) = vpow2.f32 v42  }
0x14e: {  	v26 =	vadd.f32 v26, v1;
	v61 =	vpop (erf);
	v40 =	vmul.f32 $1.442695020e+00, v59;
	(erf) = vpow2.f32 v41  }
0x14f: {  	v36 =	vadd.f32 v52, v2;
	v45 =	vmul.f32 $1.442695020e+00, v45;
	v62 =	vpop (erf);
	(erf) = vpow2.f32 v48  }
0x150: {  	v33 =	vadd.f32 v57, v3;
	v26 =	vmul.f32 $1.442695020e+00, v26;
	v63 =	vpop (erf);
	(erf) = vpow2.f32 v40  }
0x151: {  	v37 =	vadd.f32 v37, v2;
	v36 =	vmul.f32 $1.442695020e+00, v36;
	v49 =	vpop (erf);
	(erf) = vpow2.f32 v45  }
0x152: {  	v33 =	vmul.f32 $1.442695020e+00, v33;
	v50 =	vpop (erf);
	(erf) = vpow2.f32 v34  }
0x153: {  	v13 =	vld.idx.msk [tilespmem:v13+s3+$0x0], $0xffff;
	v38 =	vadd.f32 v38, v44;
	v37 =	vmul.f32 $1.442695020e+00, v37;
	v51 =	vpop (erf);
	(erf) = vpow2.f32 v36  }
0x154: {  	v15 =	vld.idx.msk [tilespmem:v15+s3+$0x0], $0xffff;
	v52 =	vpop (erf);
	(erf) = vpow2.f32 v33  }
0x155: {  	v24 =	vadd.f32 v24, v3;
	v28 =	vadd.f32 v38, v28;
	v53 =	vpop (erf);
	(erf) = vpow2.f32 v37  }
0x156: {  	v20 =	vadd.f32 v62, v20;
	v54 =	vpop (erf);
	(erf) = vpow2.f32 v26  }
0x157: {  	v24 =	vmul.f32 $1.442695020e+00, v24;
	v18 =	vmul.f32 v28, v18;
	v26 =	vpop (erf)  }
0x158: {  	v16 =	vld.idx.msk [tilespmem:v16+s3+$0x0], $0xffff;
	v20 =	vadd.f32 v20, v58;
	v55 =	vpop (erf)  }
0x159: {  	v13 =	vmul.f32 v13, v15;
	v15 =	vmul.f32 v18, v25;
	v56 =	vpop (erf)  }
0x15a: {  	v20 =	vadd.f32 v20, v63;
	v57 =	vpop (erf);
	(erf) = vpow2.f32 v24  }
0x15b: {  	v18 =	vadd.f32 v32, v30;
	v11 =	vmul.f32 v15, v11;
	v24 =	vpop (erf)  }
0x15c: {  	v19 =	vmul.f32 v20, v19;
	v20 =	vmul.f32 v31, v27;
	v27 =	vadd.f32 v54, v51;
	v28 =	vpop (erf)  }
0x15d: {  	v15 =	vmul.f32 v29, v16;
	v14 =	vmul.f32 v18, v14;
	v16 =	vadd.f32 v55, v50;
	v25 =	vpop (erf)  }
0x15e: {  	v18 =	vadd.f32 v27, v52;
	v30 =	vpop (erf)  }
0x15f: {  	v14 =	vmul.f32 v14, v17;
	v26 =	vadd.f32 v26, v57;
	v16 =	vadd.f32 v16, v28;
	v29 =	vpop (erf)  }
0x160: {  	v19 =	vmul.f32 v19, v22;
	v17 =	vadd.f32 v18, v49;
	v18 =	vld [tilespmem:s22+$0x1A320];
	v27 =	vadd.f32 v29, v53  }
0x161: {  	v35 =	vmul.f32 v39, v35;
	v22 =	vld [tilespmem:s22+$0x1A310];
	v24 =	vadd.f32 v26, v24;
	v16 =	vadd.f32 v16, v56  }
0x162: {  	v21 =	vmul.f32 v21, v23;
	v9 =	vmul.f32 v19, v9;
	v19 =	vld [tilespmem:s22+$0x1A300];
	v27 =	vadd.f32 v27, v30  }
0x163: {  	v23 =	vld [tilespmem:s22+$0x1A330];
	v8 =	vmul.f32 v14, v8;
	v14 =	vmul.f32 v16, v15;
	v15 =	vadd.f32 v24, v25;
	v26 =	vpop (erf)  }
0x164: {  	v12 =	vmul.f32 v35, v12;
	v13 =	vmul.f32 v17, v13;
	v17 =	vadd.f32 v27, v26  }
0x165: {  	[tilespmem:s21+$0x1AB20] =	vst v11;
	v11 =	vmul.f32 v14, v18;
	v14 =	vmul.f32 v15, v20  }
0x166: {  	[tilespmem:s21+$0x1AB10] =	vst v12;
	v12 =	vmul.f32 v13, v22;
	v13 =	vmul.f32 v17, v21  }
0x167: {  	[tilespmem:s21+$0x1AB00] =	vst v8;
	v8 =	vmul.f32 v11, v60;
	v11 =	vmul.f32 v14, v19  }
0x168: {  	[tilespmem:s21+$0x1AB30] =	vst v9;
	v9 =	vmul.f32 v12, v61;
	v12 =	vmul.f32 v13, v23  }
0x169: {  	[tilespmem:s22+$0x1AB20] =	vst v8;
	v8 =	vmul.f32 v11, v10  }
0x16a: {  	[tilespmem:s22+$0x1AB10] =	vst v9;
	v9 =	vmul.f32 v12, v46  }
0x16b: {  	[tilespmem:s22+$0x1AB00] =	vst v8  }
0x16c: {  	[tilespmem:s22+$0x1AB30] =	vst v9  }
0x16d: {  	_ =	swait.ge [sflag:s0], $0x400  }
0x16e: {  	[sflag:s0] =	ssyncset.done $0x0  }
0x16f: {  	s1 =	simm.s32 $0x1AB00;
	[sflag:s0] =	ssyncadd.s32 $0xFFFFFC00  }
0x170: {  	[spmem:s2] =	stream.indirect.scatter.add.f32 [tilespmem:s1], [sflag:$0x5], $0x1, s14, s15, $0xb8;
	[tilespmem:$0x1D3C0] =	vst v63  }
0x171: {  	s13 =	simm.s32 $0x1B380;
	s4 =	simm.s32 $0x1AC00  }
0x172: {  	[spmem:s2] =	stream.indirect.scatter.add.f32 [tilespmem:s4], [sflag:$0x6], $0x1, s13, s15, $0xb8;
	[tilespmem:$0x1D3C0] =	vst v63  }
0x173: {  	s21 =	simm.s32 $0x1B400;
	s22 =	simm.s32 $0x1AD00  }
0x174: {  	[spmem:s2] =	stream.indirect.scatter.add.f32 [tilespmem:s22], [sflag:$0x7], $0x1, s21, s15, $0xb8;
	[tilespmem:$0x1D3C0] =	vst v63  }
0x175: {  	s23 =	simm.s32 $0x1B480;
	s25 =	simm.s32 $0x1AE00  }
0x176: {  	[spmem:s2] =	stream.indirect.scatter.add.f32 [tilespmem:s25], [sflag:$0x8], $0x1, s23, s15, $0xb8;
	[tilespmem:$0x1D3C0] =	vst v63  }
0x177: {  	s5 =	simm.s32 $0x1AF00;
	s4 =	simm.s32 $0x1B500  }
0x178: {  	[spmem:s2] =	stream.indirect.scatter.add.f32 [tilespmem:s5], [sflag:$0x9], $0x1, s4, s15, $0xb8;
	[tilespmem:$0x1D3C0] =	vst v63  }
0x179: {  	s6 =	simm.s32 $0x1B580;
	s7 =	simm.s32 $0x1B000;
	s23 =	rddreg [dreg:$0x13]  }
0x17a: {  	[spmem:s2] =	stream.indirect.scatter.add.f32 [tilespmem:s7], [sflag:$0xA], $0x1, s6, s15, $0xb8;
	[tilespmem:$0x1D3C0] =	vst v63  }
0x17b: {  	s12 =	simm.s32 $0x1B600;
	s13 =	simm.s32 $0x1B100;
	s1 =	sadd.s32 s20, s23  }
0x17c: {  	[spmem:s2] =	stream.indirect.scatter.add.f32 [tilespmem:s13], [sflag:$0xB], $0x1, s12, s15, $0xb8;
	[tilespmem:$0x1D3C0] =	vst v63  }
0x17d: {  	s21 =	simm.s32 $0x1B680;
	s22 =	simm.s32 $0x1B200;
	s1 =	sshrl.u32 s1, $0x3  }
0x17e: {  	[spmem:s2] =	stream.indirect.scatter.add.f32 [tilespmem:s22], [sflag:$0xC], $0x1, s21, s15, $0xb8;
	[tilespmem:$0x1D3C0] =	vst v63  }
0x17f: {  	s5 =	simm.s32 $0x18B00;
	s4 =	sadd.s32 s8, s1  }
0x180: {  	[tilespmem:s5], [sflag:$0x1] =	stream.linear.gather [hbm4b:s4+s3], $0x80, $0x38;
	[tilespmem:$0x1D3C0] =	vst v63  }
0x181: {  	s25 =	sadd.s32 $0x10, s4;
	s6 =	simm.s32 $0x18C00  }
0x182: {  	[tilespmem:s6], [sflag:$0x1] =	stream.linear.gather [hbm4b:s25+s3], $0x80, $0x38;
	[tilespmem:$0x1D3C0] =	vst v63  }
0x183: {  	s7 =	simm.s32 $0x18D00;
	s6 =	sadd.s32 $0x20, s4  }
0x184: {  	[tilespmem:s7], [sflag:$0x1] =	stream.linear.gather [hbm4b:s6+s3], $0x80, $0x38;
	[tilespmem:$0x1D3C0] =	vst v63  }
0x185: {  	s12 =	sadd.s32 $0x30, s4;
	s13 =	simm.s32 $0x18E00  }
0x186: {  	[tilespmem:s13], [sflag:$0x1] =	stream.linear.gather [hbm4b:s12+s3], $0x80, $0x38;
	[tilespmem:$0x1D3C0] =	vst v63  }
0x187: {  	s21 =	sadd.s32 $0x40, s4;
	s22 =	simm.s32 $0x18F00  }
0x188: {  	[tilespmem:s22], [sflag:$0x1] =	stream.linear.gather [hbm4b:s21+s3], $0x80, $0x38;
	[tilespmem:$0x1D3C0] =	vst v63  }
0x189: {  	s23 =	sadd.s32 $0x50, s4;
	s25 =	simm.s32 $0x19000  }
0x18a: {  	[tilespmem:s25], [sflag:$0x1] =	stream.linear.gather [hbm4b:s23+s3], $0x80, $0x38;
	[tilespmem:$0x1D3C0] =	vst v63  }
0x18b: {  	s6 =	sadd.s32 $0x60, s4;
	s7 =	simm.s32 $0x19100  }
0x18c: {  	[tilespmem:s7], [sflag:$0x1] =	stream.linear.gather [hbm4b:s6+s3], $0x80, $0x38;
	[tilespmem:$0x1D3C0] =	vst v63  }
0x18d: {  	s4 =	sadd.s32 $0x70, s4;
	s12 =	simm.s32 $0x19200  }
0x18e: {  	[tilespmem:s12], [sflag:$0x1] =	stream.linear.gather [hbm4b:s4+s3], $0x80, $0x38;
	[tilespmem:$0x1D3C0] =	vst v63  }
0x18f: {  	s13 =	simm.s32 $0x19300;
	s4 =	sadd.s32 s9, s1  }
0x190: {  	[tilespmem:s13], [sflag:$0x1] =	stream.linear.gather [hbm4b:s4+s3], $0x80, $0x38;
	[tilespmem:$0x1D3C0] =	vst v63  }
0x191: {  	s22 =	simm.s32 $0x19400;
	s21 =	sadd.s32 $0x10, s4  }
0x192: {  	[tilespmem:s22], [sflag:$0x1] =	stream.linear.gather [hbm4b:s21+s3], $0x80, $0x38;
	[tilespmem:$0x1D3C0] =	vst v63  }
0x193: {  	s25 =	simm.s32 $0x19500;
	s23 =	sadd.s32 $0x20, s4  }
0x194: {  	[tilespmem:s25], [sflag:$0x1] =	stream.linear.gather [hbm4b:s23+s3], $0x80, $0x38;
	[tilespmem:$0x1D3C0] =	vst v63  }
0x195: {  	s7 =	simm.s32 $0x19600;
	s6 =	sadd.s32 $0x30, s4  }
0x196: {  	[tilespmem:s7], [sflag:$0x1] =	stream.linear.gather [hbm4b:s6+s3], $0x80, $0x38;
	[tilespmem:$0x1D3C0] =	vst v63  }
0x197: {  	s12 =	sadd.s32 $0x40, s4;
	s13 =	simm.s32 $0x19700  }
0x198: {  	[tilespmem:s13], [sflag:$0x1] =	stream.linear.gather [hbm4b:s12+s3], $0x80, $0x38;
	[tilespmem:$0x1D3C0] =	vst v63  }
0x199: {  	s21 =	sadd.s32 $0x50, s4;
	s22 =	simm.s32 $0x19800  }
0x19a: {  	[tilespmem:s22], [sflag:$0x1] =	stream.linear.gather [hbm4b:s21+s3], $0x80, $0x38;
	[tilespmem:$0x1D3C0] =	vst v63  }
0x19b: {  	s23 =	sadd.s32 $0x60, s4;
	s25 =	simm.s32 $0x19900  }
0x19c: {  	[tilespmem:s25], [sflag:$0x1] =	stream.linear.gather [hbm4b:s23+s3], $0x80, $0x38;
	[tilespmem:$0x1D3C0] =	vst v63  }
0x19d: {  	s4 =	sadd.s32 $0x70, s4;
	s6 =	simm.s32 $0x19A00  }
0x19e: {  	[tilespmem:s6], [sflag:$0x1] =	stream.linear.gather [hbm4b:s4+s3], $0x80, $0x38;
	[tilespmem:$0x1D3C0] =	vst v63  }
0x19f: {  	s7 =	simm.s32 $0x19B00;
	s4 =	sadd.s32 s10, s1  }
0x1a0: {  	[tilespmem:s7], [sflag:$0x1] =	stream.linear.gather [hbm4b:s4+s3], $0x80, $0x38;
	[tilespmem:$0x1D3C0] =	vst v63  }
0x1a1: {  	s13 =	simm.s32 $0x19C00;
	s12 =	sadd.s32 $0x10, s4  }
0x1a2: {  	[tilespmem:s13], [sflag:$0x1] =	stream.linear.gather [hbm4b:s12+s3], $0x80, $0x38;
	[tilespmem:$0x1D3C0] =	vst v63  }
0x1a3: {  	s22 =	simm.s32 $0x19D00;
	s21 =	sadd.s32 $0x20, s4  }
0x1a4: {  	[tilespmem:s22], [sflag:$0x1] =	stream.linear.gather [hbm4b:s21+s3], $0x80, $0x38;
	[tilespmem:$0x1D3C0] =	vst v63  }
0x1a5: {  	s25 =	simm.s32 $0x19E00;
	s23 =	sadd.s32 $0x30, s4  }
0x1a6: {  	[tilespmem:s25], [sflag:$0x1] =	stream.linear.gather [hbm4b:s23+s3], $0x80, $0x38;
	[tilespmem:$0x1D3C0] =	vst v63  }
0x1a7: {  	s7 =	sadd.s32 $0x40, s4;
	s12 =	simm.s32 $0x19F00  }
0x1a8: {  	[tilespmem:s12], [sflag:$0x1] =	stream.linear.gather [hbm4b:s7+s3], $0x80, $0x38;
	[tilespmem:$0x1D3C0] =	vst v63  }
0x1a9: {  	s13 =	sadd.s32 $0x50, s4;
	s21 =	simm.s32 $0x1A000  }
0x1aa: {  	[tilespmem:s21], [sflag:$0x1] =	stream.linear.gather [hbm4b:s13+s3], $0x80, $0x38;
	[tilespmem:$0x1D3C0] =	vst v63  }
0x1ab: {  	s22 =	sadd.s32 $0x60, s4;
	s23 =	simm.s32 $0x1A100  }
0x1ac: {  	[tilespmem:s23], [sflag:$0x1] =	stream.linear.gather [hbm4b:s22+s3], $0x80, $0x38;
	[tilespmem:$0x1D3C0] =	vst v63  }
0x1ad: {  	s4 =	sadd.s32 $0x70, s4;
	s25 =	simm.s32 $0x1A200  }
0x1ae: {  	[tilespmem:s25], [sflag:$0x1] =	stream.linear.gather [hbm4b:s4+s3], $0x80, $0x38;
	[tilespmem:$0x1D3C0] =	vst v63  }
0x1af: {  	s5 =	simm.s32 $0x1A300;
	s1 =	sadd.s32 s11, s1  }
0x1b0: {  	[tilespmem:s5], [sflag:$0x1] =	stream.linear.gather [hbm4b:s1+s3], $0x80, $0x38;
	[tilespmem:$0x1D3C0] =	vst v63  }
0x1b1: {  	s6 =	sadd.s32 $0x10, s1;
	s7 =	simm.s32 $0x1A400  }
0x1b2: {  	[tilespmem:s7], [sflag:$0x1] =	stream.linear.gather [hbm4b:s6+s3], $0x80, $0x38;
	[tilespmem:$0x1D3C0] =	vst v63  }
0x1b3: {  	s12 =	sadd.s32 $0x20, s1;
	s13 =	simm.s32 $0x1A500  }
0x1b4: {  	[tilespmem:s13], [sflag:$0x1] =	stream.linear.gather [hbm4b:s12+s3], $0x80, $0x38;
	[tilespmem:$0x1D3C0] =	vst v63  }
0x1b5: {  	s21 =	sadd.s32 $0x30, s1;
	s22 =	simm.s32 $0x1A600  }
0x1b6: {  	[tilespmem:s22], [sflag:$0x1] =	stream.linear.gather [hbm4b:s21+s3], $0x80, $0x38;
	[tilespmem:$0x1D3C0] =	vst v63  }
0x1b7: {  	s23 =	sadd.s32 $0x40, s1;
	s25 =	simm.s32 $0x1A700  }
0x1b8: {  	[tilespmem:s25], [sflag:$0x1] =	stream.linear.gather [hbm4b:s23+s3], $0x80, $0x38;
	[tilespmem:$0x1D3C0] =	vst v63  }
0x1b9: {  	s5 =	sadd.s32 $0x50, s1;
	s6 =	simm.s32 $0x1A800  }
0x1ba: {  	[tilespmem:s6], [sflag:$0x1] =	stream.linear.gather [hbm4b:s5+s3], $0x80, $0x38;
	[tilespmem:$0x1D3C0] =	vst v63  }
0x1bb: {  	s7 =	sadd.s32 $0x60, s1;
	s12 =	simm.s32 $0x1A900  }
0x1bc: {  	[tilespmem:s12], [sflag:$0x1] =	stream.linear.gather [hbm4b:s7+s3], $0x80, $0x38;
	[tilespmem:$0x1D3C0] =	vst v63  }
0x1bd: {  	s1 =	sadd.s32 $0x70, s1;
	s13 =	simm.s32 $0x1AA00  }
0x1be: {  	[tilespmem:s13], [sflag:$0x1] =	stream.linear.gather [hbm4b:s1+s3], $0x80, $0x38;
	[tilespmem:$0x1D3C0] =	vst v63  }
0x1bf: {  	_ =	swait.ge [sflag:s16], $0x400  }
0x1c0: {  	[sflag:s16] =	ssyncset.done $0x0  }
0x1c1: {  	[sflag:s16] =	ssyncadd.s32 $0xFFFFFC00  }
0x1c2: {  	_ =	swait.ge [sflag:s16], $0x400  }
0x1c3: {  	[sflag:s16] =	ssyncset.done $0x0  }
0x1c4: {  	[sflag:s16] =	ssyncadd.s32 $0xFFFFFC00  }
0x1c5: {  	_ =	swait.ge [sflag:s16], $0x400  }
0x1c6: {  	[sflag:s16] =	ssyncset.done $0x0  }
0x1c7: {  	[sflag:s16] =	ssyncadd.s32 $0xFFFFFC00  }
0x1c8: {  	_ =	swait.ge [sflag:s16], $0x400  }
0x1c9: {  	[sflag:s16] =	ssyncset.done $0x0  }
0x1ca: {  	s1 =	simm.s32 @!p0 $0xD;
	[sflag:s16] =	ssyncadd.s32 $0xFFFFFC00  }
0x1cb: {  	_ =	swait.ge @!p0 [sflag:s1], $0x80  }
0x1cc: {  	[sflag:s1] =	ssyncset.done @!p0 $0x0  }
0x1cd: {  	[sflag:s1] =	ssyncadd.s32 @!p0 $0xFFFFFF80;
	s1 =	simm.s32 @!p0 $0xE  }
0x1ce: {  	_ =	swait.ge @!p0 [sflag:s1], $0x80  }
0x1cf: {  	[sflag:s1] =	ssyncset.done @!p0 $0x0  }
0x1d0: {  	[sflag:s1] =	ssyncadd.s32 @!p0 $0xFFFFFF80;
	s1 =	simm.s32 @!p0 $0xF  }
0x1d1: {  	_ =	swait.ge @!p0 [sflag:s1], $0x80  }
0x1d2: {  	[sflag:s1] =	ssyncset.done @!p0 $0x0  }
0x1d3: {  	[sflag:s1] =	ssyncadd.s32 @!p0 $0xFFFFFF80;
	s1 =	simm.s32 @!p0 $0x10  }
0x1d4: {  	_ =	swait.ge @!p0 [sflag:s1], $0x80  }
0x1d5: {  	[sflag:s1] =	ssyncset.done @!p0 $0x0  }
0x1d6: {  	[sflag:s1] =	ssyncadd.s32 @!p0 $0xFFFFFF80;
	s1 =	simm.s32 @!p0 $0x11  }
0x1d7: {  	_ =	swait.ge @!p0 [sflag:s1], $0x80  }
0x1d8: {  	[sflag:s1] =	ssyncset.done @!p0 $0x0  }
0x1d9: {  	[sflag:s1] =	ssyncadd.s32 @!p0 $0xFFFFFF80;
	s1 =	simm.s32 @!p0 $0x12  }
0x1da: {  	_ =	swait.ge @!p0 [sflag:s1], $0x80  }
0x1db: {  	[sflag:s1] =	ssyncset.done @!p0 $0x0  }
0x1dc: {  	[sflag:s1] =	ssyncadd.s32 @!p0 $0xFFFFFF80;
	s1 =	simm.s32 @!p0 $0x13  }
0x1dd: {  	_ =	swait.ge @!p0 [sflag:s1], $0x80  }
0x1de: {  	[sflag:s1] =	ssyncset.done @!p0 $0x0  }
0x1df: {  	[sflag:s1] =	ssyncadd.s32 @!p0 $0xFFFFFF80;
	s1 =	simm.s32 @!p0 $0x14  }
0x1e0: {  	_ =	swait.ge @!p0 [sflag:s1], $0x80  }
0x1e1: {  	s21 =	sshll.u32 s19, $0x8;
	[sflag:s1] =	ssyncset.done @!p0 $0x0;
	s22 =	rddreg [dreg:$0x12]  }
0x1e2: {  	s23 =	simm.s32 $0x0;
	[sflag:s1] =	ssyncadd.s32 @!p0 $0xFFFFFF80;
	s1 =	sadd.s32 s22, s21  }
0x1e3: {  	[tilespmem:s17], [sflag:$0x4] =	stream.linear.gather [hbm4b:s1+s23], $0x400, $0x38;
	[tilespmem:$0x1D3C0] =	vst v63  }
0x1e4: {  	p0 =	por $0x0, $0x0;
	s1 =	simm.s32 $0x1  }
0x1e5: {  	s1 =	simm.s32 @!p0 $0x0  }
0x1e6: {  	s1 =	sshll.u32 s1, $0x6  }
0x1e7: {  	s1 =	sadd.s32 $0x0, s1  }
0x1e8: {  	s22 =	sor.u32 $0x90, s1  }
0x1e9: {  	s21 =	sor.u32 $0x80, s1;
	v8 =	vld [tilespmem:s22+$0x19B00]  }
0x1ea: {  	v9 =	vld [tilespmem:s21+$0x19B00]  }
0x1eb: {  	v11 =	vld [tilespmem:s22+$0x19300]  }
0x1ec: {  	v12 =	vld [tilespmem:s21+$0x19300]  }
0x1ed: {  	v13 =	vld [tilespmem:s22+$0x18B00]  }
0x1ee: {  	s7 =	sor.u32 $0xB0, s1;
	v14 =	vld [tilespmem:s21+$0x18B00]  }
0x1ef: {  	v15 =	vld [tilespmem:s7+$0x19300]  }
0x1f0: {  	s29 =	sor.u32 $0xA0, s1;
	v16 =	vld [tilespmem:s7+$0x18B00]  }
0x1f1: {  	v10 =	vld [tilespmem:s29+$0x19300]  }
0x1f2: {  	v17 =	vld [tilespmem:s29+$0x18B00]  }
0x1f3: {  	v19 =	vld.idx.msk [tilespmem:v11+s30+$0x0], $0xffff  }
0x1f4: {  	v20 =	vld.idx.msk [tilespmem:v12+s30+$0x0], $0xffff  }
0x1f5: {  	v21 =	vld.idx.msk [tilespmem:v13+s30+$0x0], $0xffff  }
0x1f6: {  	v22 =	vld.idx.msk [tilespmem:v14+s30+$0x0], $0xffff  }
0x1f7: {  	v23 =	vld.idx.msk [tilespmem:v15+s30+$0x0], $0xffff  }
0x1f8: {  	v24 =	vld.idx.msk [tilespmem:v16+s30+$0x0], $0xffff  }
0x1f9: {  	v26 =	vld [tilespmem:s7+$0x19B00]  }
0x1fa: {  	v18 =	vld.idx.msk [tilespmem:v10+s30+$0x0], $0xffff  }
0x1fb: {  	v25 =	vld.idx.msk [tilespmem:v17+s30+$0x0], $0xffff  }
0x1fc: {  	v19 =	vadd.f32 v19, v21  }
0x1fd: {  	(erf) = vrcp.f32 v9;
	v21 =	vld [tilespmem:s29+$0x19B00];
	v20 =	vadd.f32 v20, v22;
	v22 =	vadd.f32 v23, v24  }
0x1fe: {  	(erf) = vrcp.f32 v8;
	v19 =	vmul.f32 v19, v8  }
0x1ff: {  	v20 =	vmul.f32 v20, v9;
	v9 =	vmul.f32 v22, v26  }
0x200: {  	(erf) = vrcp.f32 v26;
	v28 =	vld.idx.msk [tilespmem:v13+s3+$0x0], $0xffff;
	v18 =	vadd.f32 v18, v25;
	v23 =	vmul.f32 v19, v5  }
0x201: {  	v22 =	vld.idx.msk [tilespmem:v16+s3+$0x0], $0xffff;
	v16 =	vmul.f32 v20, v4;
	v26 =	vmul.f32 v9, v5  }
0x202: {  	p0 =	por !p0, !p0;
	s1 =	simm.s32 $0x1;
	v25 =	vld.idx.msk [tilespmem:v12+s3+$0x0], $0xffff;
	v8 =	vmul.f32 v9, v4;
	v18 =	vmul.f32 v18, v21;
	v23 =	vadd.f32 v23, v1  }
0x203: {  	s1 =	simm.s32 @!p0 $0x0;
	v16 =	vadd.f32 v16, v0;
	v13 =	vadd.f32 v26, v1;
	v26 =	vld.idx.msk [tilespmem:v10+s3+$0x0], $0xffff;
	v10 =	vmul.f32 v19, v6  }
0x204: {  	s1 =	sshll.u32 s1, $0x6;
	v8 =	vadd.f32 v8, v0;
	v12 =	vmul.f32 $1.442695020e+00, v23;
	v23 =	vld.idx.msk [tilespmem:v11+s3+$0x0], $0xffff;
	v11 =	vmul.f32 v9, v6  }
0x205: {  	s25 =	sadd.s32 $0x80, s1;
	v27 =	vld.idx.msk [tilespmem:v14+s3+$0x0], $0xffff;
	v14 =	vmul.f32 $1.442695020e+00, v16;
	v9 =	vmul.f32 v9, v7  }
0x206: {  	s1 =	sor.u32 $0x80, s25;
	v8 =	vmul.f32 $1.442695020e+00, v8;
	(erf) = vpow2.f32 v12  }
0x207: {  	s4 =	sor.u32 $0x90, s25;
	v31 =	vld [tilespmem:s1+$0x19B00];
	v10 =	vadd.f32 v10, v2;
	v12 =	vmul.f32 $1.442695020e+00, v13;
	(erf) = vrcp.f32 v21  }
0x208: {  	v38 =	vld [tilespmem:s4+$0x19300];
	v11 =	vadd.f32 v11, v2;
	v13 =	vmul.f32 v20, v5;
	(erf) = vpow2.f32 v14  }
0x209: {  	v29 =	vld.idx.msk [tilespmem:v15+s3+$0x0], $0xffff;
	v15 =	vmul.f32 $1.442695020e+00, v10;
	(erf) = vpow2.f32 v8  }
0x20a: {  	v39 =	vld [tilespmem:s1+$0x19300];
	v9 =	vadd.f32 v9, v3;
	v11 =	vmul.f32 $1.442695020e+00, v11;
	(erf) = vpow2.f32 v12  }
0x20b: {  	v21 =	vld.idx.msk [tilespmem:v17+s3+$0x0], $0xffff;
	v17 =	vmul.f32 v18, v6;
	v14 =	vmul.f32 v20, v6  }
0x20c: {  	v30 =	vld [tilespmem:s4+$0x19B00];
	v9 =	vmul.f32 $1.442695020e+00, v9;
	v8 =	vpop (erf);
	(erf) = vpow2.f32 v11;
	v11 =	vadd.f32 v13, v1  }
0x20d: {  	v43 =	vld [tilespmem:s1+$0x18B00];
	v10 =	vpop (erf);
	v13 =	vadd.f32 v14, v2;
	(erf) = vpow2.f32 v15  }
0x20e: {  	s31 =	sor.u32 $0xA0, s25;
	v59 =	vadd.f32 v17, v2;
	v17 =	vld [tilespmem:s4+$0x18B00];
	v32 =	vpop (erf);
	(erf) = vpow2.f32 v9;
	v11 =	vmul.f32 $1.442695020e+00, v11  }
0x20f: {  	v62 =	vmul.f32 v19, v4;
	v12 =	vld [tilespmem:s31+$0x19300];
	v13 =	vmul.f32 $1.442695020e+00, v13;
	v14 =	vpop (erf)  }
0x210: {  	s5 =	sor.u32 $0xB0, s25;
	v58 =	vmul.f32 v18, v4;
	v15 =	vld [tilespmem:s31+$0x18B00];
	(erf) = vrcp.f32 v31;
	v9 =	vpop (erf)  }
0x211: {  	v63 =	vld [tilespmem:s5+$0x18B00];
	v60 =	vmul.f32 v18, v5;
	(erf) = vpow2.f32 v13;
	v61 =	vpop (erf)  }
0x212: {  	v52 =	vld.idx.msk [tilespmem:v38+s30+$0x0], $0xffff;
	v13 =	vmul.f32 v20, v7;
	v20 =	vadd.f32 v58, v0;
	(erf) = vpow2.f32 v11;
	v11 =	vpop (erf)  }
0x213: {  	v53 =	vld.idx.msk [tilespmem:v39+s30+$0x0], $0xffff;
	v33 =	vadd.f32 v62, v0;
	v19 =	vmul.f32 v19, v7;
	v50 =	vmul.f32 v18, v7;
	v48 =	vpop (erf)  }
0x214: {  	v35 =	vadd.f32 v60, v1;
	v49 =	vmul.f32 $1.442695020e+00, v20;
	v20 =	vld [tilespmem:s5+$0x19300];
	v11 =	vadd.f32 v48, v11  }
0x215: {  	v24 =	vld [tilespmem:s7+$0x1A300];
	v22 =	vmul.f32 v29, v22;
	v29 =	vmul.f32 $1.442695020e+00, v33;
	v13 =	vadd.f32 v13, v3;
	v18 =	vpop (erf)  }
0x216: {  	v19 =	vadd.f32 v19, v3;
	v35 =	vmul.f32 $1.442695020e+00, v35;
	v57 =	vld.idx.msk [tilespmem:v17+s30+$0x0], $0xffff;
	v11 =	vadd.f32 v11, v18;
	v18 =	vpop (erf)  }
0x217: {  	v51 =	vld.idx.msk [tilespmem:v12+s30+$0x0], $0xffff;
	v13 =	vmul.f32 $1.442695020e+00, v13;
	(erf) = vpow2.f32 v49;
	v54 =	vpop (erf)  }
0x218: {  	v60 =	vmul.f32 $1.442695020e+00, v19;
	v55 =	vld.idx.msk [tilespmem:v15+s30+$0x0], $0xffff;
	(erf) = vpow2.f32 v35;
	v44 =	vadd.f32 v11, v54  }
0x219: {  	v37 =	vadd.f32 v50, v3;
	(erf) = vpow2.f32 v13;
	v13 =	vmul.f32 v26, v21;
	v26 =	vld.idx.msk [tilespmem:v43+s30+$0x0], $0xffff  }
0x21a: {  	v16 =	vld [tilespmem:s31+$0x19B00];
	v34 =	vmul.f32 $1.442695020e+00, v59;
	v22 =	vmul.f32 v44, v22  }
0x21b: {  	v56 =	vmul.f32 $1.442695020e+00, v37;
	v59 =	vld [tilespmem:s5+$0x19B00];
	v21 =	vmul.f32 v23, v28;
	v11 =	vpop (erf)  }
0x21c: {  	v28 =	vadd.f32 v52, v57;
	(erf) = vpow2.f32 v34;
	v58 =	vpop (erf);
	v23 =	vmul.f32 v22, v24;
	v24 =	vld.idx.msk [tilespmem:v20+s30+$0x0], $0xffff  }
0x21d: {  	(erf) = vpow2.f32 v56;
	v19 =	vpop (erf);
	v22 =	vmul.f32 v25, v27;
	v25 =	vadd.f32 v51, v55;
	v27 =	vld.idx.msk [tilespmem:v63+s30+$0x0], $0xffff  }
0x21e: {  	v19 =	vadd.f32 v19, v61;
	v61 =	vmul.f32 v23, v32;
	v23 =	vadd.f32 v53, v26  }
0x21f: {  	v33 =	vmul.f32 v28, v30;
	(erf) = vpow2.f32 v29  }
0x220: {  	v26 =	vpop (erf);
	v37 =	vmul.f32 v25, v16;
	(erf) = vrcp.f32 v30  }
0x221: {  	v29 =	vadd.f32 v19, v58;
	v25 =	vpop (erf);
	v40 =	vmul.f32 v23, v31;
	(erf) = vrcp.f32 v59  }
0x222: {  	v50 =	vadd.f32 v25, v26;
	v24 =	vadd.f32 v24, v27;
	v27 =	vmul.f32 v33, v4;
	v23 =	vpop (erf)  }
0x223: {  	v34 =	vld [tilespmem:s22+$0x1A300];
	v25 =	vmul.f32 v37, v6;
	v32 =	vadd.f32 v29, v23;
	v23 =	vmul.f32 v40, v4  }
0x224: {  	v30 =	vld.idx.msk [tilespmem:v38+s3+$0x0], $0xffff;
	v28 =	vmul.f32 v40, v5;
	v27 =	vadd.f32 v27, v0;
	v48 =	vmul.f32 v24, v59  }
0x225: {  	v19 =	vld.idx.msk [tilespmem:v63+s3+$0x0], $0xffff;
	(erf) = vpow2.f32 v60;
	v42 =	vadd.f32 v23, v0;
	v23 =	vmul.f32 v33, v5  }
0x226: {  	v26 =	vld [tilespmem:s21+$0x1A300];
	v29 =	vadd.f32 v25, v2;
	v51 =	vpop (erf);
	v31 =	vmul.f32 $1.442695020e+00, v27;
	v27 =	vmul.f32 v48, v4  }
0x227: {  	v45 =	vmul.f32 v37, v5;
	v47 =	vmul.f32 v40, v6;
	v25 =	vld [tilespmem:s29+$0x1A300];
	v36 =	vpop (erf)  }
0x228: {  	v63 =	vadd.f32 v28, v1;
	v35 =	vmul.f32 $1.442695020e+00, v29;
	v62 =	vadd.f32 v23, v1;
	v23 =	vld.idx.msk [tilespmem:v39+s3+$0x0], $0xffff;
	v39 =	vpop (erf)  }
0x229: {  	v24 =	vld [tilespmem:s5+$0x1A300];
	v38 =	vadd.f32 v50, v51;
	v44 =	vmul.f32 v48, v6;
	v49 =	vmul.f32 v48, v5;
	v28 =	vpop (erf)  }
0x22a: {  	s6 =	simm.s32 $0x40;
	p0 =	por !p0, !p0;
	[tilespmem:s7+$0x1AB00] =	vst v61;
	s7 =	simm.s32 $0x80;
	v29 =	vld.idx.msk [tilespmem:v43+s3+$0x0], $0xffff;
	v46 =	vmul.f32 $1.442695020e+00, v63;
	v43 =	vadd.f32 v27, v0;
	v41 =	vmul.f32 $1.442695020e+00, v62;
	v27 =	vpop (erf)  }
.LBB2_5:
0x22b: {  	s12 =	simm.s32 $0x1  }
0x22c: {  	s6 =	sadd.s32 $0x40, s6;
	v42 =	vmul.f32 $1.442695020e+00, v42;
	v50 =	vld.idx.msk [tilespmem:v17+s3+$0x0], $0xffff;
	v17 =	vadd.f32 v44, v2;
	v44 =	vmul.f32 v48, v7;
	s12 =	simm.s32 @!p0 $0x0  }
0x22d: {  	s7 =	sadd.s32 $0x80, s7;
	p1 =	slt.u32 s6, $0x3C0;
	s12 =	sshll.u32 s12, $0x6;
	v48 =	vld.idx.msk [tilespmem:v12+s3+$0x0], $0xffff;
	v12 =	vmul.f32 $1.442695020e+00, v43;
	v43 =	vadd.f32 v49, v1;
	(erf) = vpow2.f32 v41  }
0x22e: {  	v41 =	vmul.f32 v33, v6;
	v44 =	vadd.f32 v44, v3;
	s23 =	sadd.s32 s12, s7;
	v15 =	vld.idx.msk [tilespmem:v15+s3+$0x0], $0xffff;
	(erf) = vrcp.f32 v16;
	v49 =	vpop (erf)  }
0x22f: {  	s13 =	sor.u32 $0x80, s23;
	s25 =	sor.u32 $0x90, s23;
	s12 =	sor.u32 $0xA0, s23;
	v51 =	vld.idx.msk [tilespmem:v20+s3+$0x0], $0xffff;
	v16 =	vmul.f32 $1.442695020e+00, v43;
	(erf) = vpow2.f32 v42;
	v20 =	vadd.f32 v14, v39  }
0x230: {  	v17 =	vmul.f32 $1.442695020e+00, v17;
	s23 =	sor.u32 $0xB0, s23;
	v14 =	vadd.f32 v41, v2;
	v42 =	vld [tilespmem:s25+$0x19B00];
	(erf) = vpow2.f32 v12  }
0x231: {  	v12 =	vmul.f32 v40, v7;
	v39 =	vld [tilespmem:s23+$0x19B00];
	(erf) = vpow2.f32 v16  }
0x232: {  	v45 =	vadd.f32 v45, v1;
	v43 =	vmul.f32 v37, v4;
	v14 =	vmul.f32 $1.442695020e+00, v14;
	v40 =	vld [tilespmem:s13+$0x19B00]  }
0x233: {  	v44 =	vmul.f32 $1.442695020e+00, v44;
	v52 =	vadd.f32 v12, v3;
	v16 =	vld [tilespmem:s12+$0x19B00];
	(erf) = vpow2.f32 v17  }
0x234: {  	v17 =	vadd.f32 v47, v2;
	v47 =	vmul.f32 v48, v15;
	v12 =	vld [tilespmem:s12+$0x19300];
	(erf) = vpow2.f32 v14  }
0x235: {  	v43 =	vadd.f32 v43, v0;
	v48 =	vmul.f32 $1.442695020e+00, v52;
	v41 =	vld [tilespmem:s25+$0x19300];
	(erf) = vpow2.f32 v44  }
0x236: {  	v37 =	vmul.f32 v37, v7;
	v18 =	vadd.f32 v20, v18;
	v17 =	vmul.f32 $1.442695020e+00, v17;
	v44 =	vld [tilespmem:s13+$0x19300];
	v14 =	vpop (erf)  }
0x237: {  	v20 =	vmul.f32 $1.442695020e+00, v43;
	v15 =	vld [tilespmem:s12+$0x18B00];
	(erf) = vrcp.f32 v40;
	v52 =	vpop (erf)  }
0x238: {  	v45 =	vmul.f32 $1.442695020e+00, v45;
	v18 =	vadd.f32 v18, v49;
	v43 =	vld [tilespmem:s13+$0x18B00];
	v53 =	vpop (erf);
	(erf) = vpow2.f32 v17  }
0x239: {  	v22 =	vmul.f32 v32, v22;
	v37 =	vadd.f32 v37, v3;
	v17 =	vld [tilespmem:s25+$0x18B00];
	(erf) = vpow2.f32 v46;
	v46 =	vpop (erf)  }
0x23a: {  	v54 =	vmul.f32 v18, v21;
	v32 =	vld [tilespmem:s23+$0x18B00];
	(erf) = vpow2.f32 v20;
	v49 =	vpop (erf)  }
0x23b: {  	v36 =	vadd.f32 v38, v36;
	v20 =	vld [tilespmem:s23+$0x19300];
	v21 =	vadd.f32 v49, v46;
	(erf) = vpow2.f32 v45  }
0x23c: {  	v33 =	vmul.f32 v33, v7;
	v34 =	vmul.f32 v54, v34;
	v38 =	vld.idx.msk [tilespmem:v12+s30+$0x0], $0xffff;
	v45 =	vpop (erf)  }
0x23d: {  	v37 =	vmul.f32 $1.442695020e+00, v37;
	v54 =	vmul.f32 v36, v13;
	v46 =	vld.idx.msk [tilespmem:v41+s30+$0x0], $0xffff;
	v21 =	vadd.f32 v21, v45;
	v18 =	vpop (erf)  }
0x23e: {  	v33 =	vadd.f32 v33, v3;
	v55 =	vmul.f32 v34, v10;
	v36 =	vld.idx.msk [tilespmem:v44+s30+$0x0], $0xffff;
	(erf) = vpow2.f32 v48;
	v45 =	vpop (erf)  }
0x23f: {  	v19 =	vmul.f32 v51, v19;
	v25 =	vmul.f32 v54, v25;
	v34 =	vld.idx.msk [tilespmem:v15+s30+$0x0], $0xffff;
	v21 =	vadd.f32 v21, v45  }
0x240: {  	v22 =	vmul.f32 v22, v26;
	v13 =	vmov v47;
	v49 =	vmul.f32 $1.442695020e+00, v33;
	v45 =	vld.idx.msk [tilespmem:v43+s30+$0x0], $0xffff;
	v48 =	vpop (erf);
	[tilespmem:s22+$0x1AB00] =	vst v55;
	s22 =	smov.u32 s4;
	s4 =	smov.u32 s25  }
0x241: {  	v10 =	vmov v28;
	v26 =	vld.idx.msk [tilespmem:v17+s30+$0x0], $0xffff;
	v51 =	vmul.f32 v21, v19;
	v47 =	vpop (erf);
	(erf) = vpow2.f32 v35  }
0x242: {  	v25 =	vmul.f32 v25, v9;
	v9 =	vmov v52;
	v21 =	vmul.f32 v30, v50;
	v19 =	vld.idx.msk [tilespmem:v32+s3+$0x0], $0xffff;
	v28 =	vpop (erf)  }
0x243: {  	v35 =	vmul.f32 v22, v8;
	v30 =	vld.idx.msk [tilespmem:v20+s30+$0x0], $0xffff;
	v28 =	vadd.f32 v28, v53;
	v24 =	vmul.f32 v51, v24;
	v33 =	vpop (erf)  }
0x244: {  	v22 =	vmul.f32 v23, v29;
	v8 =	vmov v11;
	v50 =	vld.idx.msk [tilespmem:v32+s30+$0x0], $0xffff;
	v23 =	vpop (erf);
	(erf) = vpow2.f32 v37;
	[tilespmem:s29+$0x1AB00] =	vst v25;
	s29 =	smov.u32 s31;
	s31 =	smov.u32 s12  }
0x245: {  	v25 =	vadd.f32 v38, v34;
	v28 =	vadd.f32 v28, v47;
	v32 =	vmul.f32 v24, v27;
	[tilespmem:s21+$0x1AB00] =	vst v35;
	s21 =	smov.u32 s1;
	s1 =	smov.u32 s13  }
0x246: {  	v11 =	vmovc v48;
	v27 =	vadd.f32 v36, v45;
	v29 =	vadd.f32 v23, v33;
	(erf) = vpow2.f32 v31  }
0x247: {  	v23 =	vadd.f32 v46, v26;
	v37 =	vmul.f32 v25, v16;
	(erf) = vrcp.f32 v42;
	[tilespmem:s5+$0x1AB00] =	vst v32;
	v24 =	vpop (erf);
	s5 =	smov.u32 s23  }
0x248: {  	v40 =	vmul.f32 v27, v40;
	(erf) = vrcp.f32 v39;
	v32 =	vadd.f32 v28, v24  }
0x249: {  	v33 =	vmul.f32 v23, v42;
	v23 =	vmul.f32 v37, v6  }
0x24a: {  	v24 =	vmul.f32 v40, v4;
	v27 =	vmul.f32 v40, v5;
	v28 =	vadd.f32 v30, v50;
	v38 =	vpop (erf)  }
0x24b: {  	v30 =	vmul.f32 v33, v4;
	v23 =	vadd.f32 v23, v2;
	v25 =	vld [tilespmem:s29+$0x1A300];
	(erf) = vpow2.f32 v49  }
0x24c: {  	v45 =	vmul.f32 v37, v5;
	v42 =	vadd.f32 v24, v0;
	v24 =	vmul.f32 v33, v5;
	v26 =	vld [tilespmem:s21+$0x1A300]  }
.Ltmp1:
0x24d: {  	v47 =	vmul.f32 v40, v6;
	v48 =	vmul.f32 v28, v39;
	v30 =	vadd.f32 v30, v0;
	v34 =	vld [tilespmem:s22+$0x1A300];
	v36 =	vpop (erf);
	(pc) =	sbr.rel @p1 .LBB2_5-.Ltmp1, $4  }
0x24e: {  	v50 =	vadd.f32 v27, v1;
	v35 =	vmul.f32 $1.442695020e+00, v23;
	v46 =	vadd.f32 v24, v1;
	v24 =	vld [tilespmem:s5+$0x1A300]  }
0x24f: {  	v49 =	vmul.f32 v48, v4;
	v31 =	vmul.f32 $1.442695020e+00, v30;
	v23 =	vld.idx.msk [tilespmem:v44+s3+$0x0], $0xffff;
	v39 =	vpop (erf)  }
0x250: {  	v38 =	vadd.f32 v29, v38;
	v44 =	vmul.f32 v48, v6;
	v30 =	vld.idx.msk [tilespmem:v41+s3+$0x0], $0xffff;
	v41 =	vmul.f32 $1.442695020e+00, v46;
	v28 =	vpop (erf)  }
0x251: {  	p0 =	por !p0, !p0;
	v46 =	vmul.f32 $1.442695020e+00, v50;
	v29 =	vld.idx.msk [tilespmem:v43+s3+$0x0], $0xffff;
	v43 =	vadd.f32 v49, v0;
	v49 =	vmul.f32 v48, v5;
	v27 =	vpop (erf)  }
0x252: {  	v42 =	vmul.f32 $1.442695020e+00, v42;
	v48 =	vmul.f32 v48, v7  }
0x253: {  	(erf) = vpow2.f32 v41;
	v58 =	vmul.f32 v33, v6  }
0x254: {  	v40 =	vmul.f32 v40, v7;
	v63 =	vmul.f32 v37, v4;
	v49 =	vadd.f32 v49, v1  }
0x255: {  	v57 =	vadd.f32 v44, v2;
	v43 =	vmul.f32 $1.442695020e+00, v43;
	(erf) = vrcp.f32 v16  }
0x256: {  	(erf) = vpow2.f32 v42;
	v60 =	vadd.f32 v58, v2;
	v59 =	vmul.f32 $1.442695020e+00, v49  }
0x257: {  	v41 =	vmul.f32 $1.442695020e+00, v57;
	v61 =	vadd.f32 v48, v3;
	(erf) = vpow2.f32 v43  }
0x258: {  	v48 =	vadd.f32 v47, v2;
	v62 =	vmul.f32 $1.442695020e+00, v60;
	(erf) = vpow2.f32 v59  }
0x259: {  	v43 =	vmul.f32 $1.442695020e+00, v61;
	(erf) = vpow2.f32 v41  }
0x25a: {  	v49 =	vadd.f32 v63, v0;
	v50 =	vmul.f32 $1.442695020e+00, v48;
	(erf) = vpow2.f32 v62  }
0x25b: {  	v51 =	vadd.f32 v45, v1;
	v52 =	vmul.f32 v37, v7;
	(erf) = vpow2.f32 v43  }
0x25c: {  	v53 =	vpop (erf);
	v40 =	vadd.f32 v40, v3;
	v16 =	vmul.f32 $1.442695020e+00, v49;
	(erf) = vpow2.f32 v50  }
0x25d: {  	v42 =	vmul.f32 $1.442695020e+00, v51;
	v54 =	vpop (erf);
	(erf) = vpow2.f32 v46  }
0x25e: {  	v37 =	vadd.f32 v52, v3;
	v40 =	vmul.f32 $1.442695020e+00, v40;
	v44 =	vpop (erf);
	(erf) = vpow2.f32 v16  }
0x25f: {  	v55 =	vpop (erf);
	(erf) = vpow2.f32 v42  }
0x260: {  	v37 =	vmul.f32 $1.442695020e+00, v37;
	v56 =	vpop (erf);
	(erf) = vpow2.f32 v40  }
0x261: {  	v58 =	vmul.f32 v33, v7;
	v57 =	vpop (erf);
	(erf) = vpow2.f32 v35  }
0x262: {  	v59 =	vpop (erf);
	(erf) = vpow2.f32 v37  }
0x263: {  	v33 =	vadd.f32 v58, v3;
	v60 =	vpop (erf);
	(erf) = vpow2.f32 v31  }
0x264: {  	v61 =	vpop (erf)  }
0x265: {  	v14 =	vadd.f32 v14, v39;
	v62 =	vmul.f32 $1.442695020e+00, v33;
	v63 =	vpop (erf)  }
0x266: {  	v12 =	vld.idx.msk [tilespmem:v12+s3+$0x0], $0xffff;
	v45 =	vpop (erf)  }
0x267: {  	v15 =	vld.idx.msk [tilespmem:v15+s3+$0x0], $0xffff;
	v14 =	vadd.f32 v14, v18;
	(erf) = vpow2.f32 v62;
	v46 =	vpop (erf)  }
0x268: {  	v20 =	vld.idx.msk [tilespmem:v20+s3+$0x0], $0xffff;
	v36 =	vadd.f32 v38, v36;
	v47 =	vpop (erf)  }
0x269: {  	v14 =	vadd.f32 v14, v53;
	v48 =	vpop (erf)  }
0x26a: {  	v13 =	vmul.f32 v36, v13;
	v49 =	vpop (erf)  }
0x26b: {  	v17 =	vld.idx.msk [tilespmem:v17+s3+$0x0], $0xffff;
	v51 =	vmul.f32 v32, v22;
	v14 =	vmul.f32 v14, v21;
	v50 =	vpop (erf)  }
0x26c: {  	v13 =	vmul.f32 v13, v25;
	v12 =	vmul.f32 v12, v15;
	v40 =	vadd.f32 v57, v56;
	v53 =	vpop (erf)  }
0x26d: {  	v19 =	vmul.f32 v20, v19;
	v14 =	vmul.f32 v14, v34;
	v54 =	vadd.f32 v54, v53  }
0x26e: {  	v15 =	vmul.f32 v51, v26;
	v52 =	vadd.f32 v40, v59;
	v18 =	vadd.f32 v47, v46  }
0x26f: {  	v10 =	vmul.f32 v14, v10;
	v16 =	vadd.f32 v45, v55;
	v14 =	vadd.f32 v54, v60  }
0x270: {  	v17 =	vmul.f32 v30, v17;
	v22 =	vadd.f32 v52, v61;
	v55 =	vld [tilespmem:s4+$0x1A300];
	v18 =	vadd.f32 v18, v49;
	v56 =	vpop (erf)  }
0x271: {  	v9 =	vmul.f32 v13, v9;
	v57 =	vld [tilespmem:s31+$0x1A300];
	v16 =	vadd.f32 v16, v63;
	v14 =	vadd.f32 v14, v56  }
0x272: {  	v8 =	vmul.f32 v15, v8;
	v59 =	vld [tilespmem:s1+$0x1A300];
	v19 =	vmul.f32 v22, v19;
	v18 =	vadd.f32 v18, v50  }
0x273: {  	v16 =	vadd.f32 v16, v48;
	v60 =	vmul.f32 v23, v29;
	v14 =	vmul.f32 v14, v17  }
0x274: {  	v58 =	vmul.f32 v19, v24;
	v12 =	vmul.f32 v18, v12  }
0x275: {  	[tilespmem:s29+$0x1AB00] =	vst v9;
	v61 =	vmul.f32 v16, v60;
	v14 =	vmul.f32 v14, v55  }
0x276: {  	[tilespmem:s21+$0x1AB00] =	vst v8;
	v62 =	vmul.f32 v58, v27;
	v12 =	vmul.f32 v12, v57  }
0x277: {  	[tilespmem:s22+$0x1AB00] =	vst v10;
	v10 =	vmul.f32 v61, v59;
	v8 =	vmul.f32 v14, v28  }
0x278: {  	[tilespmem:s5+$0x1AB00] =	vst v62;
	v63 =	vmul.f32 v12, v44  }
0x279: {  	[tilespmem:s4+$0x1AB00] =	vst v8;
	v8 =	vmul.f32 v10, v11  }
0x27a: {  	[tilespmem:s31+$0x1AB00] =	vst v63  }
0x27b: {  	[tilespmem:s1+$0x1AB00] =	vst v8  }
0x27c: {  	_ =	swait.ge [sflag:s18], $0x400  }
0x27d: {  	[sflag:s18] =	ssyncset.done $0x0  }
0x27e: {  	s13 =	simm.s32 $0x1AB80;
	[sflag:s18] =	ssyncadd.s32 $0xFFFFFC00  }
0x27f: {  	[spmem:s2] =	stream.indirect.scatter.add.f32 [tilespmem:s13], [sflag:$0xD], $0x1, s17, s15, $0xb8;
	[tilespmem:$0x1D3C0] =	vst v63  }
0x280: {  	s21 =	simm.s32 $0x1B780;
	s22 =	simm.s32 $0x1AC80  }
0x281: {  	[spmem:s2] =	stream.indirect.scatter.add.f32 [tilespmem:s22], [sflag:$0xE], $0x1, s21, s15, $0xb8;
	[tilespmem:$0x1D3C0] =	vst v63  }
0x282: {  	s23 =	simm.s32 $0x1B800;
	s25 =	simm.s32 $0x1AD80  }
0x283: {  	[spmem:s2] =	stream.indirect.scatter.add.f32 [tilespmem:s25], [sflag:$0xF], $0x1, s23, s15, $0xb8;
	[tilespmem:$0x1D3C0] =	vst v63  }
0x284: {  	s29 =	simm.s32 $0x1B880;
	s31 =	simm.s32 $0x1AE80  }
0x285: {  	[spmem:s2] =	stream.indirect.scatter.add.f32 [tilespmem:s31], [sflag:$0x10], $0x1, s29, s15, $0xb8;
	[tilespmem:$0x1D3C0] =	vst v63  }
0x286: {  	s6 =	simm.s32 $0x1AF80;
	s5 =	simm.s32 $0x1B900  }
0x287: {  	[spmem:s2] =	stream.indirect.scatter.add.f32 [tilespmem:s6], [sflag:$0x11], $0x1, s5, s15, $0xb8;
	[tilespmem:$0x1D3C0] =	vst v63  }
0x288: {  	s7 =	simm.s32 $0x1B980;
	s12 =	simm.s32 $0x1B080;
	s25 =	rddreg [dreg:$0x14]  }
0x289: {  	[spmem:s2] =	stream.indirect.scatter.add.f32 [tilespmem:s12], [sflag:$0x12], $0x1, s7, s15, $0xb8;
	[tilespmem:$0x1D3C0] =	vst v63  }
0x28a: {  	s13 =	simm.s32 $0x1BA00;
	s21 =	simm.s32 $0x1B180;
	s1 =	sadd.s32 s20, s25  }
0x28b: {  	[spmem:s2] =	stream.indirect.scatter.add.f32 [tilespmem:s21], [sflag:$0x13], $0x1, s13, s15, $0xb8;
	[tilespmem:$0x1D3C0] =	vst v63  }
0x28c: {  	s22 =	simm.s32 $0x1BA80;
	s23 =	simm.s32 $0x1B280;
	s1 =	sshrl.u32 s1, $0x3  }
0x28d: {  	[spmem:s2] =	stream.indirect.scatter.add.f32 [tilespmem:s23], [sflag:$0x14], $0x1, s22, s15, $0xb8;
	[tilespmem:$0x1D3C0] =	vst v63  }
0x28e: {  	s29 =	simm.s32 $0x18B80;
	s4 =	sadd.s32 s8, s1  }
0x28f: {  	[tilespmem:s29], [sflag:$0x2] =	stream.linear.gather [hbm4b:s4+s3], $0x80, $0x38;
	[tilespmem:$0x1D3C0] =	vst v63  }
0x290: {  	s31 =	sadd.s32 $0x10, s4;
	s6 =	simm.s32 $0x18C80  }
0x291: {  	[tilespmem:s6], [sflag:$0x2] =	stream.linear.gather [hbm4b:s31+s3], $0x80, $0x38;
	[tilespmem:$0x1D3C0] =	vst v63  }
0x292: {  	s7 =	simm.s32 $0x18D80;
	s6 =	sadd.s32 $0x20, s4  }
0x293: {  	[tilespmem:s7], [sflag:$0x2] =	stream.linear.gather [hbm4b:s6+s3], $0x80, $0x38;
	[tilespmem:$0x1D3C0] =	vst v63  }
0x294: {  	s12 =	sadd.s32 $0x30, s4;
	s13 =	simm.s32 $0x18E80  }
0x295: {  	[tilespmem:s13], [sflag:$0x2] =	stream.linear.gather [hbm4b:s12+s3], $0x80, $0x38;
	[tilespmem:$0x1D3C0] =	vst v63  }
0x296: {  	s20 =	sadd.s32 $0x40, s4;
	s21 =	simm.s32 $0x18F80  }
0x297: {  	[tilespmem:s21], [sflag:$0x2] =	stream.linear.gather [hbm4b:s20+s3], $0x80, $0x38;
	[tilespmem:$0x1D3C0] =	vst v63  }
0x298: {  	s22 =	sadd.s32 $0x50, s4;
	s23 =	simm.s32 $0x19080  }
0x299: {  	[tilespmem:s23], [sflag:$0x2] =	stream.linear.gather [hbm4b:s22+s3], $0x80, $0x38;
	[tilespmem:$0x1D3C0] =	vst v63  }
0x29a: {  	s25 =	sadd.s32 $0x60, s4;
	s29 =	simm.s32 $0x19180  }
0x29b: {  	[tilespmem:s29], [sflag:$0x2] =	stream.linear.gather [hbm4b:s25+s3], $0x80, $0x38;
	[tilespmem:$0x1D3C0] =	vst v63  }
0x29c: {  	s4 =	sadd.s32 $0x70, s4;
	s31 =	simm.s32 $0x19280  }
0x29d: {  	[tilespmem:s31], [sflag:$0x2] =	stream.linear.gather [hbm4b:s4+s3], $0x80, $0x38;
	[tilespmem:$0x1D3C0] =	vst v63  }
0x29e: {  	s6 =	simm.s32 $0x19380;
	s4 =	sadd.s32 s9, s1  }
0x29f: {  	[tilespmem:s6], [sflag:$0x2] =	stream.linear.gather [hbm4b:s4+s3], $0x80, $0x38;
	[tilespmem:$0x1D3C0] =	vst v63  }
0x2a0: {  	s12 =	simm.s32 $0x19480;
	s7 =	sadd.s32 $0x10, s4  }
0x2a1: {  	[tilespmem:s12], [sflag:$0x2] =	stream.linear.gather [hbm4b:s7+s3], $0x80, $0x38;
	[tilespmem:$0x1D3C0] =	vst v63  }
0x2a2: {  	s20 =	simm.s32 $0x19580;
	s13 =	sadd.s32 $0x20, s4  }
0x2a3: {  	[tilespmem:s20], [sflag:$0x2] =	stream.linear.gather [hbm4b:s13+s3], $0x80, $0x38;
	[tilespmem:$0x1D3C0] =	vst v63  }
0x2a4: {  	s22 =	simm.s32 $0x19680;
	s21 =	sadd.s32 $0x30, s4  }
0x2a5: {  	[tilespmem:s22], [sflag:$0x2] =	stream.linear.gather [hbm4b:s21+s3], $0x80, $0x38;
	[tilespmem:$0x1D3C0] =	vst v63  }
0x2a6: {  	s25 =	simm.s32 $0x19780;
	s23 =	sadd.s32 $0x40, s4  }
0x2a7: {  	[tilespmem:s25], [sflag:$0x2] =	stream.linear.gather [hbm4b:s23+s3], $0x80, $0x38;
	[tilespmem:$0x1D3C0] =	vst v63  }
0x2a8: {  	s31 =	simm.s32 $0x19880;
	s29 =	sadd.s32 $0x50, s4  }
0x2a9: {  	[tilespmem:s31], [sflag:$0x2] =	stream.linear.gather [hbm4b:s29+s3], $0x80, $0x38;
	[tilespmem:$0x1D3C0] =	vst v63  }
0x2aa: {  	s7 =	sadd.s32 $0x60, s4;
	s12 =	simm.s32 $0x19980  }
0x2ab: {  	[tilespmem:s12], [sflag:$0x2] =	stream.linear.gather [hbm4b:s7+s3], $0x80, $0x38;
	[tilespmem:$0x1D3C0] =	vst v63  }
0x2ac: {  	s4 =	sadd.s32 $0x70, s4;
	s13 =	simm.s32 $0x19A80  }
0x2ad: {  	[tilespmem:s13], [sflag:$0x2] =	stream.linear.gather [hbm4b:s4+s3], $0x80, $0x38;
	[tilespmem:$0x1D3C0] =	vst v63  }
0x2ae: {  	s20 =	simm.s32 $0x19B80;
	s4 =	sadd.s32 s10, s1  }
0x2af: {  	[tilespmem:s20], [sflag:$0x2] =	stream.linear.gather [hbm4b:s4+s3], $0x80, $0x38;
	[tilespmem:$0x1D3C0] =	vst v63  }
0x2b0: {  	s22 =	simm.s32 $0x19C80;
	s21 =	sadd.s32 $0x10, s4  }
0x2b1: {  	[tilespmem:s22], [sflag:$0x2] =	stream.linear.gather [hbm4b:s21+s3], $0x80, $0x38;
	[tilespmem:$0x1D3C0] =	vst v63  }
0x2b2: {  	s25 =	simm.s32 $0x19D80;
	s23 =	sadd.s32 $0x20, s4  }
0x2b3: {  	[tilespmem:s25], [sflag:$0x2] =	stream.linear.gather [hbm4b:s23+s3], $0x80, $0x38;
	[tilespmem:$0x1D3C0] =	vst v63  }
0x2b4: {  	s31 =	simm.s32 $0x19E80;
	s29 =	sadd.s32 $0x30, s4  }
0x2b5: {  	[tilespmem:s31], [sflag:$0x2] =	stream.linear.gather [hbm4b:s29+s3], $0x80, $0x38;
	[tilespmem:$0x1D3C0] =	vst v63  }
0x2b6: {  	s12 =	simm.s32 $0x19F80;
	s7 =	sadd.s32 $0x40, s4  }
0x2b7: {  	[tilespmem:s12], [sflag:$0x2] =	stream.linear.gather [hbm4b:s7+s3], $0x80, $0x38;
	[tilespmem:$0x1D3C0] =	vst v63  }
0x2b8: {  	s13 =	sadd.s32 $0x50, s4;
	s20 =	simm.s32 $0x1A080  }
0x2b9: {  	[tilespmem:s20], [sflag:$0x2] =	stream.linear.gather [hbm4b:s13+s3], $0x80, $0x38;
	[tilespmem:$0x1D3C0] =	vst v63  }
0x2ba: {  	s21 =	sadd.s32 $0x60, s4;
	s22 =	simm.s32 $0x1A180  }
0x2bb: {  	[tilespmem:s22], [sflag:$0x2] =	stream.linear.gather [hbm4b:s21+s3], $0x80, $0x38;
	[tilespmem:$0x1D3C0] =	vst v63  }
0x2bc: {  	s4 =	sadd.s32 $0x70, s4;
	s23 =	simm.s32 $0x1A280  }
0x2bd: {  	[tilespmem:s23], [sflag:$0x2] =	stream.linear.gather [hbm4b:s4+s3], $0x80, $0x38;
	[tilespmem:$0x1D3C0] =	vst v63  }
0x2be: {  	s1 =	sadd.s32 s11, s1;
	s25 =	simm.s32 $0x1A380  }
0x2bf: {  	[tilespmem:s25], [sflag:$0x2] =	stream.linear.gather [hbm4b:s1+s3], $0x80, $0x38;
	[tilespmem:$0x1D3C0] =	vst v63  }
0x2c0: {  	s29 =	sadd.s32 $0x10, s1;
	s31 =	simm.s32 $0x1A480  }
0x2c1: {  	[tilespmem:s31], [sflag:$0x2] =	stream.linear.gather [hbm4b:s29+s3], $0x80, $0x38;
	[tilespmem:$0x1D3C0] =	vst v63  }
0x2c2: {  	s6 =	sadd.s32 $0x20, s1;
	s7 =	simm.s32 $0x1A580  }
0x2c3: {  	[tilespmem:s7], [sflag:$0x2] =	stream.linear.gather [hbm4b:s6+s3], $0x80, $0x38;
	[tilespmem:$0x1D3C0] =	vst v63  }
0x2c4: {  	s12 =	sadd.s32 $0x30, s1;
	s13 =	simm.s32 $0x1A680  }
0x2c5: {  	[tilespmem:s13], [sflag:$0x2] =	stream.linear.gather [hbm4b:s12+s3], $0x80, $0x38;
	[tilespmem:$0x1D3C0] =	vst v63  }
0x2c6: {  	s19 =	sadd.s32 $0x1, s19;
	s20 =	sadd.s32 $0x40, s1;
	s21 =	simm.s32 $0x1A780  }
0x2c7: {  	[tilespmem:s21], [sflag:$0x2] =	stream.linear.gather [hbm4b:s20+s3], $0x80, $0x38;
	[tilespmem:$0x1D3C0] =	vst v63  }
0x2c8: {  	p0 =	sne.s32 s19, $0x19;
	s22 =	sadd.s32 $0x50, s1;
	s23 =	simm.s32 $0x1A880  }
0x2c9: {  	[tilespmem:s23], [sflag:$0x2] =	stream.linear.gather [hbm4b:s22+s3], $0x80, $0x38;
	[tilespmem:$0x1D3C0] =	vst v63  }
.Ltmp2:
0x2ca: {  	_ = 	snop;
	(pc) =	sbr.rel @p0 .LBB2_2-.Ltmp2, $4  }
0x2cb: {  	s25 =	sadd.s32 $0x60, s1;
	s29 =	simm.s32 $0x1A980  }
0x2cc: {  	[tilespmem:s29], [sflag:$0x2] =	stream.linear.gather [hbm4b:s25+s3], $0x80, $0x38;
	[tilespmem:$0x1D3C0] =	vst v63  }
0x2cd: {  	s1 =	sadd.s32 $0x70, s1;
	s31 =	simm.s32 $0x1AA80  }
0x2ce: {  	[tilespmem:s31], [sflag:$0x2] =	stream.linear.gather [hbm4b:s1+s3], $0x80, $0x38;
	[tilespmem:$0x1D3C0] =	vst v63  }
0x2cf: {  	s1 =	simm.s32 $0x5  }
0x2d0: {  	_ =	swait.ge [sflag:s1], $0x80  }
0x2d1: {  	[sflag:s1] =	ssyncset.done $0x0  }
0x2d2: {  	s25 =	simm.s32 $0x6;
	[sflag:s1] =	ssyncadd.s32 $0xFFFFFF80  }
0x2d3: {  	_ =	swait.ge [sflag:s25], $0x80  }
0x2d4: {  	[sflag:s25] =	ssyncset.done $0x0  }
0x2d5: {  	s29 =	simm.s32 $0x7;
	[sflag:s25] =	ssyncadd.s32 $0xFFFFFF80  }
0x2d6: {  	_ =	swait.ge [sflag:s29], $0x80  }
0x2d7: {  	[sflag:s29] =	ssyncset.done $0x0  }
0x2d8: {  	s31 =	simm.s32 $0x8;
	[sflag:s29] =	ssyncadd.s32 $0xFFFFFF80  }
0x2d9: {  	_ =	swait.ge [sflag:s31], $0x80  }
0x2da: {  	[sflag:s31] =	ssyncset.done $0x0  }
0x2db: {  	s4 =	simm.s32 $0x9;
	[sflag:s31] =	ssyncadd.s32 $0xFFFFFF80  }
0x2dc: {  	_ =	swait.ge [sflag:s4], $0x80  }
0x2dd: {  	[sflag:s4] =	ssyncset.done $0x0  }
0x2de: {  	s5 =	simm.s32 $0xA;
	[sflag:s4] =	ssyncadd.s32 $0xFFFFFF80  }
0x2df: {  	_ =	swait.ge [sflag:s5], $0x80  }
0x2e0: {  	[sflag:s5] =	ssyncset.done $0x0  }
0x2e1: {  	s6 =	simm.s32 $0xB;
	[sflag:s5] =	ssyncadd.s32 $0xFFFFFF80  }
0x2e2: {  	_ =	swait.ge [sflag:s6], $0x80  }
0x2e3: {  	[sflag:s6] =	ssyncset.done $0x0  }
0x2e4: {  	s7 =	simm.s32 $0xC;
	[sflag:s6] =	ssyncadd.s32 $0xFFFFFF80  }
0x2e5: {  	_ =	swait.ge [sflag:s7], $0x80  }
0x2e6: {  	[sflag:s7] =	ssyncset.done $0x0  }
0x2e7: {  	s12 =	simm.s32 $0xD;
	[sflag:s7] =	ssyncadd.s32 $0xFFFFFF80  }
0x2e8: {  	_ =	swait.ge [sflag:s12], $0x80  }
0x2e9: {  	[sflag:s12] =	ssyncset.done $0x0  }
0x2ea: {  	s13 =	simm.s32 $0xE;
	[sflag:s12] =	ssyncadd.s32 $0xFFFFFF80  }
0x2eb: {  	_ =	swait.ge [sflag:s13], $0x80  }
0x2ec: {  	[sflag:s13] =	ssyncset.done $0x0  }
0x2ed: {  	s19 =	simm.s32 $0xF;
	[sflag:s13] =	ssyncadd.s32 $0xFFFFFF80  }
0x2ee: {  	_ =	swait.ge [sflag:s19], $0x80  }
0x2ef: {  	[sflag:s19] =	ssyncset.done $0x0  }
0x2f0: {  	s20 =	simm.s32 $0x10;
	[sflag:s19] =	ssyncadd.s32 $0xFFFFFF80  }
0x2f1: {  	_ =	swait.ge [sflag:s20], $0x80  }
0x2f2: {  	[sflag:s20] =	ssyncset.done $0x0  }
0x2f3: {  	s21 =	simm.s32 $0x11;
	[sflag:s20] =	ssyncadd.s32 $0xFFFFFF80  }
0x2f4: {  	_ =	swait.ge [sflag:s21], $0x80  }
0x2f5: {  	[sflag:s21] =	ssyncset.done $0x0  }
0x2f6: {  	s22 =	simm.s32 $0x12;
	[sflag:s21] =	ssyncadd.s32 $0xFFFFFF80  }
0x2f7: {  	_ =	swait.ge [sflag:s22], $0x80  }
0x2f8: {  	[sflag:s22] =	ssyncset.done $0x0  }
0x2f9: {  	s23 =	simm.s32 $0x13;
	[sflag:s22] =	ssyncadd.s32 $0xFFFFFF80  }
0x2fa: {  	_ =	swait.ge [sflag:s23], $0x80  }
0x2fb: {  	[sflag:s23] =	ssyncset.done $0x0  }
0x2fc: {  	s25 =	simm.s32 $0x14;
	[sflag:s23] =	ssyncadd.s32 $0xFFFFFF80  }
0x2fd: {  	_ =	swait.ge [sflag:s25], $0x80  }
0x2fe: {  	[sflag:s25] =	ssyncset.done $0x0  }
0x2ff: {  	[sflag:s25] =	ssyncadd.s32 $0xFFFFFF80  }
0x300: {  	_ =	swait.ge [sflag:s24], $0x400  }
0x301: {  	[sflag:s24] =	ssyncset.done $0x0  }
0x302: {  	[sflag:s24] =	ssyncadd.s32 $0xFFFFFC00  }
0x303: {  	_ =	swait.ge [sflag:s24], $0x400  }
0x304: {  	[sflag:s24] =	ssyncset.done $0x0  }
0x305: {  	[sflag:s24] =	ssyncadd.s32 $0xFFFFFC00  }
0x306: {  	_ =	swait.ge [sflag:s24], $0x400  }
0x307: {  	[sflag:s24] =	ssyncset.done $0x0  }
0x308: {  	[sflag:s24] =	ssyncadd.s32 $0xFFFFFC00  }
0x309: {  	_ =	swait.ge [sflag:s24], $0x400  }
0x30a: {  	[sflag:s24] =	ssyncset.done $0x0  }
0x30b: {  	[sflag:s24] =	ssyncadd.s32 $0xFFFFFC00  }
0x30c: {  	_ =	swait.ge [sflag:s16], $0x400  }
0x30d: {  	[sflag:s16] =	ssyncset.done $0x0  }
0x30e: {  	[sflag:s16] =	ssyncadd.s32 $0xFFFFFC00  }
0x30f: {  	_ =	swait.ge [sflag:s16], $0x400  }
0x310: {  	[sflag:s16] =	ssyncset.done $0x0  }
0x311: {  	[sflag:s16] =	ssyncadd.s32 $0xFFFFFC00  }
0x312: {  	_ =	swait.ge [sflag:s16], $0x400  }
0x313: {  	[sflag:s16] =	ssyncset.done $0x0  }
0x314: {  	[sflag:s16] =	ssyncadd.s32 $0xFFFFFC00  }
0x315: {  	_ =	swait.ge [sflag:s16], $0x400  }
0x316: {  	[sflag:s16] =	ssyncset.done $0x0  }
0x317: {  	[sflag:s16] =	ssyncadd.s32 $0xFFFFFC00  }
0x318: {  	[bflag:$0x0] =	sbarrier.arrive $0xFFFF  }
0x319: {  	s4 =	simm.s32 $0x15;
	s6 =	simm.s32 $0x1BB00;
	s13 =	rddreg [dreg:$0x7]  }
0x31a: {  	[tilespmem:s6], [sflag:$0x15] =	stream.linear.gather [spmem:s13], $0xC40, $0x38;
	[tilespmem:$0x1D3C0] =	vst v63  }
0x31b: {  	_ =	swait.ge [sflag:s4], $0xC40  }
0x31c: {  	[sflag:s4] =	ssyncset.done $0x0  }
0x31d: {  	s29 =	rddreg [dreg:$0x10];
	[sflag:s4] =	ssyncadd.s32 $0xFFFFF3C0  }
0x31e: {  	[hbm4b:s29+s3] =	stream.linear.scatter [tilespmem:s6], [sflag:$0x15], $0xC40, $0x38;
	[tilespmem:$0x1D3C0] =	vst v63  }
0x31f: {  	_ =	swait.ge [sflag:s4], $0xC40  }
0x320: {  	s5 =	rddreg [dreg:$0x15]  }
0x321: {  	s31 =	rddreg [dreg:$0x11];
	s5 =	sadd.s32 $0x1, s5  }
0x322: {  	p0 =	sne.s32 s5, s31  }
.Ltmp3:
0x323: {  	_ = 	snop;
	(pc) =	sbr.rel @p0 .LBB2_1-.Ltmp3, $3  }
0x324: {  	_ =	sdelay $0x1  }
0x325: {  	[sflag:s4] =	ssyncset.done $0x0  }
0x326: {  	[sflag:s4] =	ssyncadd.s32 $0xFFFFF3C0  }
0x327: {  	_ =	sfence.sel $0x180000  }
0x328: {  	[bflag:$0x0] =	sbarrier.arrive $0xFFFF  }
0x329: {  	_ =	strace $0x90000047  }
0x32a: {  	s0 =	stileid.u32;
	[bflag:$0x2] =	sbarrier.arrive $0xFFFF  }
0x32b: {  	p0 =	sne.s32 s0, $0x0;
	s0 =	rddreg [dreg:$0x3]  }
0x32c: {  	s0 =	sadd.s32 @!p0 $0x100000, s0  }
0x32d: {  	[sflag:s0] =	ssyncadd.tile.s32 @!p0 $0x1;
	_ =	shalt  }
.Lfunc_end2:
_tile_overlayer_lowered:
.L_overlay_start_2:
0x32e: {  	(tag) =	ssettag $0x2  }
0x32f: {  	s0 =	rddreg [dreg:$0x0];
	s2 =	stileid.u32  }
0x330: {  	s1 =	rddreg [dreg:$0x1];
	p0 =	sne.s32 s2, $0x0  }
0x331: {  	s3 =	rddreg [dreg:$0x2];
	[bflag:$0x3] =	sbarrier.arrive $0xFFFF;
	s2 =	simm.s32 @!p0 $0x1C15  }
0x332: {  	[timem:s3], [sflag:s2] =	dma.local @!p0 [hbm:s0], s1  }
0x333: {  	s0 =	simm.s32 @!p0 $0x15  }
0x334: {  	_ =	swait.ge @!p0 [sflag:s0], s1  }
0x335: {  	s1 =	ssub.s32 @!p0 $0x0, s1;
	[sflag:s0] =	ssyncset.done @!p0 $0x0  }
0x336: {  	[sflag:s0] =	ssyncadd.s32 @!p0 s1  }
0x337: {  	[bflag:$0x3] =	sbarrier.arrive $0xFFFF  }
0x338: {  	_ =	shalt  }

</sc_bundles>
